<compile_context>
chip_gen: v7x
topology: tpu7x:2x2x1
jax: 0.10.2.dev20260603
libtpu: 0.0.44.dev20260713+nightly
codegen_flags: <defaults>
</compile_context>

<pallas_src>
import functools

import jax
import jax.numpy as jnp
from jax import lax
from jax.experimental import pallas as pl
from jax.experimental.pallas import tpu as pltpu
from jax.experimental.pallas import tpu_sc as plsc

_TEMP = 0.07
_NCLS = 1000
_Q = 1024
_N = 100000
_D = 1024
_BQ = 1024
_BN = 1024
_NBLK = 98
_NPAD = _NBLK * _BN
_NSC = _NPAD // 128
_NW = 32
_ROWS_PER_W = _Q // _NW
_NCAND = 512
_TCAP = 1024
_BINS = 256
_HP = 257
_NEG = -3.0e38
_CLSP = 1024
_LP = 4 * _CLSP + 1


def _simmat_kernel(x_ref, t_ref, s_ref):
    j = pl.program_id(1)
    s = lax.dot_general(
        x_ref[...], t_ref[...], (((1,), (1,)), ((), ())),
        preferred_element_type=jnp.float32,
        precision=lax.Precision.DEFAULT)
    col = j * _BN + lax.broadcasted_iota(jnp.int32, (_BQ, _BN), 1)
    s_ref[...] = jnp.where(col < _N, s, _NEG).reshape(_BQ, _BN // 128, 128)


def _similarity(features_rank, train_features):
    return pl.pallas_call(
        _simmat_kernel,
        grid=(_Q // _BQ, _NBLK),
        in_specs=[pl.BlockSpec((_BQ, _D), lambda i, j: (i, 0)),
                  pl.BlockSpec((_BN, _D), lambda i, j: (j, 0))],
        out_specs=pl.BlockSpec((_BQ, _BN // 128, 128),
                               lambda i, j: (i, j, 0)),
        out_shape=jax.ShapeDtypeStruct((_Q, _NSC, 128), jnp.float32),
    )(features_rank, train_features)


_CMQ = 32


def _chunkmax128_kernel(s_ref, cm_ref):
    cm_ref[...] = jnp.max(s_ref[...], axis=2)


def _chunkmax128(sims):
    return pl.pallas_call(
        _chunkmax128_kernel,
        grid=(_Q // _CMQ,),
        in_specs=[pl.BlockSpec((_CMQ, _NSC, 128), lambda i: (i, 0, 0))],
        out_specs=pl.BlockSpec((_CMQ, _NSC), lambda i: (i, 0)),
        out_shape=jax.ShapeDtypeStruct((_Q, _NSC), jnp.float32),
    )(sims)


def _sc_vote(sims4, cm, labels4):
    mesh = plsc.VectorSubcoreMesh(core_axis_name="c", subcore_axis_name="s")
    out_t = [jax.ShapeDtypeStruct((_Q, _CLSP), jnp.float32)] * 4
    scratch = [
        pltpu.VMEM((_NSC,), jnp.float32),
        pltpu.VMEM((16 * _HP + 16,), jnp.int32),
        pltpu.VMEM((4, 128), jnp.int32),
        pltpu.VMEM((4, 128), jnp.int32),
        pltpu.VMEM((128, 128), jnp.float32),
        pltpu.VMEM((128, 128), jnp.int32),
        pltpu.VMEM((_TCAP + 16,), jnp.float32),
        pltpu.VMEM((_TCAP + 16,), jnp.int32),
        pltpu.VMEM((16 * _LP + 16,), jnp.float32),
        pltpu.VMEM((4 * _CLSP,), jnp.float32),
        pltpu.SemaphoreType.DMA,
    ]

    @functools.partial(pl.kernel, mesh=mesh, out_type=out_t,
                       scratch_types=scratch,
                       compiler_params=pltpu.CompilerParams(
                           needs_layout_passes=False))
    def body(sims_ref, cm_ref, lbl_ref, o10, o20, o100, o200,
             cmrow, hist, cidx, lidx, cs, cl, tval, tlbl, outsub, outrow,
             sem):
        wid = lax.axis_index("s") * 2 + lax.axis_index("c")
        lane = lax.broadcasted_iota(jnp.int32, (16,), 0)
        zf = jnp.zeros((16,), jnp.float32)
        zi = jnp.zeros((16,), jnp.int32)
        ones_i = jnp.ones((16,), jnp.int32)

        def z_outsub(i, c):
            outsub[pl.ds(i * 16, 16)] = zf
            return c
        lax.fori_loop(0, (16 * _LP + 16) // 16, z_outsub, 0)

        def z_idx(i, c):
            cidx[i // 8, pl.ds((i % 8) * 16, 16)] = zi
            lidx[i // 8, pl.ds((i % 8) * 16, 16)] = zi
            return c
        lax.fori_loop(0, 32, z_idx, 0)

        def z_hist(i, c):
            hist[pl.ds(i * 16, 16)] = zi
            return c

        def recip16(v):
            r = plsc.bitcast(
                (zi + 0x7EB53567) - plsc.bitcast(v, jnp.int32),
                jnp.float32)
            for _ in range(3):
                r = r * (2.0 - v * r)
            return r

        def merge200(t, carry):
            total, bsel = carry
            g = 15 - t
            s = hist[pl.ds(g * 16, 16)]
            for l in range(1, 16):
                s = s + hist[pl.ds(l * _HP + g * 16, 16)]
            cr = lax.rev(jnp.cumsum(lax.rev(s, (0,)), axis=0), (0,)) + total
            cand = jnp.where(cr >= 200, lane + g * 16, -1)
            return jnp.max(cr), jnp.maximum(bsel, jnp.max(cand))

        def row_body(r, _unused):
            q = wid * _ROWS_PER_W + r
            pltpu.sync_copy(cm_ref.at[q], cmrow)
            lax.fori_loop(0, (16 * _HP + 15) // 16, z_hist, 0)

            def rng(i, c):
                mxv, mnv = c
                v = cmrow[pl.ds(i * 16, 16)]
                return (jnp.maximum(mxv, v),
                        jnp.minimum(mnv, jnp.where(v > -2.0, v, 2.0)))
            mxv, mnv = lax.fori_loop(
                0, _NSC // 16, rng,
                (jnp.full((16,), _NEG, jnp.float32),
                 jnp.full((16,), 2.0, jnp.float32)))
            mx = jnp.max(mxv)
            mn = jnp.min(mnv)
            binw1 = jnp.maximum(mx - mn, 1e-20) * (1.0 / _BINS)
            scale1 = recip16(zf + binw1)

            def s1(i, c):
                v = cmrow[pl.ds(i * 16, 16)]
                b = jnp.clip((v - mn) * scale1,
                             0.0, _BINS - 1.0).astype(jnp.int32)
                plsc.addupdate_scatter(hist, [lane * _HP + b], ones_i)
                return c
            lax.fori_loop(0, _NSC // 16, s1, 0)

            _, b200 = lax.fori_loop(0, 16, merge200,
                                    (jnp.int32(0), jnp.int32(-1)))
            tau = mn + (b200.astype(jnp.float32) - 0.01) * binw1
            tauv = zf + tau

            def c1(i, posv):
                v = cmrow[pl.ds(i * 16, 16)]
                m = v >= tauv
                pvec = posv + jnp.cumsum(m.astype(jnp.int32), axis=0) - 1
                m = jnp.logical_and(m, pvec < _NCAND)
                plsc.store_scatter(cidx, [pvec // 128, pvec % 128],
                                   q * _NSC + i * 16 + lane, mask=m)
                plsc.store_scatter(lidx, [pvec // 128, pvec % 128],
                                   i * 16 + lane, mask=m)
                return posv + plsc.all_reduce_population_count(m)
            posv = lax.fori_loop(0, _NSC // 16, c1, zi)
            pos = jnp.max(posv)
            nw = (pos + 127) // 128

            def z_t(i, c):
                tval[pl.ds(i * 16, 16)] = zf - 2.0
                return c
            lax.fori_loop(0, (_TCAP + 16) // 16, z_t, 0)
            edge_t = tau
            ev = tauv

            def wave_b(g, tpos):
                cpy_s = pltpu.async_copy(sims_ref.at[cidx.at[g]], cs, sem)
                cpy_l = pltpu.async_copy(lbl_ref.at[lidx.at[g]], cl, sem)
                cpy_s.wait()
                cpy_l.wait()
                nv = jnp.minimum(pos - g * 128, 128)

                def c2(v, pv):
                    for e in range(8):
                        x = cs[v, pl.ds(e * 16, 16)]
                        lb = cl[v, pl.ds(e * 16, 16)]
                        m = x >= ev
                        pvec = pv + jnp.cumsum(m.astype(jnp.int32),
                                               axis=0) - 1
                        m = jnp.logical_and(m, pvec < _TCAP)
                        plsc.store_scatter(tval, [pvec], x, mask=m)
                        plsc.store_scatter(tlbl, [pvec], lb, mask=m)
                        pv = pv + plsc.all_reduce_population_count(m)
                    return pv
                return lax.fori_loop(0, nv, c2, tpos)
            tposv = lax.fori_loop(0, nw, wave_b, zi)
            tpos = jnp.max(tposv)
            nt = (tpos + 15) // 16

            def count_ge(t):
                tv = zf + t

                def cb(v, c):
                    x = tval[pl.ds(v * 16, 16)]
                    return c + (x >= tv).astype(jnp.int32)
                return jnp.sum(lax.fori_loop(0, nt, cb, zi))

            def bisect(k):
                def it(_, lh):
                    lo, hi = lh
                    mid = 0.5 * (lo + hi)
                    big = count_ge(mid) >= k
                    return (jnp.where(big, mid, lo),
                            jnp.where(big, hi, mid))
                lo, _hi = lax.fori_loop(0, 30, it, (edge_t, mx + 1e-3))
                return lo
            t10 = bisect(10)
            t20 = bisect(20)
            t100 = bisect(100)
            t200 = bisect(200)
            t10v = zf + t10
            t20v = zf + t20
            t100v = zf + t100
            t200v = zf + t200
            itmp = 1.0 / _TEMP

            def zacc(v, z):
                x = tval[pl.ds(v * 16, 16)]
                return z + jnp.where(x >= t200v,
                                     jnp.exp((x - mx) * itmp), 0.0)
            zvec = lax.fori_loop(0, nt, zacc, zf)
            zinvv = recip16(zf + jnp.sum(zvec))

            def band_addr(x, lb):
                bidx = 3 - ((x >= t10v).astype(jnp.int32)
                            + (x >= t20v).astype(jnp.int32)
                            + (x >= t100v).astype(jnp.int32))
                return lane * _LP + bidx * _CLSP + lb

            def vote(v, c):
                x = tval[pl.ds(v * 16, 16)]
                lb = tlbl[pl.ds(v * 16, 16)]
                sel = x >= t200v
                w = jnp.exp((x - mx) * itmp) * zinvv
                plsc.addupdate_scatter(outsub, [band_addr(x, lb)], w,
                                       mask=sel)
                return c
            lax.fori_loop(0, nt, vote, 0)

            def mo(u, c):
                acc = zf
                for bb in range(4):
                    s = outsub[pl.ds(bb * _CLSP + u * 16, 16)]
                    for l in range(1, 16):
                        s = s + outsub[pl.ds(l * _LP
                                             + bb * _CLSP + u * 16, 16)]
                    acc = acc + s
                    outrow[pl.ds(bb * _CLSP + u * 16, 16)] = acc
                return c
            lax.fori_loop(0, _CLSP // 16, mo, 0)

            def unvote(v, c):
                x = tval[pl.ds(v * 16, 16)]
                lb = tlbl[pl.ds(v * 16, 16)]
                sel = x >= t200v
                plsc.store_scatter(outsub, [band_addr(x, lb)], zf,
                                   mask=sel)
                return c
            lax.fori_loop(0, nt, unvote, 0)

            co = [pltpu.async_copy(outrow.at[pl.ds(b * _CLSP, _CLSP)],
                                   dst.at[q], sem)
                  for b, dst in enumerate((o10, o20, o100, o200))]
            for c in co:
                c.wait()
            return _unused

        lax.fori_loop(0, _ROWS_PER_W, row_body, 0)

    return body(sims4, cm, labels4)


def kernel(features_rank, train_features, train_labels):
    sims = _similarity(features_rank, train_features)
    cm = _chunkmax128(sims)
    sims4 = sims.reshape(_Q * _NSC, 128)
    labels4 = jnp.pad(train_labels, (0, _NPAD - _N)).reshape(_NSC, 128)
    o10, o20, o100, o200 = _sc_vote(sims4, cm, labels4)
    return (o10[:, :_NCLS], o20[:, :_NCLS], o100[:, :_NCLS], o200[:, :_NCLS])

# --- scband reference (transcript-rebuilt; emitter-appended) ---
"""Pipeline reference for scband-eval-module-32615981646214 (READ-ONLY COPY).

The authoritative reference and input builder live on the scoring server;
editing this copy changes nothing except your own understanding.
"""

import jax, jax.numpy as jnp
import numpy as np

NB_KNN = (10, 20, 100, 200)
MAX_K = 200
TEMP = 0.07
NUM_CLASSES = 1000
Q = 1024
N_TRAIN = 100000
D = 1024


def setup_inputs(seed: int = 0) -> dict:
    key = jax.random.key(seed)
    k1, k2, k3 = jax.random.split(key, 3)
    features_rank = jax.random.normal(k1, (Q, D), dtype=jnp.float32)
    features_rank = features_rank / (jnp.linalg.norm(features_rank, axis=1, keepdims=True) + 1e-12)
    train_features = jax.random.normal(k2, (N_TRAIN, D), dtype=jnp.float32)
    train_features = train_features / (jnp.linalg.norm(train_features, axis=1, keepdims=True) + 1e-12)
    train_labels = jax.random.randint(k3, (N_TRAIN,), 0, NUM_CLASSES, dtype=jnp.int32)
    return {
        "features_rank": features_rank,
        "train_features": train_features,
        "train_labels": train_labels,
    }


def reference(features_rank, train_features, train_labels):
    # similarity: queries vs all train features (single-rank equivalent of
    # KnnModule.compute_neighbors: mm(broadcasted, train_features_rank_T))
    similarity = features_rank @ train_features.T  # [Q, N_TRAIN]
    # top-k sims and gather corresponding candidate labels
    topk_sims, indices = jax.lax.top_k(similarity, MAX_K)  # [Q, MAX_K]
    neighbors_labels = jnp.take(train_labels, indices)  # gather labels, [Q, MAX_K]
    # softmax over neighbors with temperature
    batch_size = neighbors_labels.shape[0]
    topk_sims_transform = jax.nn.softmax(topk_sims / TEMP, axis=1)
    # one-hot weighted vote
    one_hot = jax.nn.one_hot(neighbors_labels, NUM_CLASSES, dtype=topk_sims.dtype)  # [Q, MAX_K, C]
    matmul = one_hot * topk_sims_transform.reshape(batch_size, -1, 1)
    # probas for each k in nb_knn
    probas_for_k = tuple(jnp.sum(matmul[:, :k, :], axis=1) for k in NB_KNN)
    return probas_for_k

if __name__ == "__main__":
    import jax
    _d = setup_inputs()
    print(jax.jit(kernel)(*tuple(_d.values())))

</pallas_src>

<mosaic_0001>
#map = affine_map<(d0, d1) -> (0, 0)>
module attributes {stable_mosaic.version = 14 : i64} {
  func.func @body(%arg0: i32, %arg1: i32, %arg2: memref<802816x128xf32, #tpu.memory_space<hbm>>, %arg3: memref<1024x784xf32, #tpu.memory_space<hbm>>, %arg4: memref<784x128xi32, #tpu.memory_space<hbm>>, %arg5: memref<1024x1024xf32, #tpu.memory_space<hbm>>, %arg6: memref<1024x1024xf32, #tpu.memory_space<hbm>>, %arg7: memref<1024x1024xf32, #tpu.memory_space<hbm>>, %arg8: memref<1024x1024xf32, #tpu.memory_space<hbm>>, %arg9: memref<784xf32, #tpu.memory_space<vmem>>, %arg10: memref<4128xi32, #tpu.memory_space<vmem>>, %arg11: memref<4x128xi32, #tpu.memory_space<vmem>>, %arg12: memref<4x128xi32, #tpu.memory_space<vmem>>, %arg13: memref<128x128xf32, #tpu.memory_space<vmem>>, %arg14: memref<128x128xi32, #tpu.memory_space<vmem>>, %arg15: memref<1040xf32, #tpu.memory_space<vmem>>, %arg16: memref<1040xi32, #tpu.memory_space<vmem>>, %arg17: memref<65568xf32, #tpu.memory_space<vmem>>, %arg18: memref<4096xf32, #tpu.memory_space<vmem>>, %arg19: memref<!tpu.dma_semaphore, #tpu.memory_space<semaphore_mem>>) attributes {dimension_semantics = [#tpu.dimension_semantics<core_parallel>, #tpu.dimension_semantics<subcore_parallel>], iteration_bounds = array<i64: 2, 16>, scalar_prefetch = 0 : i64, scratch_operands = 11 : i64, tpu.core_type = #tpu.core_type<sc_vector_subcore>, window_params = [{transform_indices = #map}, {transform_indices = #map}, {transform_indices = #map}, {transform_indices = #map}, {transform_indices = #map}, {transform_indices = #map}, {transform_indices = #map}]} {
    %mul3A = arith.constant 2 : i32
    %mul3A_0 = arith.muli %arg1, %mul3A : i32
    %add3A = arith.addi %mul3A_0, %arg0 : i32
    %iota3A = tpu.iota {dimensions = array<i32: 0>} : vector<16xi32>
    %broadcast_in_dim3A = arith.constant 0.000000e+00 : f32
    %broadcast_in_dim3A_1 = vector.broadcast %broadcast_in_dim3A : f32 to vector<16xf32>
    %broadcast_in_dim3A_2 = arith.constant 0 : i32
    %broadcast_in_dim3A_3 = vector.broadcast %broadcast_in_dim3A_2 : i32 to vector<16xi32>
    %broadcast_in_dim3A_4 = arith.constant 1 : i32
    %broadcast_in_dim3A_5 = vector.broadcast %broadcast_in_dim3A_4 : i32 to vector<16xi32>
    %scan3A = arith.constant 0 : i32
    %scan3A_6 = arith.constant 0 : i32
    %scan3A_7 = arith.constant 4098 : i32
    %scan3A_8 = arith.addi %scan3A_6, %scan3A_7 : i32
    %scan3A_9 = arith.constant 1 : i32
    scf.for %scan3A_23 = %scan3A_6 to %scan3A_8 step %scan3A_9  : i32 {
      %mul3A_24 = arith.constant 16 : i32
      %mul3A_25 = arith.muli %scan3A_23, %mul3A_24 : i32
      %swap3A = arith.index_cast %mul3A_25 : i32 to index
      %swap3A_26 = tpu.vector_load %arg17[%swap3A] {strides = array<i32>} : memref<65568xf32, #tpu.memory_space<vmem>>, vector<16xf32>,
      tpu.vector_store %arg17[%swap3A], %broadcast_in_dim3A_1 {strides = array<i32>} : memref<65568xf32, #tpu.memory_space<vmem>>, vector<16xf32>,
    }
    %scan3A_10 = arith.constant 4098 : i32
    %scan3A_11 = arith.constant 0 : i32
    %scan3A_12 = arith.constant 0 : i32
    %scan3A_13 = arith.constant 32 : i32
    %scan3A_14 = arith.addi %scan3A_12, %scan3A_13 : i32
    %scan3A_15 = arith.constant 1 : i32
    scf.for %scan3A_23 = %scan3A_12 to %scan3A_14 step %scan3A_15  : i32 {
      %jit3A = arith.constant 8 : i32
      %div3A = arith.divsi %scan3A_23, %jit3A : i32
      %sign3A = arith.constant 0 : i32
      %sign3A_24 = arith.cmpi sgt, %scan3A_23, %sign3A : i32
      %sign3A_25 = arith.extui %sign3A_24 : i1 to i32
      %sign3A_26 = arith.constant 0 : i32
      %sign3A_27 = arith.cmpi slt, %scan3A_23, %sign3A_26 : i32
      %sign3A_28 = arith.extui %sign3A_27 : i1 to i32
      %sign3A_29 = arith.subi %sign3A_25, %sign3A_28 : i32
      %sign3A_30 = arith.constant 0 : i32
      %sign3A_31 = arith.cmpi sgt, %jit3A, %sign3A_30 : i32
      %sign3A_32 = arith.extui %sign3A_31 : i1 to i32
      %sign3A_33 = arith.constant 0 : i32
      %sign3A_34 = arith.cmpi slt, %jit3A, %sign3A_33 : i32
      %sign3A_35 = arith.extui %sign3A_34 : i1 to i32
      %sign3A_36 = arith.subi %sign3A_32, %sign3A_35 : i32
      %ne3A = arith.cmpi ne, %sign3A_29, %sign3A_36 : i32
      %rem3A = arith.remsi %scan3A_23, %jit3A : i32
      %ne3A_37 = arith.constant 0 : i32
      %ne3A_38 = arith.cmpi ne, %rem3A, %ne3A_37 : i32
      %and3A = arith.andi %ne3A, %ne3A_38 : i1
      %sub3A = arith.constant 1 : i32
      %sub3A_39 = arith.subi %div3A, %sub3A : i32
      %select_n3A = arith.select %and3A, %sub3A_39, %div3A : i32
      %jit3A_40 = arith.constant 8 : i32
      %eq3A = arith.constant 0 : i32
      %eq3A_41 = arith.cmpi eq, %jit3A_40, %eq3A : i32
      %jit3A_42 = arith.constant 1 : i32
      %select_n3A_43 = arith.select %eq3A_41, %jit3A_42, %jit3A_40 : i32
      %rem3A_44 = arith.remsi %scan3A_23, %select_n3A_43 : i32
      %ne3A_45 = arith.constant 0 : i32
      %ne3A_46 = arith.cmpi ne, %rem3A_44, %ne3A_45 : i32
      %lt3A = arith.constant 0 : i32
      %lt3A_47 = arith.cmpi slt, %rem3A_44, %lt3A : i32
      %lt3A_48 = arith.constant 0 : i32
      %lt3A_49 = arith.cmpi slt, %select_n3A_43, %lt3A_48 : i32
      %ne3A_50 = arith.xori %lt3A_47, %lt3A_49 : i1
      %and3A_51 = arith.andi %ne3A_50, %ne3A_46 : i1
      %add3A_52 = arith.addi %rem3A_44, %select_n3A_43 : i32
      %select_n3A_53 = arith.select %and3A_51, %add3A_52, %rem3A_44 : i32
      %mul3A_54 = arith.constant 16 : i32
      %mul3A_55 = arith.muli %select_n3A_53, %mul3A_54 : i32
      %swap3A = arith.index_cast %select_n3A : i32 to index
      %swap3A_56 = arith.index_cast %mul3A_55 : i32 to index
      %swap3A_57 = tpu.vector_load %arg11[%swap3A, %swap3A_56] {strides = array<i32>} : memref<4x128xi32, #tpu.memory_space<vmem>>, vector<16xi32>,
      tpu.vector_store %arg11[%swap3A, %swap3A_56], %broadcast_in_dim3A_3 {strides = array<i32>} : memref<4x128xi32, #tpu.memory_space<vmem>>, vector<16xi32>,
      %jit3A_58 = arith.constant 8 : i32
      %div3A_59 = arith.divsi %scan3A_23, %jit3A_58 : i32
      %sign3A_60 = arith.constant 0 : i32
      %sign3A_61 = arith.cmpi sgt, %scan3A_23, %sign3A_60 : i32
      %sign3A_62 = arith.extui %sign3A_61 : i1 to i32
      %sign3A_63 = arith.constant 0 : i32
      %sign3A_64 = arith.cmpi slt, %scan3A_23, %sign3A_63 : i32
      %sign3A_65 = arith.extui %sign3A_64 : i1 to i32
      %sign3A_66 = arith.subi %sign3A_62, %sign3A_65 : i32
      %sign3A_67 = arith.constant 0 : i32
      %sign3A_68 = arith.cmpi sgt, %jit3A_58, %sign3A_67 : i32
      %sign3A_69 = arith.extui %sign3A_68 : i1 to i32
      %sign3A_70 = arith.constant 0 : i32
      %sign3A_71 = arith.cmpi slt, %jit3A_58, %sign3A_70 : i32
      %sign3A_72 = arith.extui %sign3A_71 : i1 to i32
      %sign3A_73 = arith.subi %sign3A_69, %sign3A_72 : i32
      %ne3A_74 = arith.cmpi ne, %sign3A_66, %sign3A_73 : i32
      %rem3A_75 = arith.remsi %scan3A_23, %jit3A_58 : i32
      %ne3A_76 = arith.constant 0 : i32
      %ne3A_77 = arith.cmpi ne, %rem3A_75, %ne3A_76 : i32
      %and3A_78 = arith.andi %ne3A_74, %ne3A_77 : i1
      %sub3A_79 = arith.constant 1 : i32
      %sub3A_80 = arith.subi %div3A_59, %sub3A_79 : i32
      %select_n3A_81 = arith.select %and3A_78, %sub3A_80, %div3A_59 : i32
      %jit3A_82 = arith.constant 8 : i32
      %eq3A_83 = arith.constant 0 : i32
      %eq3A_84 = arith.cmpi eq, %jit3A_82, %eq3A_83 : i32
      %jit3A_85 = arith.constant 1 : i32
      %select_n3A_86 = arith.select %eq3A_84, %jit3A_85, %jit3A_82 : i32
      %rem3A_87 = arith.remsi %scan3A_23, %select_n3A_86 : i32
      %ne3A_88 = arith.constant 0 : i32
      %ne3A_89 = arith.cmpi ne, %rem3A_87, %ne3A_88 : i32
      %lt3A_90 = arith.constant 0 : i32
      %lt3A_91 = arith.cmpi slt, %rem3A_87, %lt3A_90 : i32
      %lt3A_92 = arith.constant 0 : i32
      %lt3A_93 = arith.cmpi slt, %select_n3A_86, %lt3A_92 : i32
      %ne3A_94 = arith.xori %lt3A_91, %lt3A_93 : i1
      %and3A_95 = arith.andi %ne3A_94, %ne3A_89 : i1
      %add3A_96 = arith.addi %rem3A_87, %select_n3A_86 : i32
      %select_n3A_97 = arith.select %and3A_95, %add3A_96, %rem3A_87 : i32
      %mul3A_98 = arith.constant 16 : i32
      %mul3A_99 = arith.muli %select_n3A_97, %mul3A_98 : i32
      %swap3A_100 = arith.index_cast %select_n3A_81 : i32 to index
      %swap3A_101 = arith.index_cast %mul3A_99 : i32 to index
      %swap3A_102 = tpu.vector_load %arg12[%swap3A_100, %swap3A_101] {strides = array<i32>} : memref<4x128xi32, #tpu.memory_space<vmem>>, vector<16xi32>,
      tpu.vector_store %arg12[%swap3A_100, %swap3A_101], %broadcast_in_dim3A_3 {strides = array<i32>} : memref<4x128xi32, #tpu.memory_space<vmem>>, vector<16xi32>,
    }
    %scan3A_16 = arith.constant 32 : i32
    %scan3A_17 = arith.constant 0 : i32
    %scan3A_18 = arith.constant 0 : i32
    %scan3A_19 = arith.constant 32 : i32
    %scan3A_20 = arith.addi %scan3A_18, %scan3A_19 : i32
    %scan3A_21 = arith.constant 1 : i32
    scf.for %scan3A_23 = %scan3A_18 to %scan3A_20 step %scan3A_21  : i32 {
      %mul3A_24 = arith.constant 32 : i32
      %mul3A_25 = arith.muli %add3A, %mul3A_24 : i32
      %add3A_26 = arith.addi %mul3A_25, %scan3A_23 : i32
      "tpu.region"() ({
        %run_scoped3A = tpu.sem_alloc : memref<!tpu.dma_semaphore, #tpu.memory_space<semaphore_mem>>
        %dma_start3A_358 = arith.constant 0 : i32
        %dma_start3A_359 = tpu.memref_slice %arg3[%add3A_26, %dma_start3A_358] : memref<1024x784xf32, #tpu.memory_space<hbm>> -> memref<1x784xf32, #tpu.memory_space<hbm>>
        %dma_start3A_360 = tpu.memref_squeeze %dma_start3A_359 : memref<1x784xf32, #tpu.memory_space<hbm>> -> memref<784xf32, #tpu.memory_space<hbm>>
        %dma_start3A_361 = arith.constant 0 : i32
        %dma_start3A_362 = tpu.memref_slice %arg3[%add3A_26, %dma_start3A_361] : memref<1024x784xf32, #tpu.memory_space<hbm>> -> memref<1x784xf32, #tpu.memory_space<hbm>>
        %dma_start3A_363 = tpu.memref_squeeze %dma_start3A_362 : memref<1x784xf32, #tpu.memory_space<hbm>> -> memref<784xf32, #tpu.memory_space<hbm>>
        tpu.enqueue_dma source(%dma_start3A_363 : memref<784xf32, #tpu.memory_space<hbm>>) target(%arg9 : memref<784xf32, #tpu.memory_space<vmem>>) target_semaphore(%run_scoped3A : memref<!tpu.dma_semaphore, #tpu.memory_space<semaphore_mem>>)
        %dma_wait3A_364 = arith.constant 0 : i32
        %dma_wait3A_365 = tpu.memref_slice %arg3[%add3A_26, %dma_wait3A_364] : memref<1024x784xf32, #tpu.memory_space<hbm>> -> memref<1x784xf32, #tpu.memory_space<hbm>>
        %dma_wait3A_366 = tpu.memref_squeeze %dma_wait3A_365 : memref<1x784xf32, #tpu.memory_space<hbm>> -> memref<784xf32, #tpu.memory_space<hbm>>
        %dma_wait3A_367 = arith.constant 0 : i32
        %dma_wait3A_368 = tpu.memref_slice %arg3[%add3A_26, %dma_wait3A_367] : memref<1024x784xf32, #tpu.memory_space<hbm>> -> memref<1x784xf32, #tpu.memory_space<hbm>>
        %dma_wait3A_369 = tpu.memref_squeeze %dma_wait3A_368 : memref<1x784xf32, #tpu.memory_space<hbm>> -> memref<784xf32, #tpu.memory_space<hbm>>
        tpu.wait_dma2 semaphore(%run_scoped3A : memref<!tpu.dma_semaphore, #tpu.memory_space<semaphore_mem>>) src(%dma_wait3A_369 : memref<784xf32, #tpu.memory_space<hbm>>) dst(%arg9 : memref<784xf32, #tpu.memory_space<vmem>>)
        tpu.yield
      }) : () -> ()
      %scan3A_27 = arith.constant 0 : i32
      %scan3A_28 = arith.constant 0 : i32
      %scan3A_29 = arith.constant 257 : i32
      %scan3A_30 = arith.addi %scan3A_28, %scan3A_29 : i32
      %scan3A_31 = arith.constant 1 : i32
      scf.for %scan3A_358 = %scan3A_28 to %scan3A_30 step %scan3A_31  : i32 {
        %mul3A_359 = arith.constant 16 : i32
        %mul3A_360 = arith.muli %scan3A_358, %mul3A_359 : i32
        %swap3A = arith.index_cast %mul3A_360 : i32 to index
        %swap3A_361 = tpu.vector_load %arg10[%swap3A] {strides = array<i32>} : memref<4128xi32, #tpu.memory_space<vmem>>, vector<16xi32>,
        tpu.vector_store %arg10[%swap3A], %broadcast_in_dim3A_3 {strides = array<i32>} : memref<4128xi32, #tpu.memory_space<vmem>>, vector<16xi32>,
      }
      %scan3A_32 = arith.constant 257 : i32
      %broadcast_in_dim3A_33 = arith.constant -3.000000e+38 : f32
      %broadcast_in_dim3A_34 = vector.broadcast %broadcast_in_dim3A_33 : f32 to vector<16xf32>
      %broadcast_in_dim3A_35 = arith.constant 2.000000e+00 : f32
      %broadcast_in_dim3A_36 = vector.broadcast %broadcast_in_dim3A_35 : f32 to vector<16xf32>
      %scan3A_37 = arith.constant 0 : i32
      %scan3A_38 = arith.constant 49 : i32
      %scan3A_39 = arith.addi %scan3A_37, %scan3A_38 : i32
      %scan3A_40 = arith.constant 1 : i32
      %scan3A_41:2 = scf.for %scan3A_358 = %scan3A_37 to %scan3A_39 step %scan3A_40 iter_args(%scan3A_359 = %broadcast_in_dim3A_34, %scan3A_360 = %broadcast_in_dim3A_36) -> (vector<16xf32>, vector<16xf32>)  : i32 {
        %mul3A_361 = arith.constant 16 : i32
        %mul3A_362 = arith.muli %scan3A_358, %mul3A_361 : i32
        %get3A = arith.index_cast %mul3A_362 : i32 to index
        %get3A_363 = tpu.vector_load %arg9[%get3A] {strides = array<i32>} : memref<784xf32, #tpu.memory_space<vmem>>, vector<16xf32>,
        %max3A_364 = arith.maximumf %scan3A_359, %get3A_363 : vector<16xf32>
        %gt3A = arith.constant -2.000000e+00 : f32
        %gt3A_365 = vector.broadcast %gt3A : f32 to vector<16xf32>
        %gt3A_366 = arith.cmpf ogt, %get3A_363, %gt3A_365 : vector<16xf32>
        %jit3A_367 = arith.constant 2.000000e+00 : f32
        %broadcast_in_dim3A_368 = vector.broadcast %jit3A_367 : f32 to vector<16xf32>
        %select_n3A_369 = arith.select %gt3A_366, %get3A_363, %broadcast_in_dim3A_368 : vector<16xi1>, vector<16xf32>
        %min3A = arith.minimumf %scan3A_360, %select_n3A_369 : vector<16xf32>
        scf.yield %max3A_364, %min3A : vector<16xf32>, vector<16xf32>
      }
      %scan3A_42 = arith.constant 49 : i32
      %reduce_max3A = arith.constant true
      %reduce_max3A_43 = vector.broadcast %reduce_max3A : i1 to vector<16xi1>
      %reduce_max3A_44 = tpu.scan <max>, %scan3A_41#0 masked %reduce_max3A_43 : vector<16xf32>, vector<16xi1> -> vector<16xf32>
      %reduce_max3A_45 = vector.extract %reduce_max3A_44[15] : f32 from vector<16xf32>
      %reduce_min3A = arith.constant true
      %reduce_min3A_46 = vector.broadcast %reduce_min3A : i1 to vector<16xi1>
      %reduce_min3A_47 = tpu.scan <min>, %scan3A_41#1 masked %reduce_min3A_46 : vector<16xf32>, vector<16xi1> -> vector<16xf32>
      %reduce_min3A_48 = vector.extract %reduce_min3A_47[15] : f32 from vector<16xf32>
      %sub3A = arith.subf %reduce_max3A_45, %reduce_min3A_48 : f32
      %max3A = arith.constant 9.99999968E-21 : f32
      %max3A_49 = arith.maximumf %sub3A, %max3A : f32
      %mul3A_50 = arith.constant 3.906250e-03 : f32
      %mul3A_51 = arith.mulf %max3A_49, %mul3A_50 : f32
      %add3A_52 = vector.broadcast %mul3A_51 : f32 to vector<16xf32>
      %add3A_53 = arith.addf %broadcast_in_dim3A_1, %add3A_52 : vector<16xf32>
      %add3A_54 = arith.constant 2125804903 : i32
      %add3A_55 = vector.broadcast %add3A_54 : i32 to vector<16xi32>
      %add3A_56 = arith.addi %broadcast_in_dim3A_3, %add3A_55 : vector<16xi32>
      %bitcast3A = vector.bitcast %add3A_53 : vector<16xf32> to vector<16xi32>
      %sub3A_57 = arith.subi %add3A_56, %bitcast3A : vector<16xi32>
      %bitcast3A_58 = vector.bitcast %sub3A_57 : vector<16xi32> to vector<16xf32>
      %mul3A_59 = arith.mulf %add3A_53, %bitcast3A_58 : vector<16xf32>
      %sub3A_60 = arith.constant 2.000000e+00 : f32
      %sub3A_61 = vector.broadcast %sub3A_60 : f32 to vector<16xf32>
      %sub3A_62 = arith.subf %sub3A_61, %mul3A_59 : vector<16xf32>
      %mul3A_63 = arith.mulf %bitcast3A_58, %sub3A_62 : vector<16xf32>
      %mul3A_64 = arith.mulf %add3A_53, %mul3A_63 : vector<16xf32>
      %sub3A_65 = arith.constant 2.000000e+00 : f32
      %sub3A_66 = vector.broadcast %sub3A_65 : f32 to vector<16xf32>
      %sub3A_67 = arith.subf %sub3A_66, %mul3A_64 : vector<16xf32>
      %mul3A_68 = arith.mulf %mul3A_63, %sub3A_67 : vector<16xf32>
      %mul3A_69 = arith.mulf %add3A_53, %mul3A_68 : vector<16xf32>
      %sub3A_70 = arith.constant 2.000000e+00 : f32
      %sub3A_71 = vector.broadcast %sub3A_70 : f32 to vector<16xf32>
      %sub3A_72 = arith.subf %sub3A_71, %mul3A_69 : vector<16xf32>
      %mul3A_73 = arith.mulf %mul3A_68, %sub3A_72 : vector<16xf32>
      %scan3A_74 = arith.constant 0 : i32
      %scan3A_75 = arith.constant 0 : i32
      %scan3A_76 = arith.constant 49 : i32
      %scan3A_77 = arith.addi %scan3A_75, %scan3A_76 : i32
      %scan3A_78 = arith.constant 1 : i32
      scf.for %scan3A_358 = %scan3A_75 to %scan3A_77 step %scan3A_78  : i32 {
        %mul3A_359 = arith.constant 16 : i32
        %mul3A_360 = arith.muli %scan3A_358, %mul3A_359 : i32
        %get3A = arith.index_cast %mul3A_360 : i32 to index
        %get3A_361 = tpu.vector_load %arg9[%get3A] {strides = array<i32>} : memref<784xf32, #tpu.memory_space<vmem>>, vector<16xf32>,
        %sub3A_362 = vector.broadcast %reduce_min3A_48 : f32 to vector<16xf32>
        %sub3A_363 = arith.subf %get3A_361, %sub3A_362 : vector<16xf32>
        %mul3A_364 = arith.mulf %sub3A_363, %mul3A_73 : vector<16xf32>
        %jit3A_365 = arith.constant 0.000000e+00 : f32
        %jit3A_366 = arith.constant 2.550000e+02 : f32
        %max3A_367 = vector.broadcast %jit3A_365 : f32 to vector<16xf32>
        %max3A_368 = arith.maximumf %max3A_367, %mul3A_364 : vector<16xf32>
        %min3A = vector.broadcast %jit3A_366 : f32 to vector<16xf32>
        %min3A_369 = arith.minimumf %min3A, %max3A_368 : vector<16xf32>
        %convert_element_type3A_370 = arith.fptosi %min3A_369 : vector<16xf32> to vector<16xi32>
        %mul3A_371 = arith.constant 257 : i32
        %mul3A_372 = vector.broadcast %mul3A_371 : i32 to vector<16xi32>
        %mul3A_373 = arith.muli %iota3A, %mul3A_372 : vector<16xi32>
        %add3A_374 = arith.addi %mul3A_373, %convert_element_type3A_370 : vector<16xi32>
        tpu.vector_store_idx %arg10[%add3A_374], %broadcast_in_dim3A_5 {add = true} : memref<4128xi32, #tpu.memory_space<vmem>>[vector<16xi32>], vector<16xi32>,
      }
      %scan3A_79 = arith.constant 49 : i32
      %scan3A_80 = arith.constant 0 : i32
      %scan3A_81 = arith.constant -1 : i32
      %scan3A_82 = arith.constant 0 : i32
      %scan3A_83 = arith.constant 16 : i32
      %scan3A_84 = arith.addi %scan3A_82, %scan3A_83 : i32
      %scan3A_85 = arith.constant 1 : i32
      %scan3A_86:2 = scf.for %scan3A_358 = %scan3A_82 to %scan3A_84 step %scan3A_85 iter_args(%scan3A_359 = %scan3A_80, %scan3A_360 = %scan3A_81) -> (i32, i32)  : i32 {
        %sub3A_361 = arith.constant 15 : i32
        %sub3A_362 = arith.subi %sub3A_361, %scan3A_358 : i32
        %mul3A_363 = arith.constant 16 : i32
        %mul3A_364 = arith.muli %sub3A_362, %mul3A_363 : i32
        %get3A = arith.index_cast %mul3A_364 : i32 to index
        %get3A_365 = tpu.vector_load %arg10[%get3A] {strides = array<i32>} : memref<4128xi32, #tpu.memory_space<vmem>>, vector<16xi32>,
        %mul3A_366 = arith.constant 16 : i32
        %mul3A_367 = arith.muli %sub3A_362, %mul3A_366 : i32
        %add3A_368 = arith.constant 257 : i32
        %add3A_369 = arith.addi %add3A_368, %mul3A_367 : i32
        %get3A_370 = arith.index_cast %add3A_369 : i32 to index
        %get3A_371 = tpu.vector_load %arg10[%get3A_370] {strides = array<i32>} : memref<4128xi32, #tpu.memory_space<vmem>>, vector<16xi32>,
        %add3A_372 = arith.addi %get3A_365, %get3A_371 : vector<16xi32>
        %mul3A_373 = arith.constant 16 : i32
        %mul3A_374 = arith.muli %sub3A_362, %mul3A_373 : i32
        %add3A_375 = arith.constant 514 : i32
        %add3A_376 = arith.addi %add3A_375, %mul3A_374 : i32
        %get3A_377 = arith.index_cast %add3A_376 : i32 to index
        %get3A_378 = tpu.vector_load %arg10[%get3A_377] {strides = array<i32>} : memref<4128xi32, #tpu.memory_space<vmem>>, vector<16xi32>,
        %add3A_379 = arith.addi %add3A_372, %get3A_378 : vector<16xi32>
        %mul3A_380 = arith.constant 16 : i32
        %mul3A_381 = arith.muli %sub3A_362, %mul3A_380 : i32
        %add3A_382 = arith.constant 771 : i32
        %add3A_383 = arith.addi %add3A_382, %mul3A_381 : i32
        %get3A_384 = arith.index_cast %add3A_383 : i32 to index
        %get3A_385 = tpu.vector_load %arg10[%get3A_384] {strides = array<i32>} : memref<4128xi32, #tpu.memory_space<vmem>>, vector<16xi32>,
        %add3A_386 = arith.addi %add3A_379, %get3A_385 : vector<16xi32>
        %mul3A_387 = arith.constant 16 : i32
        %mul3A_388 = arith.muli %sub3A_362, %mul3A_387 : i32
        %add3A_389 = arith.constant 1028 : i32
        %add3A_390 = arith.addi %add3A_389, %mul3A_388 : i32
        %get3A_391 = arith.index_cast %add3A_390 : i32 to index
        %get3A_392 = tpu.vector_load %arg10[%get3A_391] {strides = array<i32>} : memref<4128xi32, #tpu.memory_space<vmem>>, vector<16xi32>,
        %add3A_393 = arith.addi %add3A_386, %get3A_392 : vector<16xi32>
        %mul3A_394 = arith.constant 16 : i32
        %mul3A_395 = arith.muli %sub3A_362, %mul3A_394 : i32
        %add3A_396 = arith.constant 1285 : i32
        %add3A_397 = arith.addi %add3A_396, %mul3A_395 : i32
        %get3A_398 = arith.index_cast %add3A_397 : i32 to index
        %get3A_399 = tpu.vector_load %arg10[%get3A_398] {strides = array<i32>} : memref<4128xi32, #tpu.memory_space<vmem>>, vector<16xi32>,
        %add3A_400 = arith.addi %add3A_393, %get3A_399 : vector<16xi32>
        %mul3A_401 = arith.constant 16 : i32
        %mul3A_402 = arith.muli %sub3A_362, %mul3A_401 : i32
        %add3A_403 = arith.constant 1542 : i32
        %add3A_404 = arith.addi %add3A_403, %mul3A_402 : i32
        %get3A_405 = arith.index_cast %add3A_404 : i32 to index
        %get3A_406 = tpu.vector_load %arg10[%get3A_405] {strides = array<i32>} : memref<4128xi32, #tpu.memory_space<vmem>>, vector<16xi32>,
        %add3A_407 = arith.addi %add3A_400, %get3A_406 : vector<16xi32>
        %mul3A_408 = arith.constant 16 : i32
        %mul3A_409 = arith.muli %sub3A_362, %mul3A_408 : i32
        %add3A_410 = arith.constant 1799 : i32
        %add3A_411 = arith.addi %add3A_410, %mul3A_409 : i32
        %get3A_412 = arith.index_cast %add3A_411 : i32 to index
        %get3A_413 = tpu.vector_load %arg10[%get3A_412] {strides = array<i32>} : memref<4128xi32, #tpu.memory_space<vmem>>, vector<16xi32>,
        %add3A_414 = arith.addi %add3A_407, %get3A_413 : vector<16xi32>
        %mul3A_415 = arith.constant 16 : i32
        %mul3A_416 = arith.muli %sub3A_362, %mul3A_415 : i32
        %add3A_417 = arith.constant 2056 : i32
        %add3A_418 = arith.addi %add3A_417, %mul3A_416 : i32
        %get3A_419 = arith.index_cast %add3A_418 : i32 to index
        %get3A_420 = tpu.vector_load %arg10[%get3A_419] {strides = array<i32>} : memref<4128xi32, #tpu.memory_space<vmem>>, vector<16xi32>,
        %add3A_421 = arith.addi %add3A_414, %get3A_420 : vector<16xi32>
        %mul3A_422 = arith.constant 16 : i32
        %mul3A_423 = arith.muli %sub3A_362, %mul3A_422 : i32
        %add3A_424 = arith.constant 2313 : i32
        %add3A_425 = arith.addi %add3A_424, %mul3A_423 : i32
        %get3A_426 = arith.index_cast %add3A_425 : i32 to index
        %get3A_427 = tpu.vector_load %arg10[%get3A_426] {strides = array<i32>} : memref<4128xi32, #tpu.memory_space<vmem>>, vector<16xi32>,
        %add3A_428 = arith.addi %add3A_421, %get3A_427 : vector<16xi32>
        %mul3A_429 = arith.constant 16 : i32
        %mul3A_430 = arith.muli %sub3A_362, %mul3A_429 : i32
        %add3A_431 = arith.constant 2570 : i32
        %add3A_432 = arith.addi %add3A_431, %mul3A_430 : i32
        %get3A_433 = arith.index_cast %add3A_432 : i32 to index
        %get3A_434 = tpu.vector_load %arg10[%get3A_433] {strides = array<i32>} : memref<4128xi32, #tpu.memory_space<vmem>>, vector<16xi32>,
        %add3A_435 = arith.addi %add3A_428, %get3A_434 : vector<16xi32>
        %mul3A_436 = arith.constant 16 : i32
        %mul3A_437 = arith.muli %sub3A_362, %mul3A_436 : i32
        %add3A_438 = arith.constant 2827 : i32
        %add3A_439 = arith.addi %add3A_438, %mul3A_437 : i32
        %get3A_440 = arith.index_cast %add3A_439 : i32 to index
        %get3A_441 = tpu.vector_load %arg10[%get3A_440] {strides = array<i32>} : memref<4128xi32, #tpu.memory_space<vmem>>, vector<16xi32>,
        %add3A_442 = arith.addi %add3A_435, %get3A_441 : vector<16xi32>
        %mul3A_443 = arith.constant 16 : i32
        %mul3A_444 = arith.muli %sub3A_362, %mul3A_443 : i32
        %add3A_445 = arith.constant 3084 : i32
        %add3A_446 = arith.addi %add3A_445, %mul3A_444 : i32
        %get3A_447 = arith.index_cast %add3A_446 : i32 to index
        %get3A_448 = tpu.vector_load %arg10[%get3A_447] {strides = array<i32>} : memref<4128xi32, #tpu.memory_space<vmem>>, vector<16xi32>,
        %add3A_449 = arith.addi %add3A_442, %get3A_448 : vector<16xi32>
        %mul3A_450 = arith.constant 16 : i32
        %mul3A_451 = arith.muli %sub3A_362, %mul3A_450 : i32
        %add3A_452 = arith.constant 3341 : i32
        %add3A_453 = arith.addi %add3A_452, %mul3A_451 : i32
        %get3A_454 = arith.index_cast %add3A_453 : i32 to index
        %get3A_455 = tpu.vector_load %arg10[%get3A_454] {strides = array<i32>} : memref<4128xi32, #tpu.memory_space<vmem>>, vector<16xi32>,
        %add3A_456 = arith.addi %add3A_449, %get3A_455 : vector<16xi32>
        %mul3A_457 = arith.constant 16 : i32
        %mul3A_458 = arith.muli %sub3A_362, %mul3A_457 : i32
        %add3A_459 = arith.constant 3598 : i32
        %add3A_460 = arith.addi %add3A_459, %mul3A_458 : i32
        %get3A_461 = arith.index_cast %add3A_460 : i32 to index
        %get3A_462 = tpu.vector_load %arg10[%get3A_461] {strides = array<i32>} : memref<4128xi32, #tpu.memory_space<vmem>>, vector<16xi32>,
        %add3A_463 = arith.addi %add3A_456, %get3A_462 : vector<16xi32>
        %mul3A_464 = arith.constant 16 : i32
        %mul3A_465 = arith.muli %sub3A_362, %mul3A_464 : i32
        %add3A_466 = arith.constant 3855 : i32
        %add3A_467 = arith.addi %add3A_466, %mul3A_465 : i32
        %get3A_468 = arith.index_cast %add3A_467 : i32 to index
        %get3A_469 = tpu.vector_load %arg10[%get3A_468] {strides = array<i32>} : memref<4128xi32, #tpu.memory_space<vmem>>, vector<16xi32>,
        %add3A_470 = arith.addi %add3A_463, %get3A_469 : vector<16xi32>
        %rev3A = arith.constant 15 : i32
        %rev3A_471 = vector.broadcast %rev3A : i32 to vector<16xi32>
        %rev3A_472 = tpu.iota {dimensions = array<i32: 0>} : vector<16xi32>
        %rev3A_473 = arith.subi %rev3A_471, %rev3A_472 : vector<16xi32>
        %rev3A_474 = tpu.dynamic_gather %add3A_470[%rev3A_473] in [0] : vector<16xi32>, vector<16xi32> -> vector<16xi32>
        %cumsum3A = arith.constant true
        %cumsum3A_475 = vector.broadcast %cumsum3A : i1 to vector<16xi1>
        %cumsum3A_476 = tpu.scan <sum>, %rev3A_474 masked %cumsum3A_475 : vector<16xi32>, vector<16xi1> -> vector<16xi32>
        %rev3A_477 = arith.constant 15 : i32
        %rev3A_478 = vector.broadcast %rev3A_477 : i32 to vector<16xi32>
        %rev3A_479 = tpu.iota {dimensions = array<i32: 0>} : vector<16xi32>
        %rev3A_480 = arith.subi %rev3A_478, %rev3A_479 : vector<16xi32>
        %rev3A_481 = tpu.dynamic_gather %cumsum3A_476[%rev3A_480] in [0] : vector<16xi32>, vector<16xi32> -> vector<16xi32>
        %add3A_482 = vector.broadcast %scan3A_359 : i32 to vector<16xi32>
        %add3A_483 = arith.addi %rev3A_481, %add3A_482 : vector<16xi32>
        %ge3A = arith.constant 200 : i32
        %ge3A_484 = vector.broadcast %ge3A : i32 to vector<16xi32>
        %ge3A_485 = arith.cmpi sge, %add3A_483, %ge3A_484 : vector<16xi32>
        %mul3A_486 = arith.constant 16 : i32
        %mul3A_487 = arith.muli %sub3A_362, %mul3A_486 : i32
        %add3A_488 = vector.broadcast %mul3A_487 : i32 to vector<16xi32>
        %add3A_489 = arith.addi %iota3A, %add3A_488 : vector<16xi32>
        %jit3A_490 = arith.constant -1 : i32
        %broadcast_in_dim3A_491 = vector.broadcast %jit3A_490 : i32 to vector<16xi32>
        %select_n3A_492 = arith.select %ge3A_485, %add3A_489, %broadcast_in_dim3A_491 : vector<16xi1>, vector<16xi32>
        %reduce_max3A_493 = arith.constant true
        %reduce_max3A_494 = vector.broadcast %reduce_max3A_493 : i1 to vector<16xi1>
        %reduce_max3A_495 = arith.constant -2147483648 : i32
        %reduce_max3A_496 = vector.broadcast %reduce_max3A_495 : i32 to vector<16xi32>
        %reduce_max3A_497 = arith.xori %add3A_483, %reduce_max3A_496 : vector<16xi32>
        %reduce_max3A_498 = tpu.scan <max>, %reduce_max3A_497 masked %reduce_max3A_494 : vector<16xi32>, vector<16xi1> -> vector<16xi32>
        %reduce_max3A_499 = arith.xori %reduce_max3A_498, %reduce_max3A_496 : vector<16xi32>
        %reduce_max3A_500 = vector.extract %reduce_max3A_499[15] : i32 from vector<16xi32>
        %reduce_max3A_501 = arith.constant true
        %reduce_max3A_502 = vector.broadcast %reduce_max3A_501 : i1 to vector<16xi1>
        %reduce_max3A_503 = arith.constant -2147483648 : i32
        %reduce_max3A_504 = vector.broadcast %reduce_max3A_503 : i32 to vector<16xi32>
        %reduce_max3A_505 = arith.xori %select_n3A_492, %reduce_max3A_504 : vector<16xi32>
        %reduce_max3A_506 = tpu.scan <max>, %reduce_max3A_505 masked %reduce_max3A_502 : vector<16xi32>, vector<16xi1> -> vector<16xi32>
        %reduce_max3A_507 = arith.xori %reduce_max3A_506, %reduce_max3A_504 : vector<16xi32>
        %reduce_max3A_508 = vector.extract %reduce_max3A_507[15] : i32 from vector<16xi32>
        %max3A_509 = arith.maxsi %scan3A_360, %reduce_max3A_508 : i32
        scf.yield %reduce_max3A_500, %max3A_509 : i32, i32
      }
      %scan3A_87 = arith.constant 16 : i32
      %convert_element_type3A = arith.sitofp %scan3A_86#1 : i32 to f32
      %sub3A_88 = arith.constant 0.00999999977 : f32
      %sub3A_89 = arith.subf %convert_element_type3A, %sub3A_88 : f32
      %mul3A_90 = arith.mulf %sub3A_89, %mul3A_51 : f32
      %add3A_91 = arith.addf %reduce_min3A_48, %mul3A_90 : f32
      %add3A_92 = vector.broadcast %add3A_91 : f32 to vector<16xf32>
      %add3A_93 = arith.addf %broadcast_in_dim3A_1, %add3A_92 : vector<16xf32>
      %scan3A_94 = arith.constant 0 : i32
      %scan3A_95 = arith.constant 49 : i32
      %scan3A_96 = arith.addi %scan3A_94, %scan3A_95 : i32
      %scan3A_97 = arith.constant 1 : i32
      %scan3A_98 = scf.for %scan3A_358 = %scan3A_94 to %scan3A_96 step %scan3A_97 iter_args(%scan3A_359 = %broadcast_in_dim3A_3) -> (vector<16xi32>)  : i32 {
        %mul3A_360 = arith.constant 16 : i32
        %mul3A_361 = arith.muli %scan3A_358, %mul3A_360 : i32
        %get3A = arith.index_cast %mul3A_361 : i32 to index
        %get3A_362 = tpu.vector_load %arg9[%get3A] {strides = array<i32>} : memref<784xf32, #tpu.memory_space<vmem>>, vector<16xf32>,
        %ge3A = arith.cmpf oge, %get3A_362, %add3A_93 : vector<16xf32>
        %convert_element_type3A_363 = arith.extui %ge3A : vector<16xi1> to vector<16xi32>
        %cumsum3A = arith.constant true
        %cumsum3A_364 = vector.broadcast %cumsum3A : i1 to vector<16xi1>
        %cumsum3A_365 = tpu.scan <sum>, %convert_element_type3A_363 masked %cumsum3A_364 : vector<16xi32>, vector<16xi1> -> vector<16xi32>
        %add3A_366 = arith.addi %scan3A_359, %cumsum3A_365 : vector<16xi32>
        %sub3A_367 = arith.constant 1 : i32
        %sub3A_368 = vector.broadcast %sub3A_367 : i32 to vector<16xi32>
        %sub3A_369 = arith.subi %add3A_366, %sub3A_368 : vector<16xi32>
        %lt3A = arith.constant 512 : i32
        %lt3A_370 = vector.broadcast %lt3A : i32 to vector<16xi32>
        %lt3A_371 = arith.cmpi slt, %sub3A_369, %lt3A_370 : vector<16xi32>
        %and3A_372 = arith.andi %ge3A, %lt3A_371 : vector<16xi1>
        %jit3A_373 = arith.constant 128 : i32
        %div3A_374 = vector.broadcast %jit3A_373 : i32 to vector<16xi32>
        %div3A_375 = arith.divsi %sub3A_369, %div3A_374 : vector<16xi32>
        %sign3A_376 = arith.constant 0 : i32
        %sign3A_377 = vector.broadcast %sign3A_376 : i32 to vector<16xi32>
        %sign3A_378 = arith.cmpi sgt, %sub3A_369, %sign3A_377 : vector<16xi32>
        %sign3A_379 = arith.extui %sign3A_378 : vector<16xi1> to vector<16xi32>
        %sign3A_380 = arith.constant 0 : i32
        %sign3A_381 = vector.broadcast %sign3A_380 : i32 to vector<16xi32>
        %sign3A_382 = arith.cmpi slt, %sub3A_369, %sign3A_381 : vector<16xi32>
        %sign3A_383 = arith.extui %sign3A_382 : vector<16xi1> to vector<16xi32>
        %sign3A_384 = arith.subi %sign3A_379, %sign3A_383 : vector<16xi32>
        %sign3A_385 = arith.constant 0 : i32
        %sign3A_386 = arith.cmpi sgt, %jit3A_373, %sign3A_385 : i32
        %sign3A_387 = arith.extui %sign3A_386 : i1 to i32
        %sign3A_388 = arith.constant 0 : i32
        %sign3A_389 = arith.cmpi slt, %jit3A_373, %sign3A_388 : i32
        %sign3A_390 = arith.extui %sign3A_389 : i1 to i32
        %sign3A_391 = arith.subi %sign3A_387, %sign3A_390 : i32
        %ne3A_392 = vector.broadcast %sign3A_391 : i32 to vector<16xi32>
        %ne3A_393 = arith.cmpi ne, %sign3A_384, %ne3A_392 : vector<16xi32>
        %rem3A_394 = vector.broadcast %jit3A_373 : i32 to vector<16xi32>
        %rem3A_395 = arith.remsi %sub3A_369, %rem3A_394 : vector<16xi32>
        %ne3A_396 = arith.constant 0 : i32
        %ne3A_397 = vector.broadcast %ne3A_396 : i32 to vector<16xi32>
        %ne3A_398 = arith.cmpi ne, %rem3A_395, %ne3A_397 : vector<16xi32>
        %and3A_399 = arith.andi %ne3A_393, %ne3A_398 : vector<16xi1>
        %sub3A_400 = arith.constant 1 : i32
        %sub3A_401 = vector.broadcast %sub3A_400 : i32 to vector<16xi32>
        %sub3A_402 = arith.subi %div3A_375, %sub3A_401 : vector<16xi32>
        %select_n3A_403 = arith.select %and3A_399, %sub3A_402, %div3A_375 : vector<16xi1>, vector<16xi32>
        %jit3A_404 = arith.constant 128 : i32
        %eq3A = arith.constant 0 : i32
        %eq3A_405 = arith.cmpi eq, %jit3A_404, %eq3A : i32
        %jit3A_406 = arith.constant 1 : i32
        %select_n3A_407 = arith.select %eq3A_405, %jit3A_406, %jit3A_404 : i32
        %rem3A_408 = vector.broadcast %select_n3A_407 : i32 to vector<16xi32>
        %rem3A_409 = arith.remsi %sub3A_369, %rem3A_408 : vector<16xi32>
        %ne3A_410 = arith.constant 0 : i32
        %ne3A_411 = vector.broadcast %ne3A_410 : i32 to vector<16xi32>
        %ne3A_412 = arith.cmpi ne, %rem3A_409, %ne3A_411 : vector<16xi32>
        %lt3A_413 = arith.constant 0 : i32
        %lt3A_414 = vector.broadcast %lt3A_413 : i32 to vector<16xi32>
        %lt3A_415 = arith.cmpi slt, %rem3A_409, %lt3A_414 : vector<16xi32>
        %lt3A_416 = arith.constant 0 : i32
        %lt3A_417 = arith.cmpi slt, %select_n3A_407, %lt3A_416 : i32
        %ne3A_418 = vector.broadcast %lt3A_417 : i1 to vector<16xi1>
        %ne3A_419 = vector.broadcast %ne3A_418 : vector<16xi1> to vector<16xi1>
        %ne3A_420 = arith.xori %lt3A_415, %ne3A_419 : vector<16xi1>
        %and3A_421 = arith.andi %ne3A_420, %ne3A_412 : vector<16xi1>
        %add3A_422 = vector.broadcast %select_n3A_407 : i32 to vector<16xi32>
        %add3A_423 = arith.addi %rem3A_409, %add3A_422 : vector<16xi32>
        %select_n3A_424 = arith.select %and3A_421, %add3A_423, %rem3A_409 : vector<16xi1>, vector<16xi32>
        %mul3A_425 = arith.constant 784 : i32
        %mul3A_426 = arith.muli %add3A_26, %mul3A_425 : i32
        %mul3A_427 = arith.constant 16 : i32
        %mul3A_428 = arith.muli %scan3A_358, %mul3A_427 : i32
        %add3A_429 = arith.addi %mul3A_426, %mul3A_428 : i32
        %add3A_430 = vector.broadcast %add3A_429 : i32 to vector<16xi32>
        %add3A_431 = arith.addi %add3A_430, %iota3A : vector<16xi32>
        tpu.vector_store_idx %arg11[%select_n3A_403, %select_n3A_424], %add3A_431 masked %and3A_372 : memref<4x128xi32, #tpu.memory_space<vmem>>[vector<16xi32>, vector<16xi32>], vector<16xi32>, vector<16xi1>
        %jit3A_432 = arith.constant 128 : i32
        %div3A_433 = vector.broadcast %jit3A_432 : i32 to vector<16xi32>
        %div3A_434 = arith.divsi %sub3A_369, %div3A_433 : vector<16xi32>
        %sign3A_435 = arith.constant 0 : i32
        %sign3A_436 = vector.broadcast %sign3A_435 : i32 to vector<16xi32>
        %sign3A_437 = arith.cmpi sgt, %sub3A_369, %sign3A_436 : vector<16xi32>
        %sign3A_438 = arith.extui %sign3A_437 : vector<16xi1> to vector<16xi32>
        %sign3A_439 = arith.constant 0 : i32
        %sign3A_440 = vector.broadcast %sign3A_439 : i32 to vector<16xi32>
        %sign3A_441 = arith.cmpi slt, %sub3A_369, %sign3A_440 : vector<16xi32>
        %sign3A_442 = arith.extui %sign3A_441 : vector<16xi1> to vector<16xi32>
        %sign3A_443 = arith.subi %sign3A_438, %sign3A_442 : vector<16xi32>
        %sign3A_444 = arith.constant 0 : i32
        %sign3A_445 = arith.cmpi sgt, %jit3A_432, %sign3A_444 : i32
        %sign3A_446 = arith.extui %sign3A_445 : i1 to i32
        %sign3A_447 = arith.constant 0 : i32
        %sign3A_448 = arith.cmpi slt, %jit3A_432, %sign3A_447 : i32
        %sign3A_449 = arith.extui %sign3A_448 : i1 to i32
        %sign3A_450 = arith.subi %sign3A_446, %sign3A_449 : i32
        %ne3A_451 = vector.broadcast %sign3A_450 : i32 to vector<16xi32>
        %ne3A_452 = arith.cmpi ne, %sign3A_443, %ne3A_451 : vector<16xi32>
        %rem3A_453 = vector.broadcast %jit3A_432 : i32 to vector<16xi32>
        %rem3A_454 = arith.remsi %sub3A_369, %rem3A_453 : vector<16xi32>
        %ne3A_455 = arith.constant 0 : i32
        %ne3A_456 = vector.broadcast %ne3A_455 : i32 to vector<16xi32>
        %ne3A_457 = arith.cmpi ne, %rem3A_454, %ne3A_456 : vector<16xi32>
        %and3A_458 = arith.andi %ne3A_452, %ne3A_457 : vector<16xi1>
        %sub3A_459 = arith.constant 1 : i32
        %sub3A_460 = vector.broadcast %sub3A_459 : i32 to vector<16xi32>
        %sub3A_461 = arith.subi %div3A_434, %sub3A_460 : vector<16xi32>
        %select_n3A_462 = arith.select %and3A_458, %sub3A_461, %div3A_434 : vector<16xi1>, vector<16xi32>
        %jit3A_463 = arith.constant 128 : i32
        %eq3A_464 = arith.constant 0 : i32
        %eq3A_465 = arith.cmpi eq, %jit3A_463, %eq3A_464 : i32
        %jit3A_466 = arith.constant 1 : i32
        %select_n3A_467 = arith.select %eq3A_465, %jit3A_466, %jit3A_463 : i32
        %rem3A_468 = vector.broadcast %select_n3A_467 : i32 to vector<16xi32>
        %rem3A_469 = arith.remsi %sub3A_369, %rem3A_468 : vector<16xi32>
        %ne3A_470 = arith.constant 0 : i32
        %ne3A_471 = vector.broadcast %ne3A_470 : i32 to vector<16xi32>
        %ne3A_472 = arith.cmpi ne, %rem3A_469, %ne3A_471 : vector<16xi32>
        %lt3A_473 = arith.constant 0 : i32
        %lt3A_474 = vector.broadcast %lt3A_473 : i32 to vector<16xi32>
        %lt3A_475 = arith.cmpi slt, %rem3A_469, %lt3A_474 : vector<16xi32>
        %lt3A_476 = arith.constant 0 : i32
        %lt3A_477 = arith.cmpi slt, %select_n3A_467, %lt3A_476 : i32
        %ne3A_478 = vector.broadcast %lt3A_477 : i1 to vector<16xi1>
        %ne3A_479 = vector.broadcast %ne3A_478 : vector<16xi1> to vector<16xi1>
        %ne3A_480 = arith.xori %lt3A_475, %ne3A_479 : vector<16xi1>
        %and3A_481 = arith.andi %ne3A_480, %ne3A_472 : vector<16xi1>
        %add3A_482 = vector.broadcast %select_n3A_467 : i32 to vector<16xi32>
        %add3A_483 = arith.addi %rem3A_469, %add3A_482 : vector<16xi32>
        %select_n3A_484 = arith.select %and3A_481, %add3A_483, %rem3A_469 : vector<16xi1>, vector<16xi32>
        %mul3A_485 = arith.constant 16 : i32
        %mul3A_486 = arith.muli %scan3A_358, %mul3A_485 : i32
        %add3A_487 = vector.broadcast %mul3A_486 : i32 to vector<16xi32>
        %add3A_488 = arith.addi %add3A_487, %iota3A : vector<16xi32>
        tpu.vector_store_idx %arg12[%select_n3A_462, %select_n3A_484], %add3A_488 masked %and3A_372 : memref<4x128xi32, #tpu.memory_space<vmem>>[vector<16xi32>, vector<16xi32>], vector<16xi32>, vector<16xi1>
        %all_reduce_population_count3A = tpu.all_reduce %and3A_372 {dim = 0 : i64, kind = #tpu.reduction_kind<sum>} : vector<16xi1> -> vector<16xi32>
        %add3A_489 = arith.addi %scan3A_359, %all_reduce_population_count3A : vector<16xi32>
        scf.yield %add3A_489 : vector<16xi32>
      }
      %scan3A_99 = arith.constant 49 : i32
      %reduce_max3A_100 = arith.constant true
      %reduce_max3A_101 = vector.broadcast %reduce_max3A_100 : i1 to vector<16xi1>
      %reduce_max3A_102 = arith.constant -2147483648 : i32
      %reduce_max3A_103 = vector.broadcast %reduce_max3A_102 : i32 to vector<16xi32>
      %reduce_max3A_104 = arith.xori %scan3A_98, %reduce_max3A_103 : vector<16xi32>
      %reduce_max3A_105 = tpu.scan <max>, %reduce_max3A_104 masked %reduce_max3A_101 : vector<16xi32>, vector<16xi1> -> vector<16xi32>
      %reduce_max3A_106 = arith.xori %reduce_max3A_105, %reduce_max3A_103 : vector<16xi32>
      %reduce_max3A_107 = vector.extract %reduce_max3A_106[15] : i32 from vector<16xi32>
      %add3A_108 = arith.constant 127 : i32
      %add3A_109 = arith.addi %reduce_max3A_107, %add3A_108 : i32
      %jit3A = arith.constant 128 : i32
      %div3A = arith.divsi %add3A_109, %jit3A : i32
      %sign3A = arith.constant 0 : i32
      %sign3A_110 = arith.cmpi sgt, %add3A_109, %sign3A : i32
      %sign3A_111 = arith.extui %sign3A_110 : i1 to i32
      %sign3A_112 = arith.constant 0 : i32
      %sign3A_113 = arith.cmpi slt, %add3A_109, %sign3A_112 : i32
      %sign3A_114 = arith.extui %sign3A_113 : i1 to i32
      %sign3A_115 = arith.subi %sign3A_111, %sign3A_114 : i32
      %sign3A_116 = arith.constant 0 : i32
      %sign3A_117 = arith.cmpi sgt, %jit3A, %sign3A_116 : i32
      %sign3A_118 = arith.extui %sign3A_117 : i1 to i32
      %sign3A_119 = arith.constant 0 : i32
      %sign3A_120 = arith.cmpi slt, %jit3A, %sign3A_119 : i32
      %sign3A_121 = arith.extui %sign3A_120 : i1 to i32
      %sign3A_122 = arith.subi %sign3A_118, %sign3A_121 : i32
      %ne3A = arith.cmpi ne, %sign3A_115, %sign3A_122 : i32
      %rem3A = arith.remsi %add3A_109, %jit3A : i32
      %ne3A_123 = arith.constant 0 : i32
      %ne3A_124 = arith.cmpi ne, %rem3A, %ne3A_123 : i32
      %and3A = arith.andi %ne3A, %ne3A_124 : i1
      %sub3A_125 = arith.constant 1 : i32
      %sub3A_126 = arith.subi %div3A, %sub3A_125 : i32
      %select_n3A = arith.select %and3A, %sub3A_126, %div3A : i32
      %scan3A_127 = arith.constant 0 : i32
      %scan3A_128 = arith.constant 0 : i32
      %scan3A_129 = arith.constant 65 : i32
      %scan3A_130 = arith.addi %scan3A_128, %scan3A_129 : i32
      %scan3A_131 = arith.constant 1 : i32
      scf.for %scan3A_358 = %scan3A_128 to %scan3A_130 step %scan3A_131  : i32 {
        %sub3A_359 = arith.constant 2.000000e+00 : f32
        %sub3A_360 = vector.broadcast %sub3A_359 : f32 to vector<16xf32>
        %sub3A_361 = arith.subf %broadcast_in_dim3A_1, %sub3A_360 : vector<16xf32>
        %mul3A_362 = arith.constant 16 : i32
        %mul3A_363 = arith.muli %scan3A_358, %mul3A_362 : i32
        %swap3A = arith.index_cast %mul3A_363 : i32 to index
        %swap3A_364 = tpu.vector_load %arg15[%swap3A] {strides = array<i32>} : memref<1040xf32, #tpu.memory_space<vmem>>, vector<16xf32>,
        tpu.vector_store %arg15[%swap3A], %sub3A_361 {strides = array<i32>} : memref<1040xf32, #tpu.memory_space<vmem>>, vector<16xf32>,
      }
      %scan3A_132 = arith.constant 65 : i32
      %while3A = arith.constant 0 : i32
      %while3A_133 = arith.subi %select_n3A, %while3A : i32
      %while3A_134 = arith.addi %while3A, %while3A_133 : i32
      %while3A_135 = arith.constant 1 : i32
      %while3A_136 = arith.divsi %while3A_133, %while3A_135 : i32
      %while3A_137 = arith.muli %while3A_136, %while3A_135 : i32
      %while3A_138 = arith.addi %while3A, %while3A_137 : i32
      %while3A_139 = arith.constant 1 : i32
      %while3A_140 = scf.for %while3A_358 = %while3A to %while3A_138 step %while3A_139 iter_args(%while3A_359 = %broadcast_in_dim3A_3) -> (vector<16xi32>)  : i32 {
        %dma_start3A_360 = arith.constant 0 : i32
        %dma_start3A_361 = tpu.memref_slice %arg11[%while3A_358, %dma_start3A_360] : memref<4x128xi32, #tpu.memory_space<vmem>> -> memref<1x128xi32, #tpu.memory_space<vmem>>
        %dma_start3A_362 = tpu.memref_squeeze %dma_start3A_361 : memref<1x128xi32, #tpu.memory_space<vmem>> -> memref<128xi32, #tpu.memory_space<vmem>>
        %dma_start3A_363 = arith.constant 0 : i32
        %dma_start3A_364 = arith.constant 0 : i32
        %dma_start3A_365 = tpu.memref_slice %arg2[%dma_start3A_363, %dma_start3A_364] : memref<802816x128xf32, #tpu.memory_space<hbm>> -> memref<802816x128xf32, #tpu.memory_space<hbm>>
        tpu.enqueue_indirect_dma source(%dma_start3A_365 : memref<802816x128xf32, #tpu.memory_space<hbm>>) target(%arg13 : memref<128x128xf32, #tpu.memory_space<vmem>>) offsets(%dma_start3A_362 : memref<128xi32, #tpu.memory_space<vmem>>) semaphore(%arg19 : memref<!tpu.dma_semaphore, #tpu.memory_space<semaphore_mem>>)
        %dma_start3A_366 = arith.constant 0 : i32
        %dma_start3A_367 = tpu.memref_slice %arg12[%while3A_358, %dma_start3A_366] : memref<4x128xi32, #tpu.memory_space<vmem>> -> memref<1x128xi32, #tpu.memory_space<vmem>>
        %dma_start3A_368 = tpu.memref_squeeze %dma_start3A_367 : memref<1x128xi32, #tpu.memory_space<vmem>> -> memref<128xi32, #tpu.memory_space<vmem>>
        %dma_start3A_369 = arith.constant 0 : i32
        %dma_start3A_370 = arith.constant 0 : i32
        %dma_start3A_371 = tpu.memref_slice %arg4[%dma_start3A_369, %dma_start3A_370] : memref<784x128xi32, #tpu.memory_space<hbm>> -> memref<784x128xi32, #tpu.memory_space<hbm>>
        tpu.enqueue_indirect_dma source(%dma_start3A_371 : memref<784x128xi32, #tpu.memory_space<hbm>>) target(%arg14 : memref<128x128xi32, #tpu.memory_space<vmem>>) offsets(%dma_start3A_368 : memref<128xi32, #tpu.memory_space<vmem>>) semaphore(%arg19 : memref<!tpu.dma_semaphore, #tpu.memory_space<semaphore_mem>>)
        %dma_wait3A_372 = arith.constant 0 : i32
        %dma_wait3A_373 = tpu.memref_slice %arg11[%while3A_358, %dma_wait3A_372] : memref<4x128xi32, #tpu.memory_space<vmem>> -> memref<1x128xi32, #tpu.memory_space<vmem>>
        %dma_wait3A_374 = tpu.memref_squeeze %dma_wait3A_373 : memref<1x128xi32, #tpu.memory_space<vmem>> -> memref<128xi32, #tpu.memory_space<vmem>>
        %dma_wait3A_375 = arith.constant 0 : i32
        %dma_wait3A_376 = arith.constant 0 : i32
        %dma_wait3A_377 = tpu.memref_slice %arg2[%dma_wait3A_375, %dma_wait3A_376] : memref<802816x128xf32, #tpu.memory_space<hbm>> -> memref<802816x128xf32, #tpu.memory_space<hbm>>
        tpu.wait_indirect_dma semaphore(%arg19 : memref<!tpu.dma_semaphore, #tpu.memory_space<semaphore_mem>>) src(%dma_wait3A_377 : memref<802816x128xf32, #tpu.memory_space<hbm>>) dst(%arg13 : memref<128x128xf32, #tpu.memory_space<vmem>>)
        %dma_wait3A_378 = arith.constant 0 : i32
        %dma_wait3A_379 = tpu.memref_slice %arg12[%while3A_358, %dma_wait3A_378] : memref<4x128xi32, #tpu.memory_space<vmem>> -> memref<1x128xi32, #tpu.memory_space<vmem>>
        %dma_wait3A_380 = tpu.memref_squeeze %dma_wait3A_379 : memref<1x128xi32, #tpu.memory_space<vmem>> -> memref<128xi32, #tpu.memory_space<vmem>>
        %dma_wait3A_381 = arith.constant 0 : i32
        %dma_wait3A_382 = arith.constant 0 : i32
        %dma_wait3A_383 = tpu.memref_slice %arg4[%dma_wait3A_381, %dma_wait3A_382] : memref<784x128xi32, #tpu.memory_space<hbm>> -> memref<784x128xi32, #tpu.memory_space<hbm>>
        tpu.wait_indirect_dma semaphore(%arg19 : memref<!tpu.dma_semaphore, #tpu.memory_space<semaphore_mem>>) src(%dma_wait3A_383 : memref<784x128xi32, #tpu.memory_space<hbm>>) dst(%arg14 : memref<128x128xi32, #tpu.memory_space<vmem>>)
        %mul3A_384 = arith.constant 128 : i32
        %mul3A_385 = arith.muli %while3A_358, %mul3A_384 : i32
        %sub3A_386 = arith.subi %reduce_max3A_107, %mul3A_385 : i32
        %min3A = arith.constant 128 : i32
        %min3A_387 = arith.minsi %sub3A_386, %min3A : i32
        %while3A_388 = arith.constant 0 : i32
        %while3A_389 = arith.subi %min3A_387, %while3A_388 : i32
        %while3A_390 = arith.addi %while3A_388, %while3A_389 : i32
        %while3A_391 = arith.constant 1 : i32
        %while3A_392 = arith.divsi %while3A_389, %while3A_391 : i32
        %while3A_393 = arith.muli %while3A_392, %while3A_391 : i32
        %while3A_394 = arith.addi %while3A_388, %while3A_393 : i32
        %while3A_395 = arith.constant 1 : i32
        %while3A_396 = scf.for %while3A_399 = %while3A_388 to %while3A_394 step %while3A_395 iter_args(%while3A_400 = %while3A_359) -> (vector<16xi32>)  : i32 {
          %get3A = arith.index_cast %while3A_399 : i32 to index
          %get3A_401 = arith.constant 0 : index
          %get3A_402 = tpu.vector_load %arg13[%get3A, %get3A_401] {strides = array<i32>} : memref<128x128xf32, #tpu.memory_space<vmem>>, vector<16xf32>,
          %get3A_403 = arith.index_cast %while3A_399 : i32 to index
          %get3A_404 = arith.constant 0 : index
          %get3A_405 = tpu.vector_load %arg14[%get3A_403, %get3A_404] {strides = array<i32>} : memref<128x128xi32, #tpu.memory_space<vmem>>, vector<16xi32>,
          %ge3A = arith.cmpf oge, %get3A_402, %add3A_93 : vector<16xf32>
          %convert_element_type3A_406 = arith.extui %ge3A : vector<16xi1> to vector<16xi32>
          %cumsum3A = arith.constant true
          %cumsum3A_407 = vector.broadcast %cumsum3A : i1 to vector<16xi1>
          %cumsum3A_408 = tpu.scan <sum>, %convert_element_type3A_406 masked %cumsum3A_407 : vector<16xi32>, vector<16xi1> -> vector<16xi32>
          %add3A_409 = arith.addi %while3A_400, %cumsum3A_408 : vector<16xi32>
          %sub3A_410 = arith.constant 1 : i32
          %sub3A_411 = vector.broadcast %sub3A_410 : i32 to vector<16xi32>
          %sub3A_412 = arith.subi %add3A_409, %sub3A_411 : vector<16xi32>
          %lt3A = arith.constant 1024 : i32
          %lt3A_413 = vector.broadcast %lt3A : i32 to vector<16xi32>
          %lt3A_414 = arith.cmpi slt, %sub3A_412, %lt3A_413 : vector<16xi32>
          %and3A_415 = arith.andi %ge3A, %lt3A_414 : vector<16xi1>
          tpu.vector_store_idx %arg15[%sub3A_412], %get3A_402 masked %and3A_415 : memref<1040xf32, #tpu.memory_space<vmem>>[vector<16xi32>], vector<16xf32>, vector<16xi1>
          tpu.vector_store_idx %arg16[%sub3A_412], %get3A_405 masked %and3A_415 : memref<1040xi32, #tpu.memory_space<vmem>>[vector<16xi32>], vector<16xi32>, vector<16xi1>
          %all_reduce_population_count3A = tpu.all_reduce %and3A_415 {dim = 0 : i64, kind = #tpu.reduction_kind<sum>} : vector<16xi1> -> vector<16xi32>
          %add3A_416 = arith.addi %while3A_400, %all_reduce_population_count3A : vector<16xi32>
          %get3A_417 = arith.index_cast %while3A_399 : i32 to index
          %get3A_418 = arith.constant 16 : index
          %get3A_419 = tpu.vector_load %arg13[%get3A_417, %get3A_418] {strides = array<i32>} : memref<128x128xf32, #tpu.memory_space<vmem>>, vector<16xf32>,
          %get3A_420 = arith.index_cast %while3A_399 : i32 to index
          %get3A_421 = arith.constant 16 : index
          %get3A_422 = tpu.vector_load %arg14[%get3A_420, %get3A_421] {strides = array<i32>} : memref<128x128xi32, #tpu.memory_space<vmem>>, vector<16xi32>,
          %ge3A_423 = arith.cmpf oge, %get3A_419, %add3A_93 : vector<16xf32>
          %convert_element_type3A_424 = arith.extui %ge3A_423 : vector<16xi1> to vector<16xi32>
          %cumsum3A_425 = arith.constant true
          %cumsum3A_426 = vector.broadcast %cumsum3A_425 : i1 to vector<16xi1>
          %cumsum3A_427 = tpu.scan <sum>, %convert_element_type3A_424 masked %cumsum3A_426 : vector<16xi32>, vector<16xi1> -> vector<16xi32>
          %add3A_428 = arith.addi %add3A_416, %cumsum3A_427 : vector<16xi32>
          %sub3A_429 = arith.constant 1 : i32
          %sub3A_430 = vector.broadcast %sub3A_429 : i32 to vector<16xi32>
          %sub3A_431 = arith.subi %add3A_428, %sub3A_430 : vector<16xi32>
          %lt3A_432 = arith.constant 1024 : i32
          %lt3A_433 = vector.broadcast %lt3A_432 : i32 to vector<16xi32>
          %lt3A_434 = arith.cmpi slt, %sub3A_431, %lt3A_433 : vector<16xi32>
          %and3A_435 = arith.andi %ge3A_423, %lt3A_434 : vector<16xi1>
          tpu.vector_store_idx %arg15[%sub3A_431], %get3A_419 masked %and3A_435 : memref<1040xf32, #tpu.memory_space<vmem>>[vector<16xi32>], vector<16xf32>, vector<16xi1>
          tpu.vector_store_idx %arg16[%sub3A_431], %get3A_422 masked %and3A_435 : memref<1040xi32, #tpu.memory_space<vmem>>[vector<16xi32>], vector<16xi32>, vector<16xi1>
          %all_reduce_population_count3A_436 = tpu.all_reduce %and3A_435 {dim = 0 : i64, kind = #tpu.reduction_kind<sum>} : vector<16xi1> -> vector<16xi32>
          %add3A_437 = arith.addi %add3A_416, %all_reduce_population_count3A_436 : vector<16xi32>
          %get3A_438 = arith.index_cast %while3A_399 : i32 to index
          %get3A_439 = arith.constant 32 : index
          %get3A_440 = tpu.vector_load %arg13[%get3A_438, %get3A_439] {strides = array<i32>} : memref<128x128xf32, #tpu.memory_space<vmem>>, vector<16xf32>,
          %get3A_441 = arith.index_cast %while3A_399 : i32 to index
          %get3A_442 = arith.constant 32 : index
          %get3A_443 = tpu.vector_load %arg14[%get3A_441, %get3A_442] {strides = array<i32>} : memref<128x128xi32, #tpu.memory_space<vmem>>, vector<16xi32>,
          %ge3A_444 = arith.cmpf oge, %get3A_440, %add3A_93 : vector<16xf32>
          %convert_element_type3A_445 = arith.extui %ge3A_444 : vector<16xi1> to vector<16xi32>
          %cumsum3A_446 = arith.constant true
          %cumsum3A_447 = vector.broadcast %cumsum3A_446 : i1 to vector<16xi1>
          %cumsum3A_448 = tpu.scan <sum>, %convert_element_type3A_445 masked %cumsum3A_447 : vector<16xi32>, vector<16xi1> -> vector<16xi32>
          %add3A_449 = arith.addi %add3A_437, %cumsum3A_448 : vector<16xi32>
          %sub3A_450 = arith.constant 1 : i32
          %sub3A_451 = vector.broadcast %sub3A_450 : i32 to vector<16xi32>
          %sub3A_452 = arith.subi %add3A_449, %sub3A_451 : vector<16xi32>
          %lt3A_453 = arith.constant 1024 : i32
          %lt3A_454 = vector.broadcast %lt3A_453 : i32 to vector<16xi32>
          %lt3A_455 = arith.cmpi slt, %sub3A_452, %lt3A_454 : vector<16xi32>
          %and3A_456 = arith.andi %ge3A_444, %lt3A_455 : vector<16xi1>
          tpu.vector_store_idx %arg15[%sub3A_452], %get3A_440 masked %and3A_456 : memref<1040xf32, #tpu.memory_space<vmem>>[vector<16xi32>], vector<16xf32>, vector<16xi1>
          tpu.vector_store_idx %arg16[%sub3A_452], %get3A_443 masked %and3A_456 : memref<1040xi32, #tpu.memory_space<vmem>>[vector<16xi32>], vector<16xi32>, vector<16xi1>
          %all_reduce_population_count3A_457 = tpu.all_reduce %and3A_456 {dim = 0 : i64, kind = #tpu.reduction_kind<sum>} : vector<16xi1> -> vector<16xi32>
          %add3A_458 = arith.addi %add3A_437, %all_reduce_population_count3A_457 : vector<16xi32>
          %get3A_459 = arith.index_cast %while3A_399 : i32 to index
          %get3A_460 = arith.constant 48 : index
          %get3A_461 = tpu.vector_load %arg13[%get3A_459, %get3A_460] {strides = array<i32>} : memref<128x128xf32, #tpu.memory_space<vmem>>, vector<16xf32>,
          %get3A_462 = arith.index_cast %while3A_399 : i32 to index
          %get3A_463 = arith.constant 48 : index
          %get3A_464 = tpu.vector_load %arg14[%get3A_462, %get3A_463] {strides = array<i32>} : memref<128x128xi32, #tpu.memory_space<vmem>>, vector<16xi32>,
          %ge3A_465 = arith.cmpf oge, %get3A_461, %add3A_93 : vector<16xf32>
          %convert_element_type3A_466 = arith.extui %ge3A_465 : vector<16xi1> to vector<16xi32>
          %cumsum3A_467 = arith.constant true
          %cumsum3A_468 = vector.broadcast %cumsum3A_467 : i1 to vector<16xi1>
          %cumsum3A_469 = tpu.scan <sum>, %convert_element_type3A_466 masked %cumsum3A_468 : vector<16xi32>, vector<16xi1> -> vector<16xi32>
          %add3A_470 = arith.addi %add3A_458, %cumsum3A_469 : vector<16xi32>
          %sub3A_471 = arith.constant 1 : i32
          %sub3A_472 = vector.broadcast %sub3A_471 : i32 to vector<16xi32>
          %sub3A_473 = arith.subi %add3A_470, %sub3A_472 : vector<16xi32>
          %lt3A_474 = arith.constant 1024 : i32
          %lt3A_475 = vector.broadcast %lt3A_474 : i32 to vector<16xi32>
          %lt3A_476 = arith.cmpi slt, %sub3A_473, %lt3A_475 : vector<16xi32>
          %and3A_477 = arith.andi %ge3A_465, %lt3A_476 : vector<16xi1>
          tpu.vector_store_idx %arg15[%sub3A_473], %get3A_461 masked %and3A_477 : memref<1040xf32, #tpu.memory_space<vmem>>[vector<16xi32>], vector<16xf32>, vector<16xi1>
          tpu.vector_store_idx %arg16[%sub3A_473], %get3A_464 masked %and3A_477 : memref<1040xi32, #tpu.memory_space<vmem>>[vector<16xi32>], vector<16xi32>, vector<16xi1>
          %all_reduce_population_count3A_478 = tpu.all_reduce %and3A_477 {dim = 0 : i64, kind = #tpu.reduction_kind<sum>} : vector<16xi1> -> vector<16xi32>
          %add3A_479 = arith.addi %add3A_458, %all_reduce_population_count3A_478 : vector<16xi32>
          %get3A_480 = arith.index_cast %while3A_399 : i32 to index
          %get3A_481 = arith.constant 64 : index
          %get3A_482 = tpu.vector_load %arg13[%get3A_480, %get3A_481] {strides = array<i32>} : memref<128x128xf32, #tpu.memory_space<vmem>>, vector<16xf32>,
          %get3A_483 = arith.index_cast %while3A_399 : i32 to index
          %get3A_484 = arith.constant 64 : index
          %get3A_485 = tpu.vector_load %arg14[%get3A_483, %get3A_484] {strides = array<i32>} : memref<128x128xi32, #tpu.memory_space<vmem>>, vector<16xi32>,
          %ge3A_486 = arith.cmpf oge, %get3A_482, %add3A_93 : vector<16xf32>
          %convert_element_type3A_487 = arith.extui %ge3A_486 : vector<16xi1> to vector<16xi32>
          %cumsum3A_488 = arith.constant true
          %cumsum3A_489 = vector.broadcast %cumsum3A_488 : i1 to vector<16xi1>
          %cumsum3A_490 = tpu.scan <sum>, %convert_element_type3A_487 masked %cumsum3A_489 : vector<16xi32>, vector<16xi1> -> vector<16xi32>
          %add3A_491 = arith.addi %add3A_479, %cumsum3A_490 : vector<16xi32>
          %sub3A_492 = arith.constant 1 : i32
          %sub3A_493 = vector.broadcast %sub3A_492 : i32 to vector<16xi32>
          %sub3A_494 = arith.subi %add3A_491, %sub3A_493 : vector<16xi32>
          %lt3A_495 = arith.constant 1024 : i32
          %lt3A_496 = vector.broadcast %lt3A_495 : i32 to vector<16xi32>
          %lt3A_497 = arith.cmpi slt, %sub3A_494, %lt3A_496 : vector<16xi32>
          %and3A_498 = arith.andi %ge3A_486, %lt3A_497 : vector<16xi1>
          tpu.vector_store_idx %arg15[%sub3A_494], %get3A_482 masked %and3A_498 : memref<1040xf32, #tpu.memory_space<vmem>>[vector<16xi32>], vector<16xf32>, vector<16xi1>
          tpu.vector_store_idx %arg16[%sub3A_494], %get3A_485 masked %and3A_498 : memref<1040xi32, #tpu.memory_space<vmem>>[vector<16xi32>], vector<16xi32>, vector<16xi1>
          %all_reduce_population_count3A_499 = tpu.all_reduce %and3A_498 {dim = 0 : i64, kind = #tpu.reduction_kind<sum>} : vector<16xi1> -> vector<16xi32>
          %add3A_500 = arith.addi %add3A_479, %all_reduce_population_count3A_499 : vector<16xi32>
          %get3A_501 = arith.index_cast %while3A_399 : i32 to index
          %get3A_502 = arith.constant 80 : index
          %get3A_503 = tpu.vector_load %arg13[%get3A_501, %get3A_502] {strides = array<i32>} : memref<128x128xf32, #tpu.memory_space<vmem>>, vector<16xf32>,
          %get3A_504 = arith.index_cast %while3A_399 : i32 to index
          %get3A_505 = arith.constant 80 : index
          %get3A_506 = tpu.vector_load %arg14[%get3A_504, %get3A_505] {strides = array<i32>} : memref<128x128xi32, #tpu.memory_space<vmem>>, vector<16xi32>,
          %ge3A_507 = arith.cmpf oge, %get3A_503, %add3A_93 : vector<16xf32>
          %convert_element_type3A_508 = arith.extui %ge3A_507 : vector<16xi1> to vector<16xi32>
          %cumsum3A_509 = arith.constant true
          %cumsum3A_510 = vector.broadcast %cumsum3A_509 : i1 to vector<16xi1>
          %cumsum3A_511 = tpu.scan <sum>, %convert_element_type3A_508 masked %cumsum3A_510 : vector<16xi32>, vector<16xi1> -> vector<16xi32>
          %add3A_512 = arith.addi %add3A_500, %cumsum3A_511 : vector<16xi32>
          %sub3A_513 = arith.constant 1 : i32
          %sub3A_514 = vector.broadcast %sub3A_513 : i32 to vector<16xi32>
          %sub3A_515 = arith.subi %add3A_512, %sub3A_514 : vector<16xi32>
          %lt3A_516 = arith.constant 1024 : i32
          %lt3A_517 = vector.broadcast %lt3A_516 : i32 to vector<16xi32>
          %lt3A_518 = arith.cmpi slt, %sub3A_515, %lt3A_517 : vector<16xi32>
          %and3A_519 = arith.andi %ge3A_507, %lt3A_518 : vector<16xi1>
          tpu.vector_store_idx %arg15[%sub3A_515], %get3A_503 masked %and3A_519 : memref<1040xf32, #tpu.memory_space<vmem>>[vector<16xi32>], vector<16xf32>, vector<16xi1>
          tpu.vector_store_idx %arg16[%sub3A_515], %get3A_506 masked %and3A_519 : memref<1040xi32, #tpu.memory_space<vmem>>[vector<16xi32>], vector<16xi32>, vector<16xi1>
          %all_reduce_population_count3A_520 = tpu.all_reduce %and3A_519 {dim = 0 : i64, kind = #tpu.reduction_kind<sum>} : vector<16xi1> -> vector<16xi32>
          %add3A_521 = arith.addi %add3A_500, %all_reduce_population_count3A_520 : vector<16xi32>
          %get3A_522 = arith.index_cast %while3A_399 : i32 to index
          %get3A_523 = arith.constant 96 : index
          %get3A_524 = tpu.vector_load %arg13[%get3A_522, %get3A_523] {strides = array<i32>} : memref<128x128xf32, #tpu.memory_space<vmem>>, vector<16xf32>,
          %get3A_525 = arith.index_cast %while3A_399 : i32 to index
          %get3A_526 = arith.constant 96 : index
          %get3A_527 = tpu.vector_load %arg14[%get3A_525, %get3A_526] {strides = array<i32>} : memref<128x128xi32, #tpu.memory_space<vmem>>, vector<16xi32>,
          %ge3A_528 = arith.cmpf oge, %get3A_524, %add3A_93 : vector<16xf32>
          %convert_element_type3A_529 = arith.extui %ge3A_528 : vector<16xi1> to vector<16xi32>
          %cumsum3A_530 = arith.constant true
          %cumsum3A_531 = vector.broadcast %cumsum3A_530 : i1 to vector<16xi1>
          %cumsum3A_532 = tpu.scan <sum>, %convert_element_type3A_529 masked %cumsum3A_531 : vector<16xi32>, vector<16xi1> -> vector<16xi32>
          %add3A_533 = arith.addi %add3A_521, %cumsum3A_532 : vector<16xi32>
          %sub3A_534 = arith.constant 1 : i32
          %sub3A_535 = vector.broadcast %sub3A_534 : i32 to vector<16xi32>
          %sub3A_536 = arith.subi %add3A_533, %sub3A_535 : vector<16xi32>
          %lt3A_537 = arith.constant 1024 : i32
          %lt3A_538 = vector.broadcast %lt3A_537 : i32 to vector<16xi32>
          %lt3A_539 = arith.cmpi slt, %sub3A_536, %lt3A_538 : vector<16xi32>
          %and3A_540 = arith.andi %ge3A_528, %lt3A_539 : vector<16xi1>
          tpu.vector_store_idx %arg15[%sub3A_536], %get3A_524 masked %and3A_540 : memref<1040xf32, #tpu.memory_space<vmem>>[vector<16xi32>], vector<16xf32>, vector<16xi1>
          tpu.vector_store_idx %arg16[%sub3A_536], %get3A_527 masked %and3A_540 : memref<1040xi32, #tpu.memory_space<vmem>>[vector<16xi32>], vector<16xi32>, vector<16xi1>
          %all_reduce_population_count3A_541 = tpu.all_reduce %and3A_540 {dim = 0 : i64, kind = #tpu.reduction_kind<sum>} : vector<16xi1> -> vector<16xi32>
          %add3A_542 = arith.addi %add3A_521, %all_reduce_population_count3A_541 : vector<16xi32>
          %get3A_543 = arith.index_cast %while3A_399 : i32 to index
          %get3A_544 = arith.constant 112 : index
          %get3A_545 = tpu.vector_load %arg13[%get3A_543, %get3A_544] {strides = array<i32>} : memref<128x128xf32, #tpu.memory_space<vmem>>, vector<16xf32>,
          %get3A_546 = arith.index_cast %while3A_399 : i32 to index
          %get3A_547 = arith.constant 112 : index
          %get3A_548 = tpu.vector_load %arg14[%get3A_546, %get3A_547] {strides = array<i32>} : memref<128x128xi32, #tpu.memory_space<vmem>>, vector<16xi32>,
          %ge3A_549 = arith.cmpf oge, %get3A_545, %add3A_93 : vector<16xf32>
          %convert_element_type3A_550 = arith.extui %ge3A_549 : vector<16xi1> to vector<16xi32>
          %cumsum3A_551 = arith.constant true
          %cumsum3A_552 = vector.broadcast %cumsum3A_551 : i1 to vector<16xi1>
          %cumsum3A_553 = tpu.scan <sum>, %convert_element_type3A_550 masked %cumsum3A_552 : vector<16xi32>, vector<16xi1> -> vector<16xi32>
          %add3A_554 = arith.addi %add3A_542, %cumsum3A_553 : vector<16xi32>
          %sub3A_555 = arith.constant 1 : i32
          %sub3A_556 = vector.broadcast %sub3A_555 : i32 to vector<16xi32>
          %sub3A_557 = arith.subi %add3A_554, %sub3A_556 : vector<16xi32>
          %lt3A_558 = arith.constant 1024 : i32
          %lt3A_559 = vector.broadcast %lt3A_558 : i32 to vector<16xi32>
          %lt3A_560 = arith.cmpi slt, %sub3A_557, %lt3A_559 : vector<16xi32>
          %and3A_561 = arith.andi %ge3A_549, %lt3A_560 : vector<16xi1>
          tpu.vector_store_idx %arg15[%sub3A_557], %get3A_545 masked %and3A_561 : memref<1040xf32, #tpu.memory_space<vmem>>[vector<16xi32>], vector<16xf32>, vector<16xi1>
          tpu.vector_store_idx %arg16[%sub3A_557], %get3A_548 masked %and3A_561 : memref<1040xi32, #tpu.memory_space<vmem>>[vector<16xi32>], vector<16xi32>, vector<16xi1>
          %all_reduce_population_count3A_562 = tpu.all_reduce %and3A_561 {dim = 0 : i64, kind = #tpu.reduction_kind<sum>} : vector<16xi1> -> vector<16xi32>
          %add3A_563 = arith.addi %add3A_542, %all_reduce_population_count3A_562 : vector<16xi32>
          scf.yield %add3A_563 : vector<16xi32>
        }
        %while3A_397 = arith.constant 1 : i32
        %while3A_398 = scf.for %while3A_399 = %while3A_394 to %while3A_390 step %while3A_397 iter_args(%while3A_400 = %while3A_396) -> (vector<16xi32>)  : i32 {
          %get3A = arith.index_cast %while3A_399 : i32 to index
          %get3A_401 = arith.constant 0 : index
          %get3A_402 = tpu.vector_load %arg13[%get3A, %get3A_401] {strides = array<i32>} : memref<128x128xf32, #tpu.memory_space<vmem>>, vector<16xf32>,
          %get3A_403 = arith.index_cast %while3A_399 : i32 to index
          %get3A_404 = arith.constant 0 : index
          %get3A_405 = tpu.vector_load %arg14[%get3A_403, %get3A_404] {strides = array<i32>} : memref<128x128xi32, #tpu.memory_space<vmem>>, vector<16xi32>,
          %ge3A = arith.cmpf oge, %get3A_402, %add3A_93 : vector<16xf32>
          %convert_element_type3A_406 = arith.extui %ge3A : vector<16xi1> to vector<16xi32>
          %cumsum3A = arith.constant true
          %cumsum3A_407 = vector.broadcast %cumsum3A : i1 to vector<16xi1>
          %cumsum3A_408 = tpu.scan <sum>, %convert_element_type3A_406 masked %cumsum3A_407 : vector<16xi32>, vector<16xi1> -> vector<16xi32>
          %add3A_409 = arith.addi %while3A_400, %cumsum3A_408 : vector<16xi32>
          %sub3A_410 = arith.constant 1 : i32
          %sub3A_411 = vector.broadcast %sub3A_410 : i32 to vector<16xi32>
          %sub3A_412 = arith.subi %add3A_409, %sub3A_411 : vector<16xi32>
          %lt3A = arith.constant 1024 : i32
          %lt3A_413 = vector.broadcast %lt3A : i32 to vector<16xi32>
          %lt3A_414 = arith.cmpi slt, %sub3A_412, %lt3A_413 : vector<16xi32>
          %and3A_415 = arith.andi %ge3A, %lt3A_414 : vector<16xi1>
          tpu.vector_store_idx %arg15[%sub3A_412], %get3A_402 masked %and3A_415 : memref<1040xf32, #tpu.memory_space<vmem>>[vector<16xi32>], vector<16xf32>, vector<16xi1>
          tpu.vector_store_idx %arg16[%sub3A_412], %get3A_405 masked %and3A_415 : memref<1040xi32, #tpu.memory_space<vmem>>[vector<16xi32>], vector<16xi32>, vector<16xi1>
          %all_reduce_population_count3A = tpu.all_reduce %and3A_415 {dim = 0 : i64, kind = #tpu.reduction_kind<sum>} : vector<16xi1> -> vector<16xi32>
          %add3A_416 = arith.addi %while3A_400, %all_reduce_population_count3A : vector<16xi32>
          %get3A_417 = arith.index_cast %while3A_399 : i32 to index
          %get3A_418 = arith.constant 16 : index
          %get3A_419 = tpu.vector_load %arg13[%get3A_417, %get3A_418] {strides = array<i32>} : memref<128x128xf32, #tpu.memory_space<vmem>>, vector<16xf32>,
          %get3A_420 = arith.index_cast %while3A_399 : i32 to index
          %get3A_421 = arith.constant 16 : index
          %get3A_422 = tpu.vector_load %arg14[%get3A_420, %get3A_421] {strides = array<i32>} : memref<128x128xi32, #tpu.memory_space<vmem>>, vector<16xi32>,
          %ge3A_423 = arith.cmpf oge, %get3A_419, %add3A_93 : vector<16xf32>
          %convert_element_type3A_424 = arith.extui %ge3A_423 : vector<16xi1> to vector<16xi32>
          %cumsum3A_425 = arith.constant true
          %cumsum3A_426 = vector.broadcast %cumsum3A_425 : i1 to vector<16xi1>
          %cumsum3A_427 = tpu.scan <sum>, %convert_element_type3A_424 masked %cumsum3A_426 : vector<16xi32>, vector<16xi1> -> vector<16xi32>
          %add3A_428 = arith.addi %add3A_416, %cumsum3A_427 : vector<16xi32>
          %sub3A_429 = arith.constant 1 : i32
          %sub3A_430 = vector.broadcast %sub3A_429 : i32 to vector<16xi32>
          %sub3A_431 = arith.subi %add3A_428, %sub3A_430 : vector<16xi32>
          %lt3A_432 = arith.constant 1024 : i32
          %lt3A_433 = vector.broadcast %lt3A_432 : i32 to vector<16xi32>
          %lt3A_434 = arith.cmpi slt, %sub3A_431, %lt3A_433 : vector<16xi32>
          %and3A_435 = arith.andi %ge3A_423, %lt3A_434 : vector<16xi1>
          tpu.vector_store_idx %arg15[%sub3A_431], %get3A_419 masked %and3A_435 : memref<1040xf32, #tpu.memory_space<vmem>>[vector<16xi32>], vector<16xf32>, vector<16xi1>
          tpu.vector_store_idx %arg16[%sub3A_431], %get3A_422 masked %and3A_435 : memref<1040xi32, #tpu.memory_space<vmem>>[vector<16xi32>], vector<16xi32>, vector<16xi1>
          %all_reduce_population_count3A_436 = tpu.all_reduce %and3A_435 {dim = 0 : i64, kind = #tpu.reduction_kind<sum>} : vector<16xi1> -> vector<16xi32>
          %add3A_437 = arith.addi %add3A_416, %all_reduce_population_count3A_436 : vector<16xi32>
          %get3A_438 = arith.index_cast %while3A_399 : i32 to index
          %get3A_439 = arith.constant 32 : index
          %get3A_440 = tpu.vector_load %arg13[%get3A_438, %get3A_439] {strides = array<i32>} : memref<128x128xf32, #tpu.memory_space<vmem>>, vector<16xf32>,
          %get3A_441 = arith.index_cast %while3A_399 : i32 to index
          %get3A_442 = arith.constant 32 : index
          %get3A_443 = tpu.vector_load %arg14[%get3A_441, %get3A_442] {strides = array<i32>} : memref<128x128xi32, #tpu.memory_space<vmem>>, vector<16xi32>,
          %ge3A_444 = arith.cmpf oge, %get3A_440, %add3A_93 : vector<16xf32>
          %convert_element_type3A_445 = arith.extui %ge3A_444 : vector<16xi1> to vector<16xi32>
          %cumsum3A_446 = arith.constant true
          %cumsum3A_447 = vector.broadcast %cumsum3A_446 : i1 to vector<16xi1>
          %cumsum3A_448 = tpu.scan <sum>, %convert_element_type3A_445 masked %cumsum3A_447 : vector<16xi32>, vector<16xi1> -> vector<16xi32>
          %add3A_449 = arith.addi %add3A_437, %cumsum3A_448 : vector<16xi32>
          %sub3A_450 = arith.constant 1 : i32
          %sub3A_451 = vector.broadcast %sub3A_450 : i32 to vector<16xi32>
          %sub3A_452 = arith.subi %add3A_449, %sub3A_451 : vector<16xi32>
          %lt3A_453 = arith.constant 1024 : i32
          %lt3A_454 = vector.broadcast %lt3A_453 : i32 to vector<16xi32>
          %lt3A_455 = arith.cmpi slt, %sub3A_452, %lt3A_454 : vector<16xi32>
          %and3A_456 = arith.andi %ge3A_444, %lt3A_455 : vector<16xi1>
          tpu.vector_store_idx %arg15[%sub3A_452], %get3A_440 masked %and3A_456 : memref<1040xf32, #tpu.memory_space<vmem>>[vector<16xi32>], vector<16xf32>, vector<16xi1>
          tpu.vector_store_idx %arg16[%sub3A_452], %get3A_443 masked %and3A_456 : memref<1040xi32, #tpu.memory_space<vmem>>[vector<16xi32>], vector<16xi32>, vector<16xi1>
          %all_reduce_population_count3A_457 = tpu.all_reduce %and3A_456 {dim = 0 : i64, kind = #tpu.reduction_kind<sum>} : vector<16xi1> -> vector<16xi32>
          %add3A_458 = arith.addi %add3A_437, %all_reduce_population_count3A_457 : vector<16xi32>
          %get3A_459 = arith.index_cast %while3A_399 : i32 to index
          %get3A_460 = arith.constant 48 : index
          %get3A_461 = tpu.vector_load %arg13[%get3A_459, %get3A_460] {strides = array<i32>} : memref<128x128xf32, #tpu.memory_space<vmem>>, vector<16xf32>,
          %get3A_462 = arith.index_cast %while3A_399 : i32 to index
          %get3A_463 = arith.constant 48 : index
          %get3A_464 = tpu.vector_load %arg14[%get3A_462, %get3A_463] {strides = array<i32>} : memref<128x128xi32, #tpu.memory_space<vmem>>, vector<16xi32>,
          %ge3A_465 = arith.cmpf oge, %get3A_461, %add3A_93 : vector<16xf32>
          %convert_element_type3A_466 = arith.extui %ge3A_465 : vector<16xi1> to vector<16xi32>
          %cumsum3A_467 = arith.constant true
          %cumsum3A_468 = vector.broadcast %cumsum3A_467 : i1 to vector<16xi1>
          %cumsum3A_469 = tpu.scan <sum>, %convert_element_type3A_466 masked %cumsum3A_468 : vector<16xi32>, vector<16xi1> -> vector<16xi32>
          %add3A_470 = arith.addi %add3A_458, %cumsum3A_469 : vector<16xi32>
          %sub3A_471 = arith.constant 1 : i32
          %sub3A_472 = vector.broadcast %sub3A_471 : i32 to vector<16xi32>
          %sub3A_473 = arith.subi %add3A_470, %sub3A_472 : vector<16xi32>
          %lt3A_474 = arith.constant 1024 : i32
          %lt3A_475 = vector.broadcast %lt3A_474 : i32 to vector<16xi32>
          %lt3A_476 = arith.cmpi slt, %sub3A_473, %lt3A_475 : vector<16xi32>
          %and3A_477 = arith.andi %ge3A_465, %lt3A_476 : vector<16xi1>
          tpu.vector_store_idx %arg15[%sub3A_473], %get3A_461 masked %and3A_477 : memref<1040xf32, #tpu.memory_space<vmem>>[vector<16xi32>], vector<16xf32>, vector<16xi1>
          tpu.vector_store_idx %arg16[%sub3A_473], %get3A_464 masked %and3A_477 : memref<1040xi32, #tpu.memory_space<vmem>>[vector<16xi32>], vector<16xi32>, vector<16xi1>
          %all_reduce_population_count3A_478 = tpu.all_reduce %and3A_477 {dim = 0 : i64, kind = #tpu.reduction_kind<sum>} : vector<16xi1> -> vector<16xi32>
          %add3A_479 = arith.addi %add3A_458, %all_reduce_population_count3A_478 : vector<16xi32>
          %get3A_480 = arith.index_cast %while3A_399 : i32 to index
          %get3A_481 = arith.constant 64 : index
          %get3A_482 = tpu.vector_load %arg13[%get3A_480, %get3A_481] {strides = array<i32>} : memref<128x128xf32, #tpu.memory_space<vmem>>, vector<16xf32>,
          %get3A_483 = arith.index_cast %while3A_399 : i32 to index
          %get3A_484 = arith.constant 64 : index
          %get3A_485 = tpu.vector_load %arg14[%get3A_483, %get3A_484] {strides = array<i32>} : memref<128x128xi32, #tpu.memory_space<vmem>>, vector<16xi32>,
          %ge3A_486 = arith.cmpf oge, %get3A_482, %add3A_93 : vector<16xf32>
          %convert_element_type3A_487 = arith.extui %ge3A_486 : vector<16xi1> to vector<16xi32>
          %cumsum3A_488 = arith.constant true
          %cumsum3A_489 = vector.broadcast %cumsum3A_488 : i1 to vector<16xi1>
          %cumsum3A_490 = tpu.scan <sum>, %convert_element_type3A_487 masked %cumsum3A_489 : vector<16xi32>, vector<16xi1> -> vector<16xi32>
          %add3A_491 = arith.addi %add3A_479, %cumsum3A_490 : vector<16xi32>
          %sub3A_492 = arith.constant 1 : i32
          %sub3A_493 = vector.broadcast %sub3A_492 : i32 to vector<16xi32>
          %sub3A_494 = arith.subi %add3A_491, %sub3A_493 : vector<16xi32>
          %lt3A_495 = arith.constant 1024 : i32
          %lt3A_496 = vector.broadcast %lt3A_495 : i32 to vector<16xi32>
          %lt3A_497 = arith.cmpi slt, %sub3A_494, %lt3A_496 : vector<16xi32>
          %and3A_498 = arith.andi %ge3A_486, %lt3A_497 : vector<16xi1>
          tpu.vector_store_idx %arg15[%sub3A_494], %get3A_482 masked %and3A_498 : memref<1040xf32, #tpu.memory_space<vmem>>[vector<16xi32>], vector<16xf32>, vector<16xi1>
          tpu.vector_store_idx %arg16[%sub3A_494], %get3A_485 masked %and3A_498 : memref<1040xi32, #tpu.memory_space<vmem>>[vector<16xi32>], vector<16xi32>, vector<16xi1>
          %all_reduce_population_count3A_499 = tpu.all_reduce %and3A_498 {dim = 0 : i64, kind = #tpu.reduction_kind<sum>} : vector<16xi1> -> vector<16xi32>
          %add3A_500 = arith.addi %add3A_479, %all_reduce_population_count3A_499 : vector<16xi32>
          %get3A_501 = arith.index_cast %while3A_399 : i32 to index
          %get3A_502 = arith.constant 80 : index
          %get3A_503 = tpu.vector_load %arg13[%get3A_501, %get3A_502] {strides = array<i32>} : memref<128x128xf32, #tpu.memory_space<vmem>>, vector<16xf32>,
          %get3A_504 = arith.index_cast %while3A_399 : i32 to index
          %get3A_505 = arith.constant 80 : index
          %get3A_506 = tpu.vector_load %arg14[%get3A_504, %get3A_505] {strides = array<i32>} : memref<128x128xi32, #tpu.memory_space<vmem>>, vector<16xi32>,
          %ge3A_507 = arith.cmpf oge, %get3A_503, %add3A_93 : vector<16xf32>
          %convert_element_type3A_508 = arith.extui %ge3A_507 : vector<16xi1> to vector<16xi32>
          %cumsum3A_509 = arith.constant true
          %cumsum3A_510 = vector.broadcast %cumsum3A_509 : i1 to vector<16xi1>
          %cumsum3A_511 = tpu.scan <sum>, %convert_element_type3A_508 masked %cumsum3A_510 : vector<16xi32>, vector<16xi1> -> vector<16xi32>
          %add3A_512 = arith.addi %add3A_500, %cumsum3A_511 : vector<16xi32>
          %sub3A_513 = arith.constant 1 : i32
          %sub3A_514 = vector.broadcast %sub3A_513 : i32 to vector<16xi32>
          %sub3A_515 = arith.subi %add3A_512, %sub3A_514 : vector<16xi32>
          %lt3A_516 = arith.constant 1024 : i32
          %lt3A_517 = vector.broadcast %lt3A_516 : i32 to vector<16xi32>
          %lt3A_518 = arith.cmpi slt, %sub3A_515, %lt3A_517 : vector<16xi32>
          %and3A_519 = arith.andi %ge3A_507, %lt3A_518 : vector<16xi1>
          tpu.vector_store_idx %arg15[%sub3A_515], %get3A_503 masked %and3A_519 : memref<1040xf32, #tpu.memory_space<vmem>>[vector<16xi32>], vector<16xf32>, vector<16xi1>
          tpu.vector_store_idx %arg16[%sub3A_515], %get3A_506 masked %and3A_519 : memref<1040xi32, #tpu.memory_space<vmem>>[vector<16xi32>], vector<16xi32>, vector<16xi1>
          %all_reduce_population_count3A_520 = tpu.all_reduce %and3A_519 {dim = 0 : i64, kind = #tpu.reduction_kind<sum>} : vector<16xi1> -> vector<16xi32>
          %add3A_521 = arith.addi %add3A_500, %all_reduce_population_count3A_520 : vector<16xi32>
          %get3A_522 = arith.index_cast %while3A_399 : i32 to index
          %get3A_523 = arith.constant 96 : index
          %get3A_524 = tpu.vector_load %arg13[%get3A_522, %get3A_523] {strides = array<i32>} : memref<128x128xf32, #tpu.memory_space<vmem>>, vector<16xf32>,
          %get3A_525 = arith.index_cast %while3A_399 : i32 to index
          %get3A_526 = arith.constant 96 : index
          %get3A_527 = tpu.vector_load %arg14[%get3A_525, %get3A_526] {strides = array<i32>} : memref<128x128xi32, #tpu.memory_space<vmem>>, vector<16xi32>,
          %ge3A_528 = arith.cmpf oge, %get3A_524, %add3A_93 : vector<16xf32>
          %convert_element_type3A_529 = arith.extui %ge3A_528 : vector<16xi1> to vector<16xi32>
          %cumsum3A_530 = arith.constant true
          %cumsum3A_531 = vector.broadcast %cumsum3A_530 : i1 to vector<16xi1>
          %cumsum3A_532 = tpu.scan <sum>, %convert_element_type3A_529 masked %cumsum3A_531 : vector<16xi32>, vector<16xi1> -> vector<16xi32>
          %add3A_533 = arith.addi %add3A_521, %cumsum3A_532 : vector<16xi32>
          %sub3A_534 = arith.constant 1 : i32
          %sub3A_535 = vector.broadcast %sub3A_534 : i32 to vector<16xi32>
          %sub3A_536 = arith.subi %add3A_533, %sub3A_535 : vector<16xi32>
          %lt3A_537 = arith.constant 1024 : i32
          %lt3A_538 = vector.broadcast %lt3A_537 : i32 to vector<16xi32>
          %lt3A_539 = arith.cmpi slt, %sub3A_536, %lt3A_538 : vector<16xi32>
          %and3A_540 = arith.andi %ge3A_528, %lt3A_539 : vector<16xi1>
          tpu.vector_store_idx %arg15[%sub3A_536], %get3A_524 masked %and3A_540 : memref<1040xf32, #tpu.memory_space<vmem>>[vector<16xi32>], vector<16xf32>, vector<16xi1>
          tpu.vector_store_idx %arg16[%sub3A_536], %get3A_527 masked %and3A_540 : memref<1040xi32, #tpu.memory_space<vmem>>[vector<16xi32>], vector<16xi32>, vector<16xi1>
          %all_reduce_population_count3A_541 = tpu.all_reduce %and3A_540 {dim = 0 : i64, kind = #tpu.reduction_kind<sum>} : vector<16xi1> -> vector<16xi32>
          %add3A_542 = arith.addi %add3A_521, %all_reduce_population_count3A_541 : vector<16xi32>
          %get3A_543 = arith.index_cast %while3A_399 : i32 to index
          %get3A_544 = arith.constant 112 : index
          %get3A_545 = tpu.vector_load %arg13[%get3A_543, %get3A_544] {strides = array<i32>} : memref<128x128xf32, #tpu.memory_space<vmem>>, vector<16xf32>,
          %get3A_546 = arith.index_cast %while3A_399 : i32 to index
          %get3A_547 = arith.constant 112 : index
          %get3A_548 = tpu.vector_load %arg14[%get3A_546, %get3A_547] {strides = array<i32>} : memref<128x128xi32, #tpu.memory_space<vmem>>, vector<16xi32>,
          %ge3A_549 = arith.cmpf oge, %get3A_545, %add3A_93 : vector<16xf32>
          %convert_element_type3A_550 = arith.extui %ge3A_549 : vector<16xi1> to vector<16xi32>
          %cumsum3A_551 = arith.constant true
          %cumsum3A_552 = vector.broadcast %cumsum3A_551 : i1 to vector<16xi1>
          %cumsum3A_553 = tpu.scan <sum>, %convert_element_type3A_550 masked %cumsum3A_552 : vector<16xi32>, vector<16xi1> -> vector<16xi32>
          %add3A_554 = arith.addi %add3A_542, %cumsum3A_553 : vector<16xi32>
          %sub3A_555 = arith.constant 1 : i32
          %sub3A_556 = vector.broadcast %sub3A_555 : i32 to vector<16xi32>
          %sub3A_557 = arith.subi %add3A_554, %sub3A_556 : vector<16xi32>
          %lt3A_558 = arith.constant 1024 : i32
          %lt3A_559 = vector.broadcast %lt3A_558 : i32 to vector<16xi32>
          %lt3A_560 = arith.cmpi slt, %sub3A_557, %lt3A_559 : vector<16xi32>
          %and3A_561 = arith.andi %ge3A_549, %lt3A_560 : vector<16xi1>
          tpu.vector_store_idx %arg15[%sub3A_557], %get3A_545 masked %and3A_561 : memref<1040xf32, #tpu.memory_space<vmem>>[vector<16xi32>], vector<16xf32>, vector<16xi1>
          tpu.vector_store_idx %arg16[%sub3A_557], %get3A_548 masked %and3A_561 : memref<1040xi32, #tpu.memory_space<vmem>>[vector<16xi32>], vector<16xi32>, vector<16xi1>
          %all_reduce_population_count3A_562 = tpu.all_reduce %and3A_561 {dim = 0 : i64, kind = #tpu.reduction_kind<sum>} : vector<16xi1> -> vector<16xi32>
          %add3A_563 = arith.addi %add3A_542, %all_reduce_population_count3A_562 : vector<16xi32>
          scf.yield %add3A_563 : vector<16xi32>
        }
        scf.yield %while3A_398 : vector<16xi32>
      }
      %while3A_141 = arith.constant 1 : i32
      %while3A_142 = scf.for %while3A_358 = %while3A_138 to %while3A_134 step %while3A_141 iter_args(%while3A_359 = %while3A_140) -> (vector<16xi32>)  : i32 {
        %dma_start3A_360 = arith.constant 0 : i32
        %dma_start3A_361 = tpu.memref_slice %arg11[%while3A_358, %dma_start3A_360] : memref<4x128xi32, #tpu.memory_space<vmem>> -> memref<1x128xi32, #tpu.memory_space<vmem>>
        %dma_start3A_362 = tpu.memref_squeeze %dma_start3A_361 : memref<1x128xi32, #tpu.memory_space<vmem>> -> memref<128xi32, #tpu.memory_space<vmem>>
        %dma_start3A_363 = arith.constant 0 : i32
        %dma_start3A_364 = arith.constant 0 : i32
        %dma_start3A_365 = tpu.memref_slice %arg2[%dma_start3A_363, %dma_start3A_364] : memref<802816x128xf32, #tpu.memory_space<hbm>> -> memref<802816x128xf32, #tpu.memory_space<hbm>>
        tpu.enqueue_indirect_dma source(%dma_start3A_365 : memref<802816x128xf32, #tpu.memory_space<hbm>>) target(%arg13 : memref<128x128xf32, #tpu.memory_space<vmem>>) offsets(%dma_start3A_362 : memref<128xi32, #tpu.memory_space<vmem>>) semaphore(%arg19 : memref<!tpu.dma_semaphore, #tpu.memory_space<semaphore_mem>>)
        %dma_start3A_366 = arith.constant 0 : i32
        %dma_start3A_367 = tpu.memref_slice %arg12[%while3A_358, %dma_start3A_366] : memref<4x128xi32, #tpu.memory_space<vmem>> -> memref<1x128xi32, #tpu.memory_space<vmem>>
        %dma_start3A_368 = tpu.memref_squeeze %dma_start3A_367 : memref<1x128xi32, #tpu.memory_space<vmem>> -> memref<128xi32, #tpu.memory_space<vmem>>
        %dma_start3A_369 = arith.constant 0 : i32
        %dma_start3A_370 = arith.constant 0 : i32
        %dma_start3A_371 = tpu.memref_slice %arg4[%dma_start3A_369, %dma_start3A_370] : memref<784x128xi32, #tpu.memory_space<hbm>> -> memref<784x128xi32, #tpu.memory_space<hbm>>
        tpu.enqueue_indirect_dma source(%dma_start3A_371 : memref<784x128xi32, #tpu.memory_space<hbm>>) target(%arg14 : memref<128x128xi32, #tpu.memory_space<vmem>>) offsets(%dma_start3A_368 : memref<128xi32, #tpu.memory_space<vmem>>) semaphore(%arg19 : memref<!tpu.dma_semaphore, #tpu.memory_space<semaphore_mem>>)
        %dma_wait3A_372 = arith.constant 0 : i32
        %dma_wait3A_373 = tpu.memref_slice %arg11[%while3A_358, %dma_wait3A_372] : memref<4x128xi32, #tpu.memory_space<vmem>> -> memref<1x128xi32, #tpu.memory_space<vmem>>
        %dma_wait3A_374 = tpu.memref_squeeze %dma_wait3A_373 : memref<1x128xi32, #tpu.memory_space<vmem>> -> memref<128xi32, #tpu.memory_space<vmem>>
        %dma_wait3A_375 = arith.constant 0 : i32
        %dma_wait3A_376 = arith.constant 0 : i32
        %dma_wait3A_377 = tpu.memref_slice %arg2[%dma_wait3A_375, %dma_wait3A_376] : memref<802816x128xf32, #tpu.memory_space<hbm>> -> memref<802816x128xf32, #tpu.memory_space<hbm>>
        tpu.wait_indirect_dma semaphore(%arg19 : memref<!tpu.dma_semaphore, #tpu.memory_space<semaphore_mem>>) src(%dma_wait3A_377 : memref<802816x128xf32, #tpu.memory_space<hbm>>) dst(%arg13 : memref<128x128xf32, #tpu.memory_space<vmem>>)
        %dma_wait3A_378 = arith.constant 0 : i32
        %dma_wait3A_379 = tpu.memref_slice %arg12[%while3A_358, %dma_wait3A_378] : memref<4x128xi32, #tpu.memory_space<vmem>> -> memref<1x128xi32, #tpu.memory_space<vmem>>
        %dma_wait3A_380 = tpu.memref_squeeze %dma_wait3A_379 : memref<1x128xi32, #tpu.memory_space<vmem>> -> memref<128xi32, #tpu.memory_space<vmem>>
        %dma_wait3A_381 = arith.constant 0 : i32
        %dma_wait3A_382 = arith.constant 0 : i32
        %dma_wait3A_383 = tpu.memref_slice %arg4[%dma_wait3A_381, %dma_wait3A_382] : memref<784x128xi32, #tpu.memory_space<hbm>> -> memref<784x128xi32, #tpu.memory_space<hbm>>
        tpu.wait_indirect_dma semaphore(%arg19 : memref<!tpu.dma_semaphore, #tpu.memory_space<semaphore_mem>>) src(%dma_wait3A_383 : memref<784x128xi32, #tpu.memory_space<hbm>>) dst(%arg14 : memref<128x128xi32, #tpu.memory_space<vmem>>)
        %mul3A_384 = arith.constant 128 : i32
        %mul3A_385 = arith.muli %while3A_358, %mul3A_384 : i32
        %sub3A_386 = arith.subi %reduce_max3A_107, %mul3A_385 : i32
        %min3A = arith.constant 128 : i32
        %min3A_387 = arith.minsi %sub3A_386, %min3A : i32
        %while3A_388 = arith.constant 0 : i32
        %while3A_389 = arith.subi %min3A_387, %while3A_388 : i32
        %while3A_390 = arith.addi %while3A_388, %while3A_389 : i32
        %while3A_391 = arith.constant 1 : i32
        %while3A_392 = arith.divsi %while3A_389, %while3A_391 : i32
        %while3A_393 = arith.muli %while3A_392, %while3A_391 : i32
        %while3A_394 = arith.addi %while3A_388, %while3A_393 : i32
        %while3A_395 = arith.constant 1 : i32
        %while3A_396 = scf.for %while3A_399 = %while3A_388 to %while3A_394 step %while3A_395 iter_args(%while3A_400 = %while3A_359) -> (vector<16xi32>)  : i32 {
          %get3A = arith.index_cast %while3A_399 : i32 to index
          %get3A_401 = arith.constant 0 : index
          %get3A_402 = tpu.vector_load %arg13[%get3A, %get3A_401] {strides = array<i32>} : memref<128x128xf32, #tpu.memory_space<vmem>>, vector<16xf32>,
          %get3A_403 = arith.index_cast %while3A_399 : i32 to index
          %get3A_404 = arith.constant 0 : index
          %get3A_405 = tpu.vector_load %arg14[%get3A_403, %get3A_404] {strides = array<i32>} : memref<128x128xi32, #tpu.memory_space<vmem>>, vector<16xi32>,
          %ge3A = arith.cmpf oge, %get3A_402, %add3A_93 : vector<16xf32>
          %convert_element_type3A_406 = arith.extui %ge3A : vector<16xi1> to vector<16xi32>
          %cumsum3A = arith.constant true
          %cumsum3A_407 = vector.broadcast %cumsum3A : i1 to vector<16xi1>
          %cumsum3A_408 = tpu.scan <sum>, %convert_element_type3A_406 masked %cumsum3A_407 : vector<16xi32>, vector<16xi1> -> vector<16xi32>
          %add3A_409 = arith.addi %while3A_400, %cumsum3A_408 : vector<16xi32>
          %sub3A_410 = arith.constant 1 : i32
          %sub3A_411 = vector.broadcast %sub3A_410 : i32 to vector<16xi32>
          %sub3A_412 = arith.subi %add3A_409, %sub3A_411 : vector<16xi32>
          %lt3A = arith.constant 1024 : i32
          %lt3A_413 = vector.broadcast %lt3A : i32 to vector<16xi32>
          %lt3A_414 = arith.cmpi slt, %sub3A_412, %lt3A_413 : vector<16xi32>
          %and3A_415 = arith.andi %ge3A, %lt3A_414 : vector<16xi1>
          tpu.vector_store_idx %arg15[%sub3A_412], %get3A_402 masked %and3A_415 : memref<1040xf32, #tpu.memory_space<vmem>>[vector<16xi32>], vector<16xf32>, vector<16xi1>
          tpu.vector_store_idx %arg16[%sub3A_412], %get3A_405 masked %and3A_415 : memref<1040xi32, #tpu.memory_space<vmem>>[vector<16xi32>], vector<16xi32>, vector<16xi1>
          %all_reduce_population_count3A = tpu.all_reduce %and3A_415 {dim = 0 : i64, kind = #tpu.reduction_kind<sum>} : vector<16xi1> -> vector<16xi32>
          %add3A_416 = arith.addi %while3A_400, %all_reduce_population_count3A : vector<16xi32>
          %get3A_417 = arith.index_cast %while3A_399 : i32 to index
          %get3A_418 = arith.constant 16 : index
          %get3A_419 = tpu.vector_load %arg13[%get3A_417, %get3A_418] {strides = array<i32>} : memref<128x128xf32, #tpu.memory_space<vmem>>, vector<16xf32>,
          %get3A_420 = arith.index_cast %while3A_399 : i32 to index
          %get3A_421 = arith.constant 16 : index
          %get3A_422 = tpu.vector_load %arg14[%get3A_420, %get3A_421] {strides = array<i32>} : memref<128x128xi32, #tpu.memory_space<vmem>>, vector<16xi32>,
          %ge3A_423 = arith.cmpf oge, %get3A_419, %add3A_93 : vector<16xf32>
          %convert_element_type3A_424 = arith.extui %ge3A_423 : vector<16xi1> to vector<16xi32>
          %cumsum3A_425 = arith.constant true
          %cumsum3A_426 = vector.broadcast %cumsum3A_425 : i1 to vector<16xi1>
          %cumsum3A_427 = tpu.scan <sum>, %convert_element_type3A_424 masked %cumsum3A_426 : vector<16xi32>, vector<16xi1> -> vector<16xi32>
          %add3A_428 = arith.addi %add3A_416, %cumsum3A_427 : vector<16xi32>
          %sub3A_429 = arith.constant 1 : i32
          %sub3A_430 = vector.broadcast %sub3A_429 : i32 to vector<16xi32>
          %sub3A_431 = arith.subi %add3A_428, %sub3A_430 : vector<16xi32>
          %lt3A_432 = arith.constant 1024 : i32
          %lt3A_433 = vector.broadcast %lt3A_432 : i32 to vector<16xi32>
          %lt3A_434 = arith.cmpi slt, %sub3A_431, %lt3A_433 : vector<16xi32>
          %and3A_435 = arith.andi %ge3A_423, %lt3A_434 : vector<16xi1>
          tpu.vector_store_idx %arg15[%sub3A_431], %get3A_419 masked %and3A_435 : memref<1040xf32, #tpu.memory_space<vmem>>[vector<16xi32>], vector<16xf32>, vector<16xi1>
          tpu.vector_store_idx %arg16[%sub3A_431], %get3A_422 masked %and3A_435 : memref<1040xi32, #tpu.memory_space<vmem>>[vector<16xi32>], vector<16xi32>, vector<16xi1>
          %all_reduce_population_count3A_436 = tpu.all_reduce %and3A_435 {dim = 0 : i64, kind = #tpu.reduction_kind<sum>} : vector<16xi1> -> vector<16xi32>
          %add3A_437 = arith.addi %add3A_416, %all_reduce_population_count3A_436 : vector<16xi32>
          %get3A_438 = arith.index_cast %while3A_399 : i32 to index
          %get3A_439 = arith.constant 32 : index
          %get3A_440 = tpu.vector_load %arg13[%get3A_438, %get3A_439] {strides = array<i32>} : memref<128x128xf32, #tpu.memory_space<vmem>>, vector<16xf32>,
          %get3A_441 = arith.index_cast %while3A_399 : i32 to index
          %get3A_442 = arith.constant 32 : index
          %get3A_443 = tpu.vector_load %arg14[%get3A_441, %get3A_442] {strides = array<i32>} : memref<128x128xi32, #tpu.memory_space<vmem>>, vector<16xi32>,
          %ge3A_444 = arith.cmpf oge, %get3A_440, %add3A_93 : vector<16xf32>
          %convert_element_type3A_445 = arith.extui %ge3A_444 : vector<16xi1> to vector<16xi32>
          %cumsum3A_446 = arith.constant true
          %cumsum3A_447 = vector.broadcast %cumsum3A_446 : i1 to vector<16xi1>
          %cumsum3A_448 = tpu.scan <sum>, %convert_element_type3A_445 masked %cumsum3A_447 : vector<16xi32>, vector<16xi1> -> vector<16xi32>
          %add3A_449 = arith.addi %add3A_437, %cumsum3A_448 : vector<16xi32>
          %sub3A_450 = arith.constant 1 : i32
          %sub3A_451 = vector.broadcast %sub3A_450 : i32 to vector<16xi32>
          %sub3A_452 = arith.subi %add3A_449, %sub3A_451 : vector<16xi32>
          %lt3A_453 = arith.constant 1024 : i32
          %lt3A_454 = vector.broadcast %lt3A_453 : i32 to vector<16xi32>
          %lt3A_455 = arith.cmpi slt, %sub3A_452, %lt3A_454 : vector<16xi32>
          %and3A_456 = arith.andi %ge3A_444, %lt3A_455 : vector<16xi1>
          tpu.vector_store_idx %arg15[%sub3A_452], %get3A_440 masked %and3A_456 : memref<1040xf32, #tpu.memory_space<vmem>>[vector<16xi32>], vector<16xf32>, vector<16xi1>
          tpu.vector_store_idx %arg16[%sub3A_452], %get3A_443 masked %and3A_456 : memref<1040xi32, #tpu.memory_space<vmem>>[vector<16xi32>], vector<16xi32>, vector<16xi1>
          %all_reduce_population_count3A_457 = tpu.all_reduce %and3A_456 {dim = 0 : i64, kind = #tpu.reduction_kind<sum>} : vector<16xi1> -> vector<16xi32>
          %add3A_458 = arith.addi %add3A_437, %all_reduce_population_count3A_457 : vector<16xi32>
          %get3A_459 = arith.index_cast %while3A_399 : i32 to index
          %get3A_460 = arith.constant 48 : index
          %get3A_461 = tpu.vector_load %arg13[%get3A_459, %get3A_460] {strides = array<i32>} : memref<128x128xf32, #tpu.memory_space<vmem>>, vector<16xf32>,
          %get3A_462 = arith.index_cast %while3A_399 : i32 to index
          %get3A_463 = arith.constant 48 : index
          %get3A_464 = tpu.vector_load %arg14[%get3A_462, %get3A_463] {strides = array<i32>} : memref<128x128xi32, #tpu.memory_space<vmem>>, vector<16xi32>,
          %ge3A_465 = arith.cmpf oge, %get3A_461, %add3A_93 : vector<16xf32>
          %convert_element_type3A_466 = arith.extui %ge3A_465 : vector<16xi1> to vector<16xi32>
          %cumsum3A_467 = arith.constant true
          %cumsum3A_468 = vector.broadcast %cumsum3A_467 : i1 to vector<16xi1>
          %cumsum3A_469 = tpu.scan <sum>, %convert_element_type3A_466 masked %cumsum3A_468 : vector<16xi32>, vector<16xi1> -> vector<16xi32>
          %add3A_470 = arith.addi %add3A_458, %cumsum3A_469 : vector<16xi32>
          %sub3A_471 = arith.constant 1 : i32
          %sub3A_472 = vector.broadcast %sub3A_471 : i32 to vector<16xi32>
          %sub3A_473 = arith.subi %add3A_470, %sub3A_472 : vector<16xi32>
          %lt3A_474 = arith.constant 1024 : i32
          %lt3A_475 = vector.broadcast %lt3A_474 : i32 to vector<16xi32>
          %lt3A_476 = arith.cmpi slt, %sub3A_473, %lt3A_475 : vector<16xi32>
          %and3A_477 = arith.andi %ge3A_465, %lt3A_476 : vector<16xi1>
          tpu.vector_store_idx %arg15[%sub3A_473], %get3A_461 masked %and3A_477 : memref<1040xf32, #tpu.memory_space<vmem>>[vector<16xi32>], vector<16xf32>, vector<16xi1>
          tpu.vector_store_idx %arg16[%sub3A_473], %get3A_464 masked %and3A_477 : memref<1040xi32, #tpu.memory_space<vmem>>[vector<16xi32>], vector<16xi32>, vector<16xi1>
          %all_reduce_population_count3A_478 = tpu.all_reduce %and3A_477 {dim = 0 : i64, kind = #tpu.reduction_kind<sum>} : vector<16xi1> -> vector<16xi32>
          %add3A_479 = arith.addi %add3A_458, %all_reduce_population_count3A_478 : vector<16xi32>
          %get3A_480 = arith.index_cast %while3A_399 : i32 to index
          %get3A_481 = arith.constant 64 : index
          %get3A_482 = tpu.vector_load %arg13[%get3A_480, %get3A_481] {strides = array<i32>} : memref<128x128xf32, #tpu.memory_space<vmem>>, vector<16xf32>,
          %get3A_483 = arith.index_cast %while3A_399 : i32 to index
          %get3A_484 = arith.constant 64 : index
          %get3A_485 = tpu.vector_load %arg14[%get3A_483, %get3A_484] {strides = array<i32>} : memref<128x128xi32, #tpu.memory_space<vmem>>, vector<16xi32>,
          %ge3A_486 = arith.cmpf oge, %get3A_482, %add3A_93 : vector<16xf32>
          %convert_element_type3A_487 = arith.extui %ge3A_486 : vector<16xi1> to vector<16xi32>
          %cumsum3A_488 = arith.constant true
          %cumsum3A_489 = vector.broadcast %cumsum3A_488 : i1 to vector<16xi1>
          %cumsum3A_490 = tpu.scan <sum>, %convert_element_type3A_487 masked %cumsum3A_489 : vector<16xi32>, vector<16xi1> -> vector<16xi32>
          %add3A_491 = arith.addi %add3A_479, %cumsum3A_490 : vector<16xi32>
          %sub3A_492 = arith.constant 1 : i32
          %sub3A_493 = vector.broadcast %sub3A_492 : i32 to vector<16xi32>
          %sub3A_494 = arith.subi %add3A_491, %sub3A_493 : vector<16xi32>
          %lt3A_495 = arith.constant 1024 : i32
          %lt3A_496 = vector.broadcast %lt3A_495 : i32 to vector<16xi32>
          %lt3A_497 = arith.cmpi slt, %sub3A_494, %lt3A_496 : vector<16xi32>
          %and3A_498 = arith.andi %ge3A_486, %lt3A_497 : vector<16xi1>
          tpu.vector_store_idx %arg15[%sub3A_494], %get3A_482 masked %and3A_498 : memref<1040xf32, #tpu.memory_space<vmem>>[vector<16xi32>], vector<16xf32>, vector<16xi1>
          tpu.vector_store_idx %arg16[%sub3A_494], %get3A_485 masked %and3A_498 : memref<1040xi32, #tpu.memory_space<vmem>>[vector<16xi32>], vector<16xi32>, vector<16xi1>
          %all_reduce_population_count3A_499 = tpu.all_reduce %and3A_498 {dim = 0 : i64, kind = #tpu.reduction_kind<sum>} : vector<16xi1> -> vector<16xi32>
          %add3A_500 = arith.addi %add3A_479, %all_reduce_population_count3A_499 : vector<16xi32>
          %get3A_501 = arith.index_cast %while3A_399 : i32 to index
          %get3A_502 = arith.constant 80 : index
          %get3A_503 = tpu.vector_load %arg13[%get3A_501, %get3A_502] {strides = array<i32>} : memref<128x128xf32, #tpu.memory_space<vmem>>, vector<16xf32>,
          %get3A_504 = arith.index_cast %while3A_399 : i32 to index
          %get3A_505 = arith.constant 80 : index
          %get3A_506 = tpu.vector_load %arg14[%get3A_504, %get3A_505] {strides = array<i32>} : memref<128x128xi32, #tpu.memory_space<vmem>>, vector<16xi32>,
          %ge3A_507 = arith.cmpf oge, %get3A_503, %add3A_93 : vector<16xf32>
          %convert_element_type3A_508 = arith.extui %ge3A_507 : vector<16xi1> to vector<16xi32>
          %cumsum3A_509 = arith.constant true
          %cumsum3A_510 = vector.broadcast %cumsum3A_509 : i1 to vector<16xi1>
          %cumsum3A_511 = tpu.scan <sum>, %convert_element_type3A_508 masked %cumsum3A_510 : vector<16xi32>, vector<16xi1> -> vector<16xi32>
          %add3A_512 = arith.addi %add3A_500, %cumsum3A_511 : vector<16xi32>
          %sub3A_513 = arith.constant 1 : i32
          %sub3A_514 = vector.broadcast %sub3A_513 : i32 to vector<16xi32>
          %sub3A_515 = arith.subi %add3A_512, %sub3A_514 : vector<16xi32>
          %lt3A_516 = arith.constant 1024 : i32
          %lt3A_517 = vector.broadcast %lt3A_516 : i32 to vector<16xi32>
          %lt3A_518 = arith.cmpi slt, %sub3A_515, %lt3A_517 : vector<16xi32>
          %and3A_519 = arith.andi %ge3A_507, %lt3A_518 : vector<16xi1>
          tpu.vector_store_idx %arg15[%sub3A_515], %get3A_503 masked %and3A_519 : memref<1040xf32, #tpu.memory_space<vmem>>[vector<16xi32>], vector<16xf32>, vector<16xi1>
          tpu.vector_store_idx %arg16[%sub3A_515], %get3A_506 masked %and3A_519 : memref<1040xi32, #tpu.memory_space<vmem>>[vector<16xi32>], vector<16xi32>, vector<16xi1>
          %all_reduce_population_count3A_520 = tpu.all_reduce %and3A_519 {dim = 0 : i64, kind = #tpu.reduction_kind<sum>} : vector<16xi1> -> vector<16xi32>
          %add3A_521 = arith.addi %add3A_500, %all_reduce_population_count3A_520 : vector<16xi32>
          %get3A_522 = arith.index_cast %while3A_399 : i32 to index
          %get3A_523 = arith.constant 96 : index
          %get3A_524 = tpu.vector_load %arg13[%get3A_522, %get3A_523] {strides = array<i32>} : memref<128x128xf32, #tpu.memory_space<vmem>>, vector<16xf32>,
          %get3A_525 = arith.index_cast %while3A_399 : i32 to index
          %get3A_526 = arith.constant 96 : index
          %get3A_527 = tpu.vector_load %arg14[%get3A_525, %get3A_526] {strides = array<i32>} : memref<128x128xi32, #tpu.memory_space<vmem>>, vector<16xi32>,
          %ge3A_528 = arith.cmpf oge, %get3A_524, %add3A_93 : vector<16xf32>
          %convert_element_type3A_529 = arith.extui %ge3A_528 : vector<16xi1> to vector<16xi32>
          %cumsum3A_530 = arith.constant true
          %cumsum3A_531 = vector.broadcast %cumsum3A_530 : i1 to vector<16xi1>
          %cumsum3A_532 = tpu.scan <sum>, %convert_element_type3A_529 masked %cumsum3A_531 : vector<16xi32>, vector<16xi1> -> vector<16xi32>
          %add3A_533 = arith.addi %add3A_521, %cumsum3A_532 : vector<16xi32>
          %sub3A_534 = arith.constant 1 : i32
          %sub3A_535 = vector.broadcast %sub3A_534 : i32 to vector<16xi32>
          %sub3A_536 = arith.subi %add3A_533, %sub3A_535 : vector<16xi32>
          %lt3A_537 = arith.constant 1024 : i32
          %lt3A_538 = vector.broadcast %lt3A_537 : i32 to vector<16xi32>
          %lt3A_539 = arith.cmpi slt, %sub3A_536, %lt3A_538 : vector<16xi32>
          %and3A_540 = arith.andi %ge3A_528, %lt3A_539 : vector<16xi1>
          tpu.vector_store_idx %arg15[%sub3A_536], %get3A_524 masked %and3A_540 : memref<1040xf32, #tpu.memory_space<vmem>>[vector<16xi32>], vector<16xf32>, vector<16xi1>
          tpu.vector_store_idx %arg16[%sub3A_536], %get3A_527 masked %and3A_540 : memref<1040xi32, #tpu.memory_space<vmem>>[vector<16xi32>], vector<16xi32>, vector<16xi1>
          %all_reduce_population_count3A_541 = tpu.all_reduce %and3A_540 {dim = 0 : i64, kind = #tpu.reduction_kind<sum>} : vector<16xi1> -> vector<16xi32>
          %add3A_542 = arith.addi %add3A_521, %all_reduce_population_count3A_541 : vector<16xi32>
          %get3A_543 = arith.index_cast %while3A_399 : i32 to index
          %get3A_544 = arith.constant 112 : index
          %get3A_545 = tpu.vector_load %arg13[%get3A_543, %get3A_544] {strides = array<i32>} : memref<128x128xf32, #tpu.memory_space<vmem>>, vector<16xf32>,
          %get3A_546 = arith.index_cast %while3A_399 : i32 to index
          %get3A_547 = arith.constant 112 : index
          %get3A_548 = tpu.vector_load %arg14[%get3A_546, %get3A_547] {strides = array<i32>} : memref<128x128xi32, #tpu.memory_space<vmem>>, vector<16xi32>,
          %ge3A_549 = arith.cmpf oge, %get3A_545, %add3A_93 : vector<16xf32>
          %convert_element_type3A_550 = arith.extui %ge3A_549 : vector<16xi1> to vector<16xi32>
          %cumsum3A_551 = arith.constant true
          %cumsum3A_552 = vector.broadcast %cumsum3A_551 : i1 to vector<16xi1>
          %cumsum3A_553 = tpu.scan <sum>, %convert_element_type3A_550 masked %cumsum3A_552 : vector<16xi32>, vector<16xi1> -> vector<16xi32>
          %add3A_554 = arith.addi %add3A_542, %cumsum3A_553 : vector<16xi32>
          %sub3A_555 = arith.constant 1 : i32
          %sub3A_556 = vector.broadcast %sub3A_555 : i32 to vector<16xi32>
          %sub3A_557 = arith.subi %add3A_554, %sub3A_556 : vector<16xi32>
          %lt3A_558 = arith.constant 1024 : i32
          %lt3A_559 = vector.broadcast %lt3A_558 : i32 to vector<16xi32>
          %lt3A_560 = arith.cmpi slt, %sub3A_557, %lt3A_559 : vector<16xi32>
          %and3A_561 = arith.andi %ge3A_549, %lt3A_560 : vector<16xi1>
          tpu.vector_store_idx %arg15[%sub3A_557], %get3A_545 masked %and3A_561 : memref<1040xf32, #tpu.memory_space<vmem>>[vector<16xi32>], vector<16xf32>, vector<16xi1>
          tpu.vector_store_idx %arg16[%sub3A_557], %get3A_548 masked %and3A_561 : memref<1040xi32, #tpu.memory_space<vmem>>[vector<16xi32>], vector<16xi32>, vector<16xi1>
          %all_reduce_population_count3A_562 = tpu.all_reduce %and3A_561 {dim = 0 : i64, kind = #tpu.reduction_kind<sum>} : vector<16xi1> -> vector<16xi32>
          %add3A_563 = arith.addi %add3A_542, %all_reduce_population_count3A_562 : vector<16xi32>
          scf.yield %add3A_563 : vector<16xi32>
        }
        %while3A_397 = arith.constant 1 : i32
        %while3A_398 = scf.for %while3A_399 = %while3A_394 to %while3A_390 step %while3A_397 iter_args(%while3A_400 = %while3A_396) -> (vector<16xi32>)  : i32 {
          %get3A = arith.index_cast %while3A_399 : i32 to index
          %get3A_401 = arith.constant 0 : index
          %get3A_402 = tpu.vector_load %arg13[%get3A, %get3A_401] {strides = array<i32>} : memref<128x128xf32, #tpu.memory_space<vmem>>, vector<16xf32>,
          %get3A_403 = arith.index_cast %while3A_399 : i32 to index
          %get3A_404 = arith.constant 0 : index
          %get3A_405 = tpu.vector_load %arg14[%get3A_403, %get3A_404] {strides = array<i32>} : memref<128x128xi32, #tpu.memory_space<vmem>>, vector<16xi32>,
          %ge3A = arith.cmpf oge, %get3A_402, %add3A_93 : vector<16xf32>
          %convert_element_type3A_406 = arith.extui %ge3A : vector<16xi1> to vector<16xi32>
          %cumsum3A = arith.constant true
          %cumsum3A_407 = vector.broadcast %cumsum3A : i1 to vector<16xi1>
          %cumsum3A_408 = tpu.scan <sum>, %convert_element_type3A_406 masked %cumsum3A_407 : vector<16xi32>, vector<16xi1> -> vector<16xi32>
          %add3A_409 = arith.addi %while3A_400, %cumsum3A_408 : vector<16xi32>
          %sub3A_410 = arith.constant 1 : i32
          %sub3A_411 = vector.broadcast %sub3A_410 : i32 to vector<16xi32>
          %sub3A_412 = arith.subi %add3A_409, %sub3A_411 : vector<16xi32>
          %lt3A = arith.constant 1024 : i32
          %lt3A_413 = vector.broadcast %lt3A : i32 to vector<16xi32>
          %lt3A_414 = arith.cmpi slt, %sub3A_412, %lt3A_413 : vector<16xi32>
          %and3A_415 = arith.andi %ge3A, %lt3A_414 : vector<16xi1>
          tpu.vector_store_idx %arg15[%sub3A_412], %get3A_402 masked %and3A_415 : memref<1040xf32, #tpu.memory_space<vmem>>[vector<16xi32>], vector<16xf32>, vector<16xi1>
          tpu.vector_store_idx %arg16[%sub3A_412], %get3A_405 masked %and3A_415 : memref<1040xi32, #tpu.memory_space<vmem>>[vector<16xi32>], vector<16xi32>, vector<16xi1>
          %all_reduce_population_count3A = tpu.all_reduce %and3A_415 {dim = 0 : i64, kind = #tpu.reduction_kind<sum>} : vector<16xi1> -> vector<16xi32>
          %add3A_416 = arith.addi %while3A_400, %all_reduce_population_count3A : vector<16xi32>
          %get3A_417 = arith.index_cast %while3A_399 : i32 to index
          %get3A_418 = arith.constant 16 : index
          %get3A_419 = tpu.vector_load %arg13[%get3A_417, %get3A_418] {strides = array<i32>} : memref<128x128xf32, #tpu.memory_space<vmem>>, vector<16xf32>,
          %get3A_420 = arith.index_cast %while3A_399 : i32 to index
          %get3A_421 = arith.constant 16 : index
          %get3A_422 = tpu.vector_load %arg14[%get3A_420, %get3A_421] {strides = array<i32>} : memref<128x128xi32, #tpu.memory_space<vmem>>, vector<16xi32>,
          %ge3A_423 = arith.cmpf oge, %get3A_419, %add3A_93 : vector<16xf32>
          %convert_element_type3A_424 = arith.extui %ge3A_423 : vector<16xi1> to vector<16xi32>
          %cumsum3A_425 = arith.constant true
          %cumsum3A_426 = vector.broadcast %cumsum3A_425 : i1 to vector<16xi1>
          %cumsum3A_427 = tpu.scan <sum>, %convert_element_type3A_424 masked %cumsum3A_426 : vector<16xi32>, vector<16xi1> -> vector<16xi32>
          %add3A_428 = arith.addi %add3A_416, %cumsum3A_427 : vector<16xi32>
          %sub3A_429 = arith.constant 1 : i32
          %sub3A_430 = vector.broadcast %sub3A_429 : i32 to vector<16xi32>
          %sub3A_431 = arith.subi %add3A_428, %sub3A_430 : vector<16xi32>
          %lt3A_432 = arith.constant 1024 : i32
          %lt3A_433 = vector.broadcast %lt3A_432 : i32 to vector<16xi32>
          %lt3A_434 = arith.cmpi slt, %sub3A_431, %lt3A_433 : vector<16xi32>
          %and3A_435 = arith.andi %ge3A_423, %lt3A_434 : vector<16xi1>
          tpu.vector_store_idx %arg15[%sub3A_431], %get3A_419 masked %and3A_435 : memref<1040xf32, #tpu.memory_space<vmem>>[vector<16xi32>], vector<16xf32>, vector<16xi1>
          tpu.vector_store_idx %arg16[%sub3A_431], %get3A_422 masked %and3A_435 : memref<1040xi32, #tpu.memory_space<vmem>>[vector<16xi32>], vector<16xi32>, vector<16xi1>
          %all_reduce_population_count3A_436 = tpu.all_reduce %and3A_435 {dim = 0 : i64, kind = #tpu.reduction_kind<sum>} : vector<16xi1> -> vector<16xi32>
          %add3A_437 = arith.addi %add3A_416, %all_reduce_population_count3A_436 : vector<16xi32>
          %get3A_438 = arith.index_cast %while3A_399 : i32 to index
          %get3A_439 = arith.constant 32 : index
          %get3A_440 = tpu.vector_load %arg13[%get3A_438, %get3A_439] {strides = array<i32>} : memref<128x128xf32, #tpu.memory_space<vmem>>, vector<16xf32>,
          %get3A_441 = arith.index_cast %while3A_399 : i32 to index
          %get3A_442 = arith.constant 32 : index
          %get3A_443 = tpu.vector_load %arg14[%get3A_441, %get3A_442] {strides = array<i32>} : memref<128x128xi32, #tpu.memory_space<vmem>>, vector<16xi32>,
          %ge3A_444 = arith.cmpf oge, %get3A_440, %add3A_93 : vector<16xf32>
          %convert_element_type3A_445 = arith.extui %ge3A_444 : vector<16xi1> to vector<16xi32>
          %cumsum3A_446 = arith.constant true
          %cumsum3A_447 = vector.broadcast %cumsum3A_446 : i1 to vector<16xi1>
          %cumsum3A_448 = tpu.scan <sum>, %convert_element_type3A_445 masked %cumsum3A_447 : vector<16xi32>, vector<16xi1> -> vector<16xi32>
          %add3A_449 = arith.addi %add3A_437, %cumsum3A_448 : vector<16xi32>
          %sub3A_450 = arith.constant 1 : i32
          %sub3A_451 = vector.broadcast %sub3A_450 : i32 to vector<16xi32>
          %sub3A_452 = arith.subi %add3A_449, %sub3A_451 : vector<16xi32>
          %lt3A_453 = arith.constant 1024 : i32
          %lt3A_454 = vector.broadcast %lt3A_453 : i32 to vector<16xi32>
          %lt3A_455 = arith.cmpi slt, %sub3A_452, %lt3A_454 : vector<16xi32>
          %and3A_456 = arith.andi %ge3A_444, %lt3A_455 : vector<16xi1>
          tpu.vector_store_idx %arg15[%sub3A_452], %get3A_440 masked %and3A_456 : memref<1040xf32, #tpu.memory_space<vmem>>[vector<16xi32>], vector<16xf32>, vector<16xi1>
          tpu.vector_store_idx %arg16[%sub3A_452], %get3A_443 masked %and3A_456 : memref<1040xi32, #tpu.memory_space<vmem>>[vector<16xi32>], vector<16xi32>, vector<16xi1>
          %all_reduce_population_count3A_457 = tpu.all_reduce %and3A_456 {dim = 0 : i64, kind = #tpu.reduction_kind<sum>} : vector<16xi1> -> vector<16xi32>
          %add3A_458 = arith.addi %add3A_437, %all_reduce_population_count3A_457 : vector<16xi32>
          %get3A_459 = arith.index_cast %while3A_399 : i32 to index
          %get3A_460 = arith.constant 48 : index
          %get3A_461 = tpu.vector_load %arg13[%get3A_459, %get3A_460] {strides = array<i32>} : memref<128x128xf32, #tpu.memory_space<vmem>>, vector<16xf32>,
          %get3A_462 = arith.index_cast %while3A_399 : i32 to index
          %get3A_463 = arith.constant 48 : index
          %get3A_464 = tpu.vector_load %arg14[%get3A_462, %get3A_463] {strides = array<i32>} : memref<128x128xi32, #tpu.memory_space<vmem>>, vector<16xi32>,
          %ge3A_465 = arith.cmpf oge, %get3A_461, %add3A_93 : vector<16xf32>
          %convert_element_type3A_466 = arith.extui %ge3A_465 : vector<16xi1> to vector<16xi32>
          %cumsum3A_467 = arith.constant true
          %cumsum3A_468 = vector.broadcast %cumsum3A_467 : i1 to vector<16xi1>
          %cumsum3A_469 = tpu.scan <sum>, %convert_element_type3A_466 masked %cumsum3A_468 : vector<16xi32>, vector<16xi1> -> vector<16xi32>
          %add3A_470 = arith.addi %add3A_458, %cumsum3A_469 : vector<16xi32>
          %sub3A_471 = arith.constant 1 : i32
          %sub3A_472 = vector.broadcast %sub3A_471 : i32 to vector<16xi32>
          %sub3A_473 = arith.subi %add3A_470, %sub3A_472 : vector<16xi32>
          %lt3A_474 = arith.constant 1024 : i32
          %lt3A_475 = vector.broadcast %lt3A_474 : i32 to vector<16xi32>
          %lt3A_476 = arith.cmpi slt, %sub3A_473, %lt3A_475 : vector<16xi32>
          %and3A_477 = arith.andi %ge3A_465, %lt3A_476 : vector<16xi1>
          tpu.vector_store_idx %arg15[%sub3A_473], %get3A_461 masked %and3A_477 : memref<1040xf32, #tpu.memory_space<vmem>>[vector<16xi32>], vector<16xf32>, vector<16xi1>
          tpu.vector_store_idx %arg16[%sub3A_473], %get3A_464 masked %and3A_477 : memref<1040xi32, #tpu.memory_space<vmem>>[vector<16xi32>], vector<16xi32>, vector<16xi1>
          %all_reduce_population_count3A_478 = tpu.all_reduce %and3A_477 {dim = 0 : i64, kind = #tpu.reduction_kind<sum>} : vector<16xi1> -> vector<16xi32>
          %add3A_479 = arith.addi %add3A_458, %all_reduce_population_count3A_478 : vector<16xi32>
          %get3A_480 = arith.index_cast %while3A_399 : i32 to index
          %get3A_481 = arith.constant 64 : index
          %get3A_482 = tpu.vector_load %arg13[%get3A_480, %get3A_481] {strides = array<i32>} : memref<128x128xf32, #tpu.memory_space<vmem>>, vector<16xf32>,
          %get3A_483 = arith.index_cast %while3A_399 : i32 to index
          %get3A_484 = arith.constant 64 : index
          %get3A_485 = tpu.vector_load %arg14[%get3A_483, %get3A_484] {strides = array<i32>} : memref<128x128xi32, #tpu.memory_space<vmem>>, vector<16xi32>,
          %ge3A_486 = arith.cmpf oge, %get3A_482, %add3A_93 : vector<16xf32>
          %convert_element_type3A_487 = arith.extui %ge3A_486 : vector<16xi1> to vector<16xi32>
          %cumsum3A_488 = arith.constant true
          %cumsum3A_489 = vector.broadcast %cumsum3A_488 : i1 to vector<16xi1>
          %cumsum3A_490 = tpu.scan <sum>, %convert_element_type3A_487 masked %cumsum3A_489 : vector<16xi32>, vector<16xi1> -> vector<16xi32>
          %add3A_491 = arith.addi %add3A_479, %cumsum3A_490 : vector<16xi32>
          %sub3A_492 = arith.constant 1 : i32
          %sub3A_493 = vector.broadcast %sub3A_492 : i32 to vector<16xi32>
          %sub3A_494 = arith.subi %add3A_491, %sub3A_493 : vector<16xi32>
          %lt3A_495 = arith.constant 1024 : i32
          %lt3A_496 = vector.broadcast %lt3A_495 : i32 to vector<16xi32>
          %lt3A_497 = arith.cmpi slt, %sub3A_494, %lt3A_496 : vector<16xi32>
          %and3A_498 = arith.andi %ge3A_486, %lt3A_497 : vector<16xi1>
          tpu.vector_store_idx %arg15[%sub3A_494], %get3A_482 masked %and3A_498 : memref<1040xf32, #tpu.memory_space<vmem>>[vector<16xi32>], vector<16xf32>, vector<16xi1>
          tpu.vector_store_idx %arg16[%sub3A_494], %get3A_485 masked %and3A_498 : memref<1040xi32, #tpu.memory_space<vmem>>[vector<16xi32>], vector<16xi32>, vector<16xi1>
          %all_reduce_population_count3A_499 = tpu.all_reduce %and3A_498 {dim = 0 : i64, kind = #tpu.reduction_kind<sum>} : vector<16xi1> -> vector<16xi32>
          %add3A_500 = arith.addi %add3A_479, %all_reduce_population_count3A_499 : vector<16xi32>
          %get3A_501 = arith.index_cast %while3A_399 : i32 to index
          %get3A_502 = arith.constant 80 : index
          %get3A_503 = tpu.vector_load %arg13[%get3A_501, %get3A_502] {strides = array<i32>} : memref<128x128xf32, #tpu.memory_space<vmem>>, vector<16xf32>,
          %get3A_504 = arith.index_cast %while3A_399 : i32 to index
          %get3A_505 = arith.constant 80 : index
          %get3A_506 = tpu.vector_load %arg14[%get3A_504, %get3A_505] {strides = array<i32>} : memref<128x128xi32, #tpu.memory_space<vmem>>, vector<16xi32>,
          %ge3A_507 = arith.cmpf oge, %get3A_503, %add3A_93 : vector<16xf32>
          %convert_element_type3A_508 = arith.extui %ge3A_507 : vector<16xi1> to vector<16xi32>
          %cumsum3A_509 = arith.constant true
          %cumsum3A_510 = vector.broadcast %cumsum3A_509 : i1 to vector<16xi1>
          %cumsum3A_511 = tpu.scan <sum>, %convert_element_type3A_508 masked %cumsum3A_510 : vector<16xi32>, vector<16xi1> -> vector<16xi32>
          %add3A_512 = arith.addi %add3A_500, %cumsum3A_511 : vector<16xi32>
          %sub3A_513 = arith.constant 1 : i32
          %sub3A_514 = vector.broadcast %sub3A_513 : i32 to vector<16xi32>
          %sub3A_515 = arith.subi %add3A_512, %sub3A_514 : vector<16xi32>
          %lt3A_516 = arith.constant 1024 : i32
          %lt3A_517 = vector.broadcast %lt3A_516 : i32 to vector<16xi32>
          %lt3A_518 = arith.cmpi slt, %sub3A_515, %lt3A_517 : vector<16xi32>
          %and3A_519 = arith.andi %ge3A_507, %lt3A_518 : vector<16xi1>
          tpu.vector_store_idx %arg15[%sub3A_515], %get3A_503 masked %and3A_519 : memref<1040xf32, #tpu.memory_space<vmem>>[vector<16xi32>], vector<16xf32>, vector<16xi1>
          tpu.vector_store_idx %arg16[%sub3A_515], %get3A_506 masked %and3A_519 : memref<1040xi32, #tpu.memory_space<vmem>>[vector<16xi32>], vector<16xi32>, vector<16xi1>
          %all_reduce_population_count3A_520 = tpu.all_reduce %and3A_519 {dim = 0 : i64, kind = #tpu.reduction_kind<sum>} : vector<16xi1> -> vector<16xi32>
          %add3A_521 = arith.addi %add3A_500, %all_reduce_population_count3A_520 : vector<16xi32>
          %get3A_522 = arith.index_cast %while3A_399 : i32 to index
          %get3A_523 = arith.constant 96 : index
          %get3A_524 = tpu.vector_load %arg13[%get3A_522, %get3A_523] {strides = array<i32>} : memref<128x128xf32, #tpu.memory_space<vmem>>, vector<16xf32>,
          %get3A_525 = arith.index_cast %while3A_399 : i32 to index
          %get3A_526 = arith.constant 96 : index
          %get3A_527 = tpu.vector_load %arg14[%get3A_525, %get3A_526] {strides = array<i32>} : memref<128x128xi32, #tpu.memory_space<vmem>>, vector<16xi32>,
          %ge3A_528 = arith.cmpf oge, %get3A_524, %add3A_93 : vector<16xf32>
          %convert_element_type3A_529 = arith.extui %ge3A_528 : vector<16xi1> to vector<16xi32>
          %cumsum3A_530 = arith.constant true
          %cumsum3A_531 = vector.broadcast %cumsum3A_530 : i1 to vector<16xi1>
          %cumsum3A_532 = tpu.scan <sum>, %convert_element_type3A_529 masked %cumsum3A_531 : vector<16xi32>, vector<16xi1> -> vector<16xi32>
          %add3A_533 = arith.addi %add3A_521, %cumsum3A_532 : vector<16xi32>
          %sub3A_534 = arith.constant 1 : i32
          %sub3A_535 = vector.broadcast %sub3A_534 : i32 to vector<16xi32>
          %sub3A_536 = arith.subi %add3A_533, %sub3A_535 : vector<16xi32>
          %lt3A_537 = arith.constant 1024 : i32
          %lt3A_538 = vector.broadcast %lt3A_537 : i32 to vector<16xi32>
          %lt3A_539 = arith.cmpi slt, %sub3A_536, %lt3A_538 : vector<16xi32>
          %and3A_540 = arith.andi %ge3A_528, %lt3A_539 : vector<16xi1>
          tpu.vector_store_idx %arg15[%sub3A_536], %get3A_524 masked %and3A_540 : memref<1040xf32, #tpu.memory_space<vmem>>[vector<16xi32>], vector<16xf32>, vector<16xi1>
          tpu.vector_store_idx %arg16[%sub3A_536], %get3A_527 masked %and3A_540 : memref<1040xi32, #tpu.memory_space<vmem>>[vector<16xi32>], vector<16xi32>, vector<16xi1>
          %all_reduce_population_count3A_541 = tpu.all_reduce %and3A_540 {dim = 0 : i64, kind = #tpu.reduction_kind<sum>} : vector<16xi1> -> vector<16xi32>
          %add3A_542 = arith.addi %add3A_521, %all_reduce_population_count3A_541 : vector<16xi32>
          %get3A_543 = arith.index_cast %while3A_399 : i32 to index
          %get3A_544 = arith.constant 112 : index
          %get3A_545 = tpu.vector_load %arg13[%get3A_543, %get3A_544] {strides = array<i32>} : memref<128x128xf32, #tpu.memory_space<vmem>>, vector<16xf32>,
          %get3A_546 = arith.index_cast %while3A_399 : i32 to index
          %get3A_547 = arith.constant 112 : index
          %get3A_548 = tpu.vector_load %arg14[%get3A_546, %get3A_547] {strides = array<i32>} : memref<128x128xi32, #tpu.memory_space<vmem>>, vector<16xi32>,
          %ge3A_549 = arith.cmpf oge, %get3A_545, %add3A_93 : vector<16xf32>
          %convert_element_type3A_550 = arith.extui %ge3A_549 : vector<16xi1> to vector<16xi32>
          %cumsum3A_551 = arith.constant true
          %cumsum3A_552 = vector.broadcast %cumsum3A_551 : i1 to vector<16xi1>
          %cumsum3A_553 = tpu.scan <sum>, %convert_element_type3A_550 masked %cumsum3A_552 : vector<16xi32>, vector<16xi1> -> vector<16xi32>
          %add3A_554 = arith.addi %add3A_542, %cumsum3A_553 : vector<16xi32>
          %sub3A_555 = arith.constant 1 : i32
          %sub3A_556 = vector.broadcast %sub3A_555 : i32 to vector<16xi32>
          %sub3A_557 = arith.subi %add3A_554, %sub3A_556 : vector<16xi32>
          %lt3A_558 = arith.constant 1024 : i32
          %lt3A_559 = vector.broadcast %lt3A_558 : i32 to vector<16xi32>
          %lt3A_560 = arith.cmpi slt, %sub3A_557, %lt3A_559 : vector<16xi32>
          %and3A_561 = arith.andi %ge3A_549, %lt3A_560 : vector<16xi1>
          tpu.vector_store_idx %arg15[%sub3A_557], %get3A_545 masked %and3A_561 : memref<1040xf32, #tpu.memory_space<vmem>>[vector<16xi32>], vector<16xf32>, vector<16xi1>
          tpu.vector_store_idx %arg16[%sub3A_557], %get3A_548 masked %and3A_561 : memref<1040xi32, #tpu.memory_space<vmem>>[vector<16xi32>], vector<16xi32>, vector<16xi1>
          %all_reduce_population_count3A_562 = tpu.all_reduce %and3A_561 {dim = 0 : i64, kind = #tpu.reduction_kind<sum>} : vector<16xi1> -> vector<16xi32>
          %add3A_563 = arith.addi %add3A_542, %all_reduce_population_count3A_562 : vector<16xi32>
          scf.yield %add3A_563 : vector<16xi32>
        }
        scf.yield %while3A_398 : vector<16xi32>
      }
      %reduce_max3A_143 = arith.constant true
      %reduce_max3A_144 = vector.broadcast %reduce_max3A_143 : i1 to vector<16xi1>
      %reduce_max3A_145 = arith.constant -2147483648 : i32
      %reduce_max3A_146 = vector.broadcast %reduce_max3A_145 : i32 to vector<16xi32>
      %reduce_max3A_147 = arith.xori %while3A_142, %reduce_max3A_146 : vector<16xi32>
      %reduce_max3A_148 = tpu.scan <max>, %reduce_max3A_147 masked %reduce_max3A_144 : vector<16xi32>, vector<16xi1> -> vector<16xi32>
      %reduce_max3A_149 = arith.xori %reduce_max3A_148, %reduce_max3A_146 : vector<16xi32>
      %reduce_max3A_150 = vector.extract %reduce_max3A_149[15] : i32 from vector<16xi32>
      %add3A_151 = arith.constant 15 : i32
      %add3A_152 = arith.addi %reduce_max3A_150, %add3A_151 : i32
      %jit3A_153 = arith.constant 16 : i32
      %div3A_154 = arith.divsi %add3A_152, %jit3A_153 : i32
      %sign3A_155 = arith.constant 0 : i32
      %sign3A_156 = arith.cmpi sgt, %add3A_152, %sign3A_155 : i32
      %sign3A_157 = arith.extui %sign3A_156 : i1 to i32
      %sign3A_158 = arith.constant 0 : i32
      %sign3A_159 = arith.cmpi slt, %add3A_152, %sign3A_158 : i32
      %sign3A_160 = arith.extui %sign3A_159 : i1 to i32
      %sign3A_161 = arith.subi %sign3A_157, %sign3A_160 : i32
      %sign3A_162 = arith.constant 0 : i32
      %sign3A_163 = arith.cmpi sgt, %jit3A_153, %sign3A_162 : i32
      %sign3A_164 = arith.extui %sign3A_163 : i1 to i32
      %sign3A_165 = arith.constant 0 : i32
      %sign3A_166 = arith.cmpi slt, %jit3A_153, %sign3A_165 : i32
      %sign3A_167 = arith.extui %sign3A_166 : i1 to i32
      %sign3A_168 = arith.subi %sign3A_164, %sign3A_167 : i32
      %ne3A_169 = arith.cmpi ne, %sign3A_161, %sign3A_168 : i32
      %rem3A_170 = arith.remsi %add3A_152, %jit3A_153 : i32
      %ne3A_171 = arith.constant 0 : i32
      %ne3A_172 = arith.cmpi ne, %rem3A_170, %ne3A_171 : i32
      %and3A_173 = arith.andi %ne3A_169, %ne3A_172 : i1
      %sub3A_174 = arith.constant 1 : i32
      %sub3A_175 = arith.subi %div3A_154, %sub3A_174 : i32
      %select_n3A_176 = arith.select %and3A_173, %sub3A_175, %div3A_154 : i32
      %add3A_177 = arith.constant 1.000000e-03 : f32
      %add3A_178 = arith.addf %reduce_max3A_45, %add3A_177 : f32
      %scan3A_179 = arith.constant 0 : i32
      %scan3A_180 = arith.constant 30 : i32
      %scan3A_181 = arith.addi %scan3A_179, %scan3A_180 : i32
      %scan3A_182 = arith.constant 1 : i32
      %scan3A_183:2 = scf.for %scan3A_358 = %scan3A_179 to %scan3A_181 step %scan3A_182 iter_args(%scan3A_359 = %add3A_91, %scan3A_360 = %add3A_178) -> (f32, f32)  : i32 {
        %add3A_361 = arith.addf %scan3A_359, %scan3A_360 : f32
        %mul3A_362 = arith.constant 5.000000e-01 : f32
        %mul3A_363 = arith.mulf %mul3A_362, %add3A_361 : f32
        %add3A_364 = vector.broadcast %mul3A_363 : f32 to vector<16xf32>
        %add3A_365 = arith.addf %broadcast_in_dim3A_1, %add3A_364 : vector<16xf32>
        %while3A_366 = arith.constant 0 : i32
        %while3A_367 = arith.subi %select_n3A_176, %while3A_366 : i32
        %while3A_368 = arith.addi %while3A_366, %while3A_367 : i32
        %while3A_369 = arith.constant 1 : i32
        %while3A_370 = arith.divsi %while3A_367, %while3A_369 : i32
        %while3A_371 = arith.muli %while3A_370, %while3A_369 : i32
        %while3A_372 = arith.addi %while3A_366, %while3A_371 : i32
        %while3A_373 = arith.constant 1 : i32
        %while3A_374 = scf.for %while3A_384 = %while3A_366 to %while3A_372 step %while3A_373 iter_args(%while3A_385 = %broadcast_in_dim3A_3) -> (vector<16xi32>)  : i32 {
          %mul3A_386 = arith.constant 16 : i32
          %mul3A_387 = arith.muli %while3A_384, %mul3A_386 : i32
          %get3A = arith.index_cast %mul3A_387 : i32 to index
          %get3A_388 = tpu.vector_load %arg15[%get3A] {strides = array<i32>} : memref<1040xf32, #tpu.memory_space<vmem>>, vector<16xf32>,
          %ge3A_389 = arith.cmpf oge, %get3A_388, %add3A_365 : vector<16xf32>
          %convert_element_type3A_390 = arith.extui %ge3A_389 : vector<16xi1> to vector<16xi32>
          %add3A_391 = arith.addi %while3A_385, %convert_element_type3A_390 : vector<16xi32>
          scf.yield %add3A_391 : vector<16xi32>
        }
        %while3A_375 = arith.constant 1 : i32
        %while3A_376 = scf.for %while3A_384 = %while3A_372 to %while3A_368 step %while3A_375 iter_args(%while3A_385 = %while3A_374) -> (vector<16xi32>)  : i32 {
          %mul3A_386 = arith.constant 16 : i32
          %mul3A_387 = arith.muli %while3A_384, %mul3A_386 : i32
          %get3A = arith.index_cast %mul3A_387 : i32 to index
          %get3A_388 = tpu.vector_load %arg15[%get3A] {strides = array<i32>} : memref<1040xf32, #tpu.memory_space<vmem>>, vector<16xf32>,
          %ge3A_389 = arith.cmpf oge, %get3A_388, %add3A_365 : vector<16xf32>
          %convert_element_type3A_390 = arith.extui %ge3A_389 : vector<16xi1> to vector<16xi32>
          %add3A_391 = arith.addi %while3A_385, %convert_element_type3A_390 : vector<16xi32>
          scf.yield %add3A_391 : vector<16xi32>
        }
        %reduce_sum3A_377 = arith.constant true
        %reduce_sum3A_378 = vector.broadcast %reduce_sum3A_377 : i1 to vector<16xi1>
        %reduce_sum3A_379 = tpu.scan <sum>, %while3A_376 masked %reduce_sum3A_378 : vector<16xi32>, vector<16xi1> -> vector<16xi32>
        %reduce_sum3A_380 = vector.extract %reduce_sum3A_379[15] : i32 from vector<16xi32>
        %ge3A = arith.constant 10 : i32
        %ge3A_381 = arith.cmpi sge, %reduce_sum3A_380, %ge3A : i32
        %select_n3A_382 = arith.select %ge3A_381, %mul3A_363, %scan3A_359 : f32
        %select_n3A_383 = arith.select %ge3A_381, %scan3A_360, %mul3A_363 : f32
        scf.yield %select_n3A_382, %select_n3A_383 : f32, f32
      }
      %scan3A_184 = arith.constant 30 : i32
      %add3A_185 = arith.constant 1.000000e-03 : f32
      %add3A_186 = arith.addf %reduce_max3A_45, %add3A_185 : f32
      %scan3A_187 = arith.constant 0 : i32
      %scan3A_188 = arith.constant 30 : i32
      %scan3A_189 = arith.addi %scan3A_187, %scan3A_188 : i32
      %scan3A_190 = arith.constant 1 : i32
      %scan3A_191:2 = scf.for %scan3A_358 = %scan3A_187 to %scan3A_189 step %scan3A_190 iter_args(%scan3A_359 = %add3A_91, %scan3A_360 = %add3A_186) -> (f32, f32)  : i32 {
        %add3A_361 = arith.addf %scan3A_359, %scan3A_360 : f32
        %mul3A_362 = arith.constant 5.000000e-01 : f32
        %mul3A_363 = arith.mulf %mul3A_362, %add3A_361 : f32
        %add3A_364 = vector.broadcast %mul3A_363 : f32 to vector<16xf32>
        %add3A_365 = arith.addf %broadcast_in_dim3A_1, %add3A_364 : vector<16xf32>
        %while3A_366 = arith.constant 0 : i32
        %while3A_367 = arith.subi %select_n3A_176, %while3A_366 : i32
        %while3A_368 = arith.addi %while3A_366, %while3A_367 : i32
        %while3A_369 = arith.constant 1 : i32
        %while3A_370 = arith.divsi %while3A_367, %while3A_369 : i32
        %while3A_371 = arith.muli %while3A_370, %while3A_369 : i32
        %while3A_372 = arith.addi %while3A_366, %while3A_371 : i32
        %while3A_373 = arith.constant 1 : i32
        %while3A_374 = scf.for %while3A_384 = %while3A_366 to %while3A_372 step %while3A_373 iter_args(%while3A_385 = %broadcast_in_dim3A_3) -> (vector<16xi32>)  : i32 {
          %mul3A_386 = arith.constant 16 : i32
          %mul3A_387 = arith.muli %while3A_384, %mul3A_386 : i32
          %get3A = arith.index_cast %mul3A_387 : i32 to index
          %get3A_388 = tpu.vector_load %arg15[%get3A] {strides = array<i32>} : memref<1040xf32, #tpu.memory_space<vmem>>, vector<16xf32>,
          %ge3A_389 = arith.cmpf oge, %get3A_388, %add3A_365 : vector<16xf32>
          %convert_element_type3A_390 = arith.extui %ge3A_389 : vector<16xi1> to vector<16xi32>
          %add3A_391 = arith.addi %while3A_385, %convert_element_type3A_390 : vector<16xi32>
          scf.yield %add3A_391 : vector<16xi32>
        }
        %while3A_375 = arith.constant 1 : i32
        %while3A_376 = scf.for %while3A_384 = %while3A_372 to %while3A_368 step %while3A_375 iter_args(%while3A_385 = %while3A_374) -> (vector<16xi32>)  : i32 {
          %mul3A_386 = arith.constant 16 : i32
          %mul3A_387 = arith.muli %while3A_384, %mul3A_386 : i32
          %get3A = arith.index_cast %mul3A_387 : i32 to index
          %get3A_388 = tpu.vector_load %arg15[%get3A] {strides = array<i32>} : memref<1040xf32, #tpu.memory_space<vmem>>, vector<16xf32>,
          %ge3A_389 = arith.cmpf oge, %get3A_388, %add3A_365 : vector<16xf32>
          %convert_element_type3A_390 = arith.extui %ge3A_389 : vector<16xi1> to vector<16xi32>
          %add3A_391 = arith.addi %while3A_385, %convert_element_type3A_390 : vector<16xi32>
          scf.yield %add3A_391 : vector<16xi32>
        }
        %reduce_sum3A_377 = arith.constant true
        %reduce_sum3A_378 = vector.broadcast %reduce_sum3A_377 : i1 to vector<16xi1>
        %reduce_sum3A_379 = tpu.scan <sum>, %while3A_376 masked %reduce_sum3A_378 : vector<16xi32>, vector<16xi1> -> vector<16xi32>
        %reduce_sum3A_380 = vector.extract %reduce_sum3A_379[15] : i32 from vector<16xi32>
        %ge3A = arith.constant 20 : i32
        %ge3A_381 = arith.cmpi sge, %reduce_sum3A_380, %ge3A : i32
        %select_n3A_382 = arith.select %ge3A_381, %mul3A_363, %scan3A_359 : f32
        %select_n3A_383 = arith.select %ge3A_381, %scan3A_360, %mul3A_363 : f32
        scf.yield %select_n3A_382, %select_n3A_383 : f32, f32
      }
      %scan3A_192 = arith.constant 30 : i32
      %add3A_193 = arith.constant 1.000000e-03 : f32
      %add3A_194 = arith.addf %reduce_max3A_45, %add3A_193 : f32
      %scan3A_195 = arith.constant 0 : i32
      %scan3A_196 = arith.constant 30 : i32
      %scan3A_197 = arith.addi %scan3A_195, %scan3A_196 : i32
      %scan3A_198 = arith.constant 1 : i32
      %scan3A_199:2 = scf.for %scan3A_358 = %scan3A_195 to %scan3A_197 step %scan3A_198 iter_args(%scan3A_359 = %add3A_91, %scan3A_360 = %add3A_194) -> (f32, f32)  : i32 {
        %add3A_361 = arith.addf %scan3A_359, %scan3A_360 : f32
        %mul3A_362 = arith.constant 5.000000e-01 : f32
        %mul3A_363 = arith.mulf %mul3A_362, %add3A_361 : f32
        %add3A_364 = vector.broadcast %mul3A_363 : f32 to vector<16xf32>
        %add3A_365 = arith.addf %broadcast_in_dim3A_1, %add3A_364 : vector<16xf32>
        %while3A_366 = arith.constant 0 : i32
        %while3A_367 = arith.subi %select_n3A_176, %while3A_366 : i32
        %while3A_368 = arith.addi %while3A_366, %while3A_367 : i32
        %while3A_369 = arith.constant 1 : i32
        %while3A_370 = arith.divsi %while3A_367, %while3A_369 : i32
        %while3A_371 = arith.muli %while3A_370, %while3A_369 : i32
        %while3A_372 = arith.addi %while3A_366, %while3A_371 : i32
        %while3A_373 = arith.constant 1 : i32
        %while3A_374 = scf.for %while3A_384 = %while3A_366 to %while3A_372 step %while3A_373 iter_args(%while3A_385 = %broadcast_in_dim3A_3) -> (vector<16xi32>)  : i32 {
          %mul3A_386 = arith.constant 16 : i32
          %mul3A_387 = arith.muli %while3A_384, %mul3A_386 : i32
          %get3A = arith.index_cast %mul3A_387 : i32 to index
          %get3A_388 = tpu.vector_load %arg15[%get3A] {strides = array<i32>} : memref<1040xf32, #tpu.memory_space<vmem>>, vector<16xf32>,
          %ge3A_389 = arith.cmpf oge, %get3A_388, %add3A_365 : vector<16xf32>
          %convert_element_type3A_390 = arith.extui %ge3A_389 : vector<16xi1> to vector<16xi32>
          %add3A_391 = arith.addi %while3A_385, %convert_element_type3A_390 : vector<16xi32>
          scf.yield %add3A_391 : vector<16xi32>
        }
        %while3A_375 = arith.constant 1 : i32
        %while3A_376 = scf.for %while3A_384 = %while3A_372 to %while3A_368 step %while3A_375 iter_args(%while3A_385 = %while3A_374) -> (vector<16xi32>)  : i32 {
          %mul3A_386 = arith.constant 16 : i32
          %mul3A_387 = arith.muli %while3A_384, %mul3A_386 : i32
          %get3A = arith.index_cast %mul3A_387 : i32 to index
          %get3A_388 = tpu.vector_load %arg15[%get3A] {strides = array<i32>} : memref<1040xf32, #tpu.memory_space<vmem>>, vector<16xf32>,
          %ge3A_389 = arith.cmpf oge, %get3A_388, %add3A_365 : vector<16xf32>
          %convert_element_type3A_390 = arith.extui %ge3A_389 : vector<16xi1> to vector<16xi32>
          %add3A_391 = arith.addi %while3A_385, %convert_element_type3A_390 : vector<16xi32>
          scf.yield %add3A_391 : vector<16xi32>
        }
        %reduce_sum3A_377 = arith.constant true
        %reduce_sum3A_378 = vector.broadcast %reduce_sum3A_377 : i1 to vector<16xi1>
        %reduce_sum3A_379 = tpu.scan <sum>, %while3A_376 masked %reduce_sum3A_378 : vector<16xi32>, vector<16xi1> -> vector<16xi32>
        %reduce_sum3A_380 = vector.extract %reduce_sum3A_379[15] : i32 from vector<16xi32>
        %ge3A = arith.constant 100 : i32
        %ge3A_381 = arith.cmpi sge, %reduce_sum3A_380, %ge3A : i32
        %select_n3A_382 = arith.select %ge3A_381, %mul3A_363, %scan3A_359 : f32
        %select_n3A_383 = arith.select %ge3A_381, %scan3A_360, %mul3A_363 : f32
        scf.yield %select_n3A_382, %select_n3A_383 : f32, f32
      }
      %scan3A_200 = arith.constant 30 : i32
      %add3A_201 = arith.constant 1.000000e-03 : f32
      %add3A_202 = arith.addf %reduce_max3A_45, %add3A_201 : f32
      %scan3A_203 = arith.constant 0 : i32
      %scan3A_204 = arith.constant 30 : i32
      %scan3A_205 = arith.addi %scan3A_203, %scan3A_204 : i32
      %scan3A_206 = arith.constant 1 : i32
      %scan3A_207:2 = scf.for %scan3A_358 = %scan3A_203 to %scan3A_205 step %scan3A_206 iter_args(%scan3A_359 = %add3A_91, %scan3A_360 = %add3A_202) -> (f32, f32)  : i32 {
        %add3A_361 = arith.addf %scan3A_359, %scan3A_360 : f32
        %mul3A_362 = arith.constant 5.000000e-01 : f32
        %mul3A_363 = arith.mulf %mul3A_362, %add3A_361 : f32
        %add3A_364 = vector.broadcast %mul3A_363 : f32 to vector<16xf32>
        %add3A_365 = arith.addf %broadcast_in_dim3A_1, %add3A_364 : vector<16xf32>
        %while3A_366 = arith.constant 0 : i32
        %while3A_367 = arith.subi %select_n3A_176, %while3A_366 : i32
        %while3A_368 = arith.addi %while3A_366, %while3A_367 : i32
        %while3A_369 = arith.constant 1 : i32
        %while3A_370 = arith.divsi %while3A_367, %while3A_369 : i32
        %while3A_371 = arith.muli %while3A_370, %while3A_369 : i32
        %while3A_372 = arith.addi %while3A_366, %while3A_371 : i32
        %while3A_373 = arith.constant 1 : i32
        %while3A_374 = scf.for %while3A_384 = %while3A_366 to %while3A_372 step %while3A_373 iter_args(%while3A_385 = %broadcast_in_dim3A_3) -> (vector<16xi32>)  : i32 {
          %mul3A_386 = arith.constant 16 : i32
          %mul3A_387 = arith.muli %while3A_384, %mul3A_386 : i32
          %get3A = arith.index_cast %mul3A_387 : i32 to index
          %get3A_388 = tpu.vector_load %arg15[%get3A] {strides = array<i32>} : memref<1040xf32, #tpu.memory_space<vmem>>, vector<16xf32>,
          %ge3A_389 = arith.cmpf oge, %get3A_388, %add3A_365 : vector<16xf32>
          %convert_element_type3A_390 = arith.extui %ge3A_389 : vector<16xi1> to vector<16xi32>
          %add3A_391 = arith.addi %while3A_385, %convert_element_type3A_390 : vector<16xi32>
          scf.yield %add3A_391 : vector<16xi32>
        }
        %while3A_375 = arith.constant 1 : i32
        %while3A_376 = scf.for %while3A_384 = %while3A_372 to %while3A_368 step %while3A_375 iter_args(%while3A_385 = %while3A_374) -> (vector<16xi32>)  : i32 {
          %mul3A_386 = arith.constant 16 : i32
          %mul3A_387 = arith.muli %while3A_384, %mul3A_386 : i32
          %get3A = arith.index_cast %mul3A_387 : i32 to index
          %get3A_388 = tpu.vector_load %arg15[%get3A] {strides = array<i32>} : memref<1040xf32, #tpu.memory_space<vmem>>, vector<16xf32>,
          %ge3A_389 = arith.cmpf oge, %get3A_388, %add3A_365 : vector<16xf32>
          %convert_element_type3A_390 = arith.extui %ge3A_389 : vector<16xi1> to vector<16xi32>
          %add3A_391 = arith.addi %while3A_385, %convert_element_type3A_390 : vector<16xi32>
          scf.yield %add3A_391 : vector<16xi32>
        }
        %reduce_sum3A_377 = arith.constant true
        %reduce_sum3A_378 = vector.broadcast %reduce_sum3A_377 : i1 to vector<16xi1>
        %reduce_sum3A_379 = tpu.scan <sum>, %while3A_376 masked %reduce_sum3A_378 : vector<16xi32>, vector<16xi1> -> vector<16xi32>
        %reduce_sum3A_380 = vector.extract %reduce_sum3A_379[15] : i32 from vector<16xi32>
        %ge3A = arith.constant 200 : i32
        %ge3A_381 = arith.cmpi sge, %reduce_sum3A_380, %ge3A : i32
        %select_n3A_382 = arith.select %ge3A_381, %mul3A_363, %scan3A_359 : f32
        %select_n3A_383 = arith.select %ge3A_381, %scan3A_360, %mul3A_363 : f32
        scf.yield %select_n3A_382, %select_n3A_383 : f32, f32
      }
      %scan3A_208 = arith.constant 30 : i32
      %add3A_209 = vector.broadcast %scan3A_183#0 : f32 to vector<16xf32>
      %add3A_210 = arith.addf %broadcast_in_dim3A_1, %add3A_209 : vector<16xf32>
      %add3A_211 = vector.broadcast %scan3A_191#0 : f32 to vector<16xf32>
      %add3A_212 = arith.addf %broadcast_in_dim3A_1, %add3A_211 : vector<16xf32>
      %add3A_213 = vector.broadcast %scan3A_199#0 : f32 to vector<16xf32>
      %add3A_214 = arith.addf %broadcast_in_dim3A_1, %add3A_213 : vector<16xf32>
      %add3A_215 = vector.broadcast %scan3A_207#0 : f32 to vector<16xf32>
      %add3A_216 = arith.addf %broadcast_in_dim3A_1, %add3A_215 : vector<16xf32>
      %while3A_217 = arith.constant 0 : i32
      %while3A_218 = arith.subi %select_n3A_176, %while3A_217 : i32
      %while3A_219 = arith.addi %while3A_217, %while3A_218 : i32
      %while3A_220 = arith.constant 1 : i32
      %while3A_221 = arith.divsi %while3A_218, %while3A_220 : i32
      %while3A_222 = arith.muli %while3A_221, %while3A_220 : i32
      %while3A_223 = arith.addi %while3A_217, %while3A_222 : i32
      %while3A_224 = arith.constant 1 : i32
      %while3A_225 = scf.for %while3A_358 = %while3A_217 to %while3A_223 step %while3A_224 iter_args(%while3A_359 = %broadcast_in_dim3A_1) -> (vector<16xf32>)  : i32 {
        %mul3A_360 = arith.constant 16 : i32
        %mul3A_361 = arith.muli %while3A_358, %mul3A_360 : i32
        %get3A = arith.index_cast %mul3A_361 : i32 to index
        %get3A_362 = tpu.vector_load %arg15[%get3A] {strides = array<i32>} : memref<1040xf32, #tpu.memory_space<vmem>>, vector<16xf32>,
        %ge3A = arith.cmpf oge, %get3A_362, %add3A_216 : vector<16xf32>
        %sub3A_363 = vector.broadcast %reduce_max3A_45 : f32 to vector<16xf32>
        %sub3A_364 = arith.subf %get3A_362, %sub3A_363 : vector<16xf32>
        %mul3A_365 = arith.constant 14.2857141 : f32
        %mul3A_366 = vector.broadcast %mul3A_365 : f32 to vector<16xf32>
        %mul3A_367 = arith.mulf %sub3A_364, %mul3A_366 : vector<16xf32>
        %exp3A = math.exp %mul3A_367 : vector<16xf32>
        %jit3A_368 = arith.constant 0.000000e+00 : f32
        %broadcast_in_dim3A_369 = vector.broadcast %jit3A_368 : f32 to vector<16xf32>
        %select_n3A_370 = arith.select %ge3A, %exp3A, %broadcast_in_dim3A_369 : vector<16xi1>, vector<16xf32>
        %add3A_371 = arith.addf %while3A_359, %select_n3A_370 : vector<16xf32>
        scf.yield %add3A_371 : vector<16xf32>
      }
      %while3A_226 = arith.constant 1 : i32
      %while3A_227 = scf.for %while3A_358 = %while3A_223 to %while3A_219 step %while3A_226 iter_args(%while3A_359 = %while3A_225) -> (vector<16xf32>)  : i32 {
        %mul3A_360 = arith.constant 16 : i32
        %mul3A_361 = arith.muli %while3A_358, %mul3A_360 : i32
        %get3A = arith.index_cast %mul3A_361 : i32 to index
        %get3A_362 = tpu.vector_load %arg15[%get3A] {strides = array<i32>} : memref<1040xf32, #tpu.memory_space<vmem>>, vector<16xf32>,
        %ge3A = arith.cmpf oge, %get3A_362, %add3A_216 : vector<16xf32>
        %sub3A_363 = vector.broadcast %reduce_max3A_45 : f32 to vector<16xf32>
        %sub3A_364 = arith.subf %get3A_362, %sub3A_363 : vector<16xf32>
        %mul3A_365 = arith.constant 14.2857141 : f32
        %mul3A_366 = vector.broadcast %mul3A_365 : f32 to vector<16xf32>
        %mul3A_367 = arith.mulf %sub3A_364, %mul3A_366 : vector<16xf32>
        %exp3A = math.exp %mul3A_367 : vector<16xf32>
        %jit3A_368 = arith.constant 0.000000e+00 : f32
        %broadcast_in_dim3A_369 = vector.broadcast %jit3A_368 : f32 to vector<16xf32>
        %select_n3A_370 = arith.select %ge3A, %exp3A, %broadcast_in_dim3A_369 : vector<16xi1>, vector<16xf32>
        %add3A_371 = arith.addf %while3A_359, %select_n3A_370 : vector<16xf32>
        scf.yield %add3A_371 : vector<16xf32>
      }
      %reduce_sum3A = arith.constant true
      %reduce_sum3A_228 = vector.broadcast %reduce_sum3A : i1 to vector<16xi1>
      %reduce_sum3A_229 = tpu.scan <sum>, %while3A_227 masked %reduce_sum3A_228 : vector<16xf32>, vector<16xi1> -> vector<16xf32>
      %reduce_sum3A_230 = vector.extract %reduce_sum3A_229[15] : f32 from vector<16xf32>
      %add3A_231 = vector.broadcast %reduce_sum3A_230 : f32 to vector<16xf32>
      %add3A_232 = arith.addf %broadcast_in_dim3A_1, %add3A_231 : vector<16xf32>
      %add3A_233 = arith.constant 2125804903 : i32
      %add3A_234 = vector.broadcast %add3A_233 : i32 to vector<16xi32>
      %add3A_235 = arith.addi %broadcast_in_dim3A_3, %add3A_234 : vector<16xi32>
      %bitcast3A_236 = vector.bitcast %add3A_232 : vector<16xf32> to vector<16xi32>
      %sub3A_237 = arith.subi %add3A_235, %bitcast3A_236 : vector<16xi32>
      %bitcast3A_238 = vector.bitcast %sub3A_237 : vector<16xi32> to vector<16xf32>
      %mul3A_239 = arith.mulf %add3A_232, %bitcast3A_238 : vector<16xf32>
      %sub3A_240 = arith.constant 2.000000e+00 : f32
      %sub3A_241 = vector.broadcast %sub3A_240 : f32 to vector<16xf32>
      %sub3A_242 = arith.subf %sub3A_241, %mul3A_239 : vector<16xf32>
      %mul3A_243 = arith.mulf %bitcast3A_238, %sub3A_242 : vector<16xf32>
      %mul3A_244 = arith.mulf %add3A_232, %mul3A_243 : vector<16xf32>
      %sub3A_245 = arith.constant 2.000000e+00 : f32
      %sub3A_246 = vector.broadcast %sub3A_245 : f32 to vector<16xf32>
      %sub3A_247 = arith.subf %sub3A_246, %mul3A_244 : vector<16xf32>
      %mul3A_248 = arith.mulf %mul3A_243, %sub3A_247 : vector<16xf32>
      %mul3A_249 = arith.mulf %add3A_232, %mul3A_248 : vector<16xf32>
      %sub3A_250 = arith.constant 2.000000e+00 : f32
      %sub3A_251 = vector.broadcast %sub3A_250 : f32 to vector<16xf32>
      %sub3A_252 = arith.subf %sub3A_251, %mul3A_249 : vector<16xf32>
      %mul3A_253 = arith.mulf %mul3A_248, %sub3A_252 : vector<16xf32>
      %while3A_254 = arith.constant 0 : i32
      %while3A_255 = arith.constant 0 : i32
      %while3A_256 = arith.subi %select_n3A_176, %while3A_255 : i32
      %while3A_257 = arith.addi %while3A_255, %while3A_256 : i32
      %while3A_258 = arith.constant 1 : i32
      %while3A_259 = arith.divsi %while3A_256, %while3A_258 : i32
      %while3A_260 = arith.muli %while3A_259, %while3A_258 : i32
      %while3A_261 = arith.addi %while3A_255, %while3A_260 : i32
      %while3A_262 = arith.constant 1 : i32
      scf.for %while3A_358 = %while3A_255 to %while3A_261 step %while3A_262  : i32 {
        %mul3A_359 = arith.constant 16 : i32
        %mul3A_360 = arith.muli %while3A_358, %mul3A_359 : i32
        %get3A = arith.index_cast %mul3A_360 : i32 to index
        %get3A_361 = tpu.vector_load %arg15[%get3A] {strides = array<i32>} : memref<1040xf32, #tpu.memory_space<vmem>>, vector<16xf32>,
        %mul3A_362 = arith.constant 16 : i32
        %mul3A_363 = arith.muli %while3A_358, %mul3A_362 : i32
        %get3A_364 = arith.index_cast %mul3A_363 : i32 to index
        %get3A_365 = tpu.vector_load %arg16[%get3A_364] {strides = array<i32>} : memref<1040xi32, #tpu.memory_space<vmem>>, vector<16xi32>,
        %ge3A = arith.cmpf oge, %get3A_361, %add3A_216 : vector<16xf32>
        %sub3A_366 = vector.broadcast %reduce_max3A_45 : f32 to vector<16xf32>
        %sub3A_367 = arith.subf %get3A_361, %sub3A_366 : vector<16xf32>
        %mul3A_368 = arith.constant 14.2857141 : f32
        %mul3A_369 = vector.broadcast %mul3A_368 : f32 to vector<16xf32>
        %mul3A_370 = arith.mulf %sub3A_367, %mul3A_369 : vector<16xf32>
        %exp3A = math.exp %mul3A_370 : vector<16xf32>
        %mul3A_371 = arith.mulf %exp3A, %mul3A_253 : vector<16xf32>
        %ge3A_372 = arith.cmpf oge, %get3A_361, %add3A_210 : vector<16xf32>
        %convert_element_type3A_373 = arith.extui %ge3A_372 : vector<16xi1> to vector<16xi32>
        %ge3A_374 = arith.cmpf oge, %get3A_361, %add3A_212 : vector<16xf32>
        %convert_element_type3A_375 = arith.extui %ge3A_374 : vector<16xi1> to vector<16xi32>
        %add3A_376 = arith.addi %convert_element_type3A_373, %convert_element_type3A_375 : vector<16xi32>
        %ge3A_377 = arith.cmpf oge, %get3A_361, %add3A_214 : vector<16xf32>
        %convert_element_type3A_378 = arith.extui %ge3A_377 : vector<16xi1> to vector<16xi32>
        %add3A_379 = arith.addi %add3A_376, %convert_element_type3A_378 : vector<16xi32>
        %sub3A_380 = arith.constant 3 : i32
        %sub3A_381 = vector.broadcast %sub3A_380 : i32 to vector<16xi32>
        %sub3A_382 = arith.subi %sub3A_381, %add3A_379 : vector<16xi32>
        %mul3A_383 = arith.constant 4097 : i32
        %mul3A_384 = vector.broadcast %mul3A_383 : i32 to vector<16xi32>
        %mul3A_385 = arith.muli %iota3A, %mul3A_384 : vector<16xi32>
        %mul3A_386 = arith.constant 1024 : i32
        %mul3A_387 = vector.broadcast %mul3A_386 : i32 to vector<16xi32>
        %mul3A_388 = arith.muli %sub3A_382, %mul3A_387 : vector<16xi32>
        %add3A_389 = arith.addi %mul3A_385, %mul3A_388 : vector<16xi32>
        %add3A_390 = arith.addi %add3A_389, %get3A_365 : vector<16xi32>
        tpu.vector_store_idx %arg17[%add3A_390], %mul3A_371 masked %ge3A {add = true} : memref<65568xf32, #tpu.memory_space<vmem>>[vector<16xi32>], vector<16xf32>, vector<16xi1>
      }
      %while3A_263 = arith.constant 1 : i32
      scf.for %while3A_358 = %while3A_261 to %while3A_257 step %while3A_263  : i32 {
        %mul3A_359 = arith.constant 16 : i32
        %mul3A_360 = arith.muli %while3A_358, %mul3A_359 : i32
        %get3A = arith.index_cast %mul3A_360 : i32 to index
        %get3A_361 = tpu.vector_load %arg15[%get3A] {strides = array<i32>} : memref<1040xf32, #tpu.memory_space<vmem>>, vector<16xf32>,
        %mul3A_362 = arith.constant 16 : i32
        %mul3A_363 = arith.muli %while3A_358, %mul3A_362 : i32
        %get3A_364 = arith.index_cast %mul3A_363 : i32 to index
        %get3A_365 = tpu.vector_load %arg16[%get3A_364] {strides = array<i32>} : memref<1040xi32, #tpu.memory_space<vmem>>, vector<16xi32>,
        %ge3A = arith.cmpf oge, %get3A_361, %add3A_216 : vector<16xf32>
        %sub3A_366 = vector.broadcast %reduce_max3A_45 : f32 to vector<16xf32>
        %sub3A_367 = arith.subf %get3A_361, %sub3A_366 : vector<16xf32>
        %mul3A_368 = arith.constant 14.2857141 : f32
        %mul3A_369 = vector.broadcast %mul3A_368 : f32 to vector<16xf32>
        %mul3A_370 = arith.mulf %sub3A_367, %mul3A_369 : vector<16xf32>
        %exp3A = math.exp %mul3A_370 : vector<16xf32>
        %mul3A_371 = arith.mulf %exp3A, %mul3A_253 : vector<16xf32>
        %ge3A_372 = arith.cmpf oge, %get3A_361, %add3A_210 : vector<16xf32>
        %convert_element_type3A_373 = arith.extui %ge3A_372 : vector<16xi1> to vector<16xi32>
        %ge3A_374 = arith.cmpf oge, %get3A_361, %add3A_212 : vector<16xf32>
        %convert_element_type3A_375 = arith.extui %ge3A_374 : vector<16xi1> to vector<16xi32>
        %add3A_376 = arith.addi %convert_element_type3A_373, %convert_element_type3A_375 : vector<16xi32>
        %ge3A_377 = arith.cmpf oge, %get3A_361, %add3A_214 : vector<16xf32>
        %convert_element_type3A_378 = arith.extui %ge3A_377 : vector<16xi1> to vector<16xi32>
        %add3A_379 = arith.addi %add3A_376, %convert_element_type3A_378 : vector<16xi32>
        %sub3A_380 = arith.constant 3 : i32
        %sub3A_381 = vector.broadcast %sub3A_380 : i32 to vector<16xi32>
        %sub3A_382 = arith.subi %sub3A_381, %add3A_379 : vector<16xi32>
        %mul3A_383 = arith.constant 4097 : i32
        %mul3A_384 = vector.broadcast %mul3A_383 : i32 to vector<16xi32>
        %mul3A_385 = arith.muli %iota3A, %mul3A_384 : vector<16xi32>
        %mul3A_386 = arith.constant 1024 : i32
        %mul3A_387 = vector.broadcast %mul3A_386 : i32 to vector<16xi32>
        %mul3A_388 = arith.muli %sub3A_382, %mul3A_387 : vector<16xi32>
        %add3A_389 = arith.addi %mul3A_385, %mul3A_388 : vector<16xi32>
        %add3A_390 = arith.addi %add3A_389, %get3A_365 : vector<16xi32>
        tpu.vector_store_idx %arg17[%add3A_390], %mul3A_371 masked %ge3A {add = true} : memref<65568xf32, #tpu.memory_space<vmem>>[vector<16xi32>], vector<16xf32>, vector<16xi1>
      }
      %scan3A_264 = arith.constant 0 : i32
      %scan3A_265 = arith.constant 0 : i32
      %scan3A_266 = arith.constant 64 : i32
      %scan3A_267 = arith.addi %scan3A_265, %scan3A_266 : i32
      %scan3A_268 = arith.constant 1 : i32
      scf.for %scan3A_358 = %scan3A_265 to %scan3A_267 step %scan3A_268  : i32 {
        %mul3A_359 = arith.constant 16 : i32
        %mul3A_360 = arith.muli %scan3A_358, %mul3A_359 : i32
        %add3A_361 = arith.constant 0 : i32
        %add3A_362 = arith.addi %add3A_361, %mul3A_360 : i32
        %get3A = arith.index_cast %add3A_362 : i32 to index
        %get3A_363 = tpu.vector_load %arg17[%get3A] {strides = array<i32>} : memref<65568xf32, #tpu.memory_space<vmem>>, vector<16xf32>,
        %mul3A_364 = arith.constant 16 : i32
        %mul3A_365 = arith.muli %scan3A_358, %mul3A_364 : i32
        %add3A_366 = arith.constant 4097 : i32
        %add3A_367 = arith.addi %add3A_366, %mul3A_365 : i32
        %get3A_368 = arith.index_cast %add3A_367 : i32 to index
        %get3A_369 = tpu.vector_load %arg17[%get3A_368] {strides = array<i32>} : memref<65568xf32, #tpu.memory_space<vmem>>, vector<16xf32>,
        %add3A_370 = arith.addf %get3A_363, %get3A_369 : vector<16xf32>
        %mul3A_371 = arith.constant 16 : i32
        %mul3A_372 = arith.muli %scan3A_358, %mul3A_371 : i32
        %add3A_373 = arith.constant 8194 : i32
        %add3A_374 = arith.addi %add3A_373, %mul3A_372 : i32
        %get3A_375 = arith.index_cast %add3A_374 : i32 to index
        %get3A_376 = tpu.vector_load %arg17[%get3A_375] {strides = array<i32>} : memref<65568xf32, #tpu.memory_space<vmem>>, vector<16xf32>,
        %add3A_377 = arith.addf %add3A_370, %get3A_376 : vector<16xf32>
        %mul3A_378 = arith.constant 16 : i32
        %mul3A_379 = arith.muli %scan3A_358, %mul3A_378 : i32
        %add3A_380 = arith.constant 12291 : i32
        %add3A_381 = arith.addi %add3A_380, %mul3A_379 : i32
        %get3A_382 = arith.index_cast %add3A_381 : i32 to index
        %get3A_383 = tpu.vector_load %arg17[%get3A_382] {strides = array<i32>} : memref<65568xf32, #tpu.memory_space<vmem>>, vector<16xf32>,
        %add3A_384 = arith.addf %add3A_377, %get3A_383 : vector<16xf32>
        %mul3A_385 = arith.constant 16 : i32
        %mul3A_386 = arith.muli %scan3A_358, %mul3A_385 : i32
        %add3A_387 = arith.constant 16388 : i32
        %add3A_388 = arith.addi %add3A_387, %mul3A_386 : i32
        %get3A_389 = arith.index_cast %add3A_388 : i32 to index
        %get3A_390 = tpu.vector_load %arg17[%get3A_389] {strides = array<i32>} : memref<65568xf32, #tpu.memory_space<vmem>>, vector<16xf32>,
        %add3A_391 = arith.addf %add3A_384, %get3A_390 : vector<16xf32>
        %mul3A_392 = arith.constant 16 : i32
        %mul3A_393 = arith.muli %scan3A_358, %mul3A_392 : i32
        %add3A_394 = arith.constant 20485 : i32
        %add3A_395 = arith.addi %add3A_394, %mul3A_393 : i32
        %get3A_396 = arith.index_cast %add3A_395 : i32 to index
        %get3A_397 = tpu.vector_load %arg17[%get3A_396] {strides = array<i32>} : memref<65568xf32, #tpu.memory_space<vmem>>, vector<16xf32>,
        %add3A_398 = arith.addf %add3A_391, %get3A_397 : vector<16xf32>
        %mul3A_399 = arith.constant 16 : i32
        %mul3A_400 = arith.muli %scan3A_358, %mul3A_399 : i32
        %add3A_401 = arith.constant 24582 : i32
        %add3A_402 = arith.addi %add3A_401, %mul3A_400 : i32
        %get3A_403 = arith.index_cast %add3A_402 : i32 to index
        %get3A_404 = tpu.vector_load %arg17[%get3A_403] {strides = array<i32>} : memref<65568xf32, #tpu.memory_space<vmem>>, vector<16xf32>,
        %add3A_405 = arith.addf %add3A_398, %get3A_404 : vector<16xf32>
        %mul3A_406 = arith.constant 16 : i32
        %mul3A_407 = arith.muli %scan3A_358, %mul3A_406 : i32
        %add3A_408 = arith.constant 28679 : i32
        %add3A_409 = arith.addi %add3A_408, %mul3A_407 : i32
        %get3A_410 = arith.index_cast %add3A_409 : i32 to index
        %get3A_411 = tpu.vector_load %arg17[%get3A_410] {strides = array<i32>} : memref<65568xf32, #tpu.memory_space<vmem>>, vector<16xf32>,
        %add3A_412 = arith.addf %add3A_405, %get3A_411 : vector<16xf32>
        %mul3A_413 = arith.constant 16 : i32
        %mul3A_414 = arith.muli %scan3A_358, %mul3A_413 : i32
        %add3A_415 = arith.constant 32776 : i32
        %add3A_416 = arith.addi %add3A_415, %mul3A_414 : i32
        %get3A_417 = arith.index_cast %add3A_416 : i32 to index
        %get3A_418 = tpu.vector_load %arg17[%get3A_417] {strides = array<i32>} : memref<65568xf32, #tpu.memory_space<vmem>>, vector<16xf32>,
        %add3A_419 = arith.addf %add3A_412, %get3A_418 : vector<16xf32>
        %mul3A_420 = arith.constant 16 : i32
        %mul3A_421 = arith.muli %scan3A_358, %mul3A_420 : i32
        %add3A_422 = arith.constant 36873 : i32
        %add3A_423 = arith.addi %add3A_422, %mul3A_421 : i32
        %get3A_424 = arith.index_cast %add3A_423 : i32 to index
        %get3A_425 = tpu.vector_load %arg17[%get3A_424] {strides = array<i32>} : memref<65568xf32, #tpu.memory_space<vmem>>, vector<16xf32>,
        %add3A_426 = arith.addf %add3A_419, %get3A_425 : vector<16xf32>
        %mul3A_427 = arith.constant 16 : i32
        %mul3A_428 = arith.muli %scan3A_358, %mul3A_427 : i32
        %add3A_429 = arith.constant 40970 : i32
        %add3A_430 = arith.addi %add3A_429, %mul3A_428 : i32
        %get3A_431 = arith.index_cast %add3A_430 : i32 to index
        %get3A_432 = tpu.vector_load %arg17[%get3A_431] {strides = array<i32>} : memref<65568xf32, #tpu.memory_space<vmem>>, vector<16xf32>,
        %add3A_433 = arith.addf %add3A_426, %get3A_432 : vector<16xf32>
        %mul3A_434 = arith.constant 16 : i32
        %mul3A_435 = arith.muli %scan3A_358, %mul3A_434 : i32
        %add3A_436 = arith.constant 45067 : i32
        %add3A_437 = arith.addi %add3A_436, %mul3A_435 : i32
        %get3A_438 = arith.index_cast %add3A_437 : i32 to index
        %get3A_439 = tpu.vector_load %arg17[%get3A_438] {strides = array<i32>} : memref<65568xf32, #tpu.memory_space<vmem>>, vector<16xf32>,
        %add3A_440 = arith.addf %add3A_433, %get3A_439 : vector<16xf32>
        %mul3A_441 = arith.constant 16 : i32
        %mul3A_442 = arith.muli %scan3A_358, %mul3A_441 : i32
        %add3A_443 = arith.constant 49164 : i32
        %add3A_444 = arith.addi %add3A_443, %mul3A_442 : i32
        %get3A_445 = arith.index_cast %add3A_444 : i32 to index
        %get3A_446 = tpu.vector_load %arg17[%get3A_445] {strides = array<i32>} : memref<65568xf32, #tpu.memory_space<vmem>>, vector<16xf32>,
        %add3A_447 = arith.addf %add3A_440, %get3A_446 : vector<16xf32>
        %mul3A_448 = arith.constant 16 : i32
        %mul3A_449 = arith.muli %scan3A_358, %mul3A_448 : i32
        %add3A_450 = arith.constant 53261 : i32
        %add3A_451 = arith.addi %add3A_450, %mul3A_449 : i32
        %get3A_452 = arith.index_cast %add3A_451 : i32 to index
        %get3A_453 = tpu.vector_load %arg17[%get3A_452] {strides = array<i32>} : memref<65568xf32, #tpu.memory_space<vmem>>, vector<16xf32>,
        %add3A_454 = arith.addf %add3A_447, %get3A_453 : vector<16xf32>
        %mul3A_455 = arith.constant 16 : i32
        %mul3A_456 = arith.muli %scan3A_358, %mul3A_455 : i32
        %add3A_457 = arith.constant 57358 : i32
        %add3A_458 = arith.addi %add3A_457, %mul3A_456 : i32
        %get3A_459 = arith.index_cast %add3A_458 : i32 to index
        %get3A_460 = tpu.vector_load %arg17[%get3A_459] {strides = array<i32>} : memref<65568xf32, #tpu.memory_space<vmem>>, vector<16xf32>,
        %add3A_461 = arith.addf %add3A_454, %get3A_460 : vector<16xf32>
        %mul3A_462 = arith.constant 16 : i32
        %mul3A_463 = arith.muli %scan3A_358, %mul3A_462 : i32
        %add3A_464 = arith.constant 61455 : i32
        %add3A_465 = arith.addi %add3A_464, %mul3A_463 : i32
        %get3A_466 = arith.index_cast %add3A_465 : i32 to index
        %get3A_467 = tpu.vector_load %arg17[%get3A_466] {strides = array<i32>} : memref<65568xf32, #tpu.memory_space<vmem>>, vector<16xf32>,
        %add3A_468 = arith.addf %add3A_461, %get3A_467 : vector<16xf32>
        %add3A_469 = arith.addf %broadcast_in_dim3A_1, %add3A_468 : vector<16xf32>
        %mul3A_470 = arith.constant 16 : i32
        %mul3A_471 = arith.muli %scan3A_358, %mul3A_470 : i32
        %add3A_472 = arith.constant 0 : i32
        %add3A_473 = arith.addi %add3A_472, %mul3A_471 : i32
        %swap3A = arith.index_cast %add3A_473 : i32 to index
        %swap3A_474 = tpu.vector_load %arg18[%swap3A] {strides = array<i32>} : memref<4096xf32, #tpu.memory_space<vmem>>, vector<16xf32>,
        tpu.vector_store %arg18[%swap3A], %add3A_469 {strides = array<i32>} : memref<4096xf32, #tpu.memory_space<vmem>>, vector<16xf32>,
        %mul3A_475 = arith.constant 16 : i32
        %mul3A_476 = arith.muli %scan3A_358, %mul3A_475 : i32
        %add3A_477 = arith.constant 1024 : i32
        %add3A_478 = arith.addi %add3A_477, %mul3A_476 : i32
        %get3A_479 = arith.index_cast %add3A_478 : i32 to index
        %get3A_480 = tpu.vector_load %arg17[%get3A_479] {strides = array<i32>} : memref<65568xf32, #tpu.memory_space<vmem>>, vector<16xf32>,
        %mul3A_481 = arith.constant 16 : i32
        %mul3A_482 = arith.muli %scan3A_358, %mul3A_481 : i32
        %add3A_483 = arith.constant 5121 : i32
        %add3A_484 = arith.addi %add3A_483, %mul3A_482 : i32
        %get3A_485 = arith.index_cast %add3A_484 : i32 to index
        %get3A_486 = tpu.vector_load %arg17[%get3A_485] {strides = array<i32>} : memref<65568xf32, #tpu.memory_space<vmem>>, vector<16xf32>,
        %add3A_487 = arith.addf %get3A_480, %get3A_486 : vector<16xf32>
        %mul3A_488 = arith.constant 16 : i32
        %mul3A_489 = arith.muli %scan3A_358, %mul3A_488 : i32
        %add3A_490 = arith.constant 9218 : i32
        %add3A_491 = arith.addi %add3A_490, %mul3A_489 : i32
        %get3A_492 = arith.index_cast %add3A_491 : i32 to index
        %get3A_493 = tpu.vector_load %arg17[%get3A_492] {strides = array<i32>} : memref<65568xf32, #tpu.memory_space<vmem>>, vector<16xf32>,
        %add3A_494 = arith.addf %add3A_487, %get3A_493 : vector<16xf32>
        %mul3A_495 = arith.constant 16 : i32
        %mul3A_496 = arith.muli %scan3A_358, %mul3A_495 : i32
        %add3A_497 = arith.constant 13315 : i32
        %add3A_498 = arith.addi %add3A_497, %mul3A_496 : i32
        %get3A_499 = arith.index_cast %add3A_498 : i32 to index
        %get3A_500 = tpu.vector_load %arg17[%get3A_499] {strides = array<i32>} : memref<65568xf32, #tpu.memory_space<vmem>>, vector<16xf32>,
        %add3A_501 = arith.addf %add3A_494, %get3A_500 : vector<16xf32>
        %mul3A_502 = arith.constant 16 : i32
        %mul3A_503 = arith.muli %scan3A_358, %mul3A_502 : i32
        %add3A_504 = arith.constant 17412 : i32
        %add3A_505 = arith.addi %add3A_504, %mul3A_503 : i32
        %get3A_506 = arith.index_cast %add3A_505 : i32 to index
        %get3A_507 = tpu.vector_load %arg17[%get3A_506] {strides = array<i32>} : memref<65568xf32, #tpu.memory_space<vmem>>, vector<16xf32>,
        %add3A_508 = arith.addf %add3A_501, %get3A_507 : vector<16xf32>
        %mul3A_509 = arith.constant 16 : i32
        %mul3A_510 = arith.muli %scan3A_358, %mul3A_509 : i32
        %add3A_511 = arith.constant 21509 : i32
        %add3A_512 = arith.addi %add3A_511, %mul3A_510 : i32
        %get3A_513 = arith.index_cast %add3A_512 : i32 to index
        %get3A_514 = tpu.vector_load %arg17[%get3A_513] {strides = array<i32>} : memref<65568xf32, #tpu.memory_space<vmem>>, vector<16xf32>,
        %add3A_515 = arith.addf %add3A_508, %get3A_514 : vector<16xf32>
        %mul3A_516 = arith.constant 16 : i32
        %mul3A_517 = arith.muli %scan3A_358, %mul3A_516 : i32
        %add3A_518 = arith.constant 25606 : i32
        %add3A_519 = arith.addi %add3A_518, %mul3A_517 : i32
        %get3A_520 = arith.index_cast %add3A_519 : i32 to index
        %get3A_521 = tpu.vector_load %arg17[%get3A_520] {strides = array<i32>} : memref<65568xf32, #tpu.memory_space<vmem>>, vector<16xf32>,
        %add3A_522 = arith.addf %add3A_515, %get3A_521 : vector<16xf32>
        %mul3A_523 = arith.constant 16 : i32
        %mul3A_524 = arith.muli %scan3A_358, %mul3A_523 : i32
        %add3A_525 = arith.constant 29703 : i32
        %add3A_526 = arith.addi %add3A_525, %mul3A_524 : i32
        %get3A_527 = arith.index_cast %add3A_526 : i32 to index
        %get3A_528 = tpu.vector_load %arg17[%get3A_527] {strides = array<i32>} : memref<65568xf32, #tpu.memory_space<vmem>>, vector<16xf32>,
        %add3A_529 = arith.addf %add3A_522, %get3A_528 : vector<16xf32>
        %mul3A_530 = arith.constant 16 : i32
        %mul3A_531 = arith.muli %scan3A_358, %mul3A_530 : i32
        %add3A_532 = arith.constant 33800 : i32
        %add3A_533 = arith.addi %add3A_532, %mul3A_531 : i32
        %get3A_534 = arith.index_cast %add3A_533 : i32 to index
        %get3A_535 = tpu.vector_load %arg17[%get3A_534] {strides = array<i32>} : memref<65568xf32, #tpu.memory_space<vmem>>, vector<16xf32>,
        %add3A_536 = arith.addf %add3A_529, %get3A_535 : vector<16xf32>
        %mul3A_537 = arith.constant 16 : i32
        %mul3A_538 = arith.muli %scan3A_358, %mul3A_537 : i32
        %add3A_539 = arith.constant 37897 : i32
        %add3A_540 = arith.addi %add3A_539, %mul3A_538 : i32
        %get3A_541 = arith.index_cast %add3A_540 : i32 to index
        %get3A_542 = tpu.vector_load %arg17[%get3A_541] {strides = array<i32>} : memref<65568xf32, #tpu.memory_space<vmem>>, vector<16xf32>,
        %add3A_543 = arith.addf %add3A_536, %get3A_542 : vector<16xf32>
        %mul3A_544 = arith.constant 16 : i32
        %mul3A_545 = arith.muli %scan3A_358, %mul3A_544 : i32
        %add3A_546 = arith.constant 41994 : i32
        %add3A_547 = arith.addi %add3A_546, %mul3A_545 : i32
        %get3A_548 = arith.index_cast %add3A_547 : i32 to index
        %get3A_549 = tpu.vector_load %arg17[%get3A_548] {strides = array<i32>} : memref<65568xf32, #tpu.memory_space<vmem>>, vector<16xf32>,
        %add3A_550 = arith.addf %add3A_543, %get3A_549 : vector<16xf32>
        %mul3A_551 = arith.constant 16 : i32
        %mul3A_552 = arith.muli %scan3A_358, %mul3A_551 : i32
        %add3A_553 = arith.constant 46091 : i32
        %add3A_554 = arith.addi %add3A_553, %mul3A_552 : i32
        %get3A_555 = arith.index_cast %add3A_554 : i32 to index
        %get3A_556 = tpu.vector_load %arg17[%get3A_555] {strides = array<i32>} : memref<65568xf32, #tpu.memory_space<vmem>>, vector<16xf32>,
        %add3A_557 = arith.addf %add3A_550, %get3A_556 : vector<16xf32>
        %mul3A_558 = arith.constant 16 : i32
        %mul3A_559 = arith.muli %scan3A_358, %mul3A_558 : i32
        %add3A_560 = arith.constant 50188 : i32
        %add3A_561 = arith.addi %add3A_560, %mul3A_559 : i32
        %get3A_562 = arith.index_cast %add3A_561 : i32 to index
        %get3A_563 = tpu.vector_load %arg17[%get3A_562] {strides = array<i32>} : memref<65568xf32, #tpu.memory_space<vmem>>, vector<16xf32>,
        %add3A_564 = arith.addf %add3A_557, %get3A_563 : vector<16xf32>
        %mul3A_565 = arith.constant 16 : i32
        %mul3A_566 = arith.muli %scan3A_358, %mul3A_565 : i32
        %add3A_567 = arith.constant 54285 : i32
        %add3A_568 = arith.addi %add3A_567, %mul3A_566 : i32
        %get3A_569 = arith.index_cast %add3A_568 : i32 to index
        %get3A_570 = tpu.vector_load %arg17[%get3A_569] {strides = array<i32>} : memref<65568xf32, #tpu.memory_space<vmem>>, vector<16xf32>,
        %add3A_571 = arith.addf %add3A_564, %get3A_570 : vector<16xf32>
        %mul3A_572 = arith.constant 16 : i32
        %mul3A_573 = arith.muli %scan3A_358, %mul3A_572 : i32
        %add3A_574 = arith.constant 58382 : i32
        %add3A_575 = arith.addi %add3A_574, %mul3A_573 : i32
        %get3A_576 = arith.index_cast %add3A_575 : i32 to index
        %get3A_577 = tpu.vector_load %arg17[%get3A_576] {strides = array<i32>} : memref<65568xf32, #tpu.memory_space<vmem>>, vector<16xf32>,
        %add3A_578 = arith.addf %add3A_571, %get3A_577 : vector<16xf32>
        %mul3A_579 = arith.constant 16 : i32
        %mul3A_580 = arith.muli %scan3A_358, %mul3A_579 : i32
        %add3A_581 = arith.constant 62479 : i32
        %add3A_582 = arith.addi %add3A_581, %mul3A_580 : i32
        %get3A_583 = arith.index_cast %add3A_582 : i32 to index
        %get3A_584 = tpu.vector_load %arg17[%get3A_583] {strides = array<i32>} : memref<65568xf32, #tpu.memory_space<vmem>>, vector<16xf32>,
        %add3A_585 = arith.addf %add3A_578, %get3A_584 : vector<16xf32>
        %add3A_586 = arith.addf %add3A_469, %add3A_585 : vector<16xf32>
        %mul3A_587 = arith.constant 16 : i32
        %mul3A_588 = arith.muli %scan3A_358, %mul3A_587 : i32
        %add3A_589 = arith.constant 1024 : i32
        %add3A_590 = arith.addi %add3A_589, %mul3A_588 : i32
        %swap3A_591 = arith.index_cast %add3A_590 : i32 to index
        %swap3A_592 = tpu.vector_load %arg18[%swap3A_591] {strides = array<i32>} : memref<4096xf32, #tpu.memory_space<vmem>>, vector<16xf32>,
        tpu.vector_store %arg18[%swap3A_591], %add3A_586 {strides = array<i32>} : memref<4096xf32, #tpu.memory_space<vmem>>, vector<16xf32>,
        %mul3A_593 = arith.constant 16 : i32
        %mul3A_594 = arith.muli %scan3A_358, %mul3A_593 : i32
        %add3A_595 = arith.constant 2048 : i32
        %add3A_596 = arith.addi %add3A_595, %mul3A_594 : i32
        %get3A_597 = arith.index_cast %add3A_596 : i32 to index
        %get3A_598 = tpu.vector_load %arg17[%get3A_597] {strides = array<i32>} : memref<65568xf32, #tpu.memory_space<vmem>>, vector<16xf32>,
        %mul3A_599 = arith.constant 16 : i32
        %mul3A_600 = arith.muli %scan3A_358, %mul3A_599 : i32
        %add3A_601 = arith.constant 6145 : i32
        %add3A_602 = arith.addi %add3A_601, %mul3A_600 : i32
        %get3A_603 = arith.index_cast %add3A_602 : i32 to index
        %get3A_604 = tpu.vector_load %arg17[%get3A_603] {strides = array<i32>} : memref<65568xf32, #tpu.memory_space<vmem>>, vector<16xf32>,
        %add3A_605 = arith.addf %get3A_598, %get3A_604 : vector<16xf32>
        %mul3A_606 = arith.constant 16 : i32
        %mul3A_607 = arith.muli %scan3A_358, %mul3A_606 : i32
        %add3A_608 = arith.constant 10242 : i32
        %add3A_609 = arith.addi %add3A_608, %mul3A_607 : i32
        %get3A_610 = arith.index_cast %add3A_609 : i32 to index
        %get3A_611 = tpu.vector_load %arg17[%get3A_610] {strides = array<i32>} : memref<65568xf32, #tpu.memory_space<vmem>>, vector<16xf32>,
        %add3A_612 = arith.addf %add3A_605, %get3A_611 : vector<16xf32>
        %mul3A_613 = arith.constant 16 : i32
        %mul3A_614 = arith.muli %scan3A_358, %mul3A_613 : i32
        %add3A_615 = arith.constant 14339 : i32
        %add3A_616 = arith.addi %add3A_615, %mul3A_614 : i32
        %get3A_617 = arith.index_cast %add3A_616 : i32 to index
        %get3A_618 = tpu.vector_load %arg17[%get3A_617] {strides = array<i32>} : memref<65568xf32, #tpu.memory_space<vmem>>, vector<16xf32>,
        %add3A_619 = arith.addf %add3A_612, %get3A_618 : vector<16xf32>
        %mul3A_620 = arith.constant 16 : i32
        %mul3A_621 = arith.muli %scan3A_358, %mul3A_620 : i32
        %add3A_622 = arith.constant 18436 : i32
        %add3A_623 = arith.addi %add3A_622, %mul3A_621 : i32
        %get3A_624 = arith.index_cast %add3A_623 : i32 to index
        %get3A_625 = tpu.vector_load %arg17[%get3A_624] {strides = array<i32>} : memref<65568xf32, #tpu.memory_space<vmem>>, vector<16xf32>,
        %add3A_626 = arith.addf %add3A_619, %get3A_625 : vector<16xf32>
        %mul3A_627 = arith.constant 16 : i32
        %mul3A_628 = arith.muli %scan3A_358, %mul3A_627 : i32
        %add3A_629 = arith.constant 22533 : i32
        %add3A_630 = arith.addi %add3A_629, %mul3A_628 : i32
        %get3A_631 = arith.index_cast %add3A_630 : i32 to index
        %get3A_632 = tpu.vector_load %arg17[%get3A_631] {strides = array<i32>} : memref<65568xf32, #tpu.memory_space<vmem>>, vector<16xf32>,
        %add3A_633 = arith.addf %add3A_626, %get3A_632 : vector<16xf32>
        %mul3A_634 = arith.constant 16 : i32
        %mul3A_635 = arith.muli %scan3A_358, %mul3A_634 : i32
        %add3A_636 = arith.constant 26630 : i32
        %add3A_637 = arith.addi %add3A_636, %mul3A_635 : i32
        %get3A_638 = arith.index_cast %add3A_637 : i32 to index
        %get3A_639 = tpu.vector_load %arg17[%get3A_638] {strides = array<i32>} : memref<65568xf32, #tpu.memory_space<vmem>>, vector<16xf32>,
        %add3A_640 = arith.addf %add3A_633, %get3A_639 : vector<16xf32>
        %mul3A_641 = arith.constant 16 : i32
        %mul3A_642 = arith.muli %scan3A_358, %mul3A_641 : i32
        %add3A_643 = arith.constant 30727 : i32
        %add3A_644 = arith.addi %add3A_643, %mul3A_642 : i32
        %get3A_645 = arith.index_cast %add3A_644 : i32 to index
        %get3A_646 = tpu.vector_load %arg17[%get3A_645] {strides = array<i32>} : memref<65568xf32, #tpu.memory_space<vmem>>, vector<16xf32>,
        %add3A_647 = arith.addf %add3A_640, %get3A_646 : vector<16xf32>
        %mul3A_648 = arith.constant 16 : i32
        %mul3A_649 = arith.muli %scan3A_358, %mul3A_648 : i32
        %add3A_650 = arith.constant 34824 : i32
        %add3A_651 = arith.addi %add3A_650, %mul3A_649 : i32
        %get3A_652 = arith.index_cast %add3A_651 : i32 to index
        %get3A_653 = tpu.vector_load %arg17[%get3A_652] {strides = array<i32>} : memref<65568xf32, #tpu.memory_space<vmem>>, vector<16xf32>,
        %add3A_654 = arith.addf %add3A_647, %get3A_653 : vector<16xf32>
        %mul3A_655 = arith.constant 16 : i32
        %mul3A_656 = arith.muli %scan3A_358, %mul3A_655 : i32
        %add3A_657 = arith.constant 38921 : i32
        %add3A_658 = arith.addi %add3A_657, %mul3A_656 : i32
        %get3A_659 = arith.index_cast %add3A_658 : i32 to index
        %get3A_660 = tpu.vector_load %arg17[%get3A_659] {strides = array<i32>} : memref<65568xf32, #tpu.memory_space<vmem>>, vector<16xf32>,
        %add3A_661 = arith.addf %add3A_654, %get3A_660 : vector<16xf32>
        %mul3A_662 = arith.constant 16 : i32
        %mul3A_663 = arith.muli %scan3A_358, %mul3A_662 : i32
        %add3A_664 = arith.constant 43018 : i32
        %add3A_665 = arith.addi %add3A_664, %mul3A_663 : i32
        %get3A_666 = arith.index_cast %add3A_665 : i32 to index
        %get3A_667 = tpu.vector_load %arg17[%get3A_666] {strides = array<i32>} : memref<65568xf32, #tpu.memory_space<vmem>>, vector<16xf32>,
        %add3A_668 = arith.addf %add3A_661, %get3A_667 : vector<16xf32>
        %mul3A_669 = arith.constant 16 : i32
        %mul3A_670 = arith.muli %scan3A_358, %mul3A_669 : i32
        %add3A_671 = arith.constant 47115 : i32
        %add3A_672 = arith.addi %add3A_671, %mul3A_670 : i32
        %get3A_673 = arith.index_cast %add3A_672 : i32 to index
        %get3A_674 = tpu.vector_load %arg17[%get3A_673] {strides = array<i32>} : memref<65568xf32, #tpu.memory_space<vmem>>, vector<16xf32>,
        %add3A_675 = arith.addf %add3A_668, %get3A_674 : vector<16xf32>
        %mul3A_676 = arith.constant 16 : i32
        %mul3A_677 = arith.muli %scan3A_358, %mul3A_676 : i32
        %add3A_678 = arith.constant 51212 : i32
        %add3A_679 = arith.addi %add3A_678, %mul3A_677 : i32
        %get3A_680 = arith.index_cast %add3A_679 : i32 to index
        %get3A_681 = tpu.vector_load %arg17[%get3A_680] {strides = array<i32>} : memref<65568xf32, #tpu.memory_space<vmem>>, vector<16xf32>,
        %add3A_682 = arith.addf %add3A_675, %get3A_681 : vector<16xf32>
        %mul3A_683 = arith.constant 16 : i32
        %mul3A_684 = arith.muli %scan3A_358, %mul3A_683 : i32
        %add3A_685 = arith.constant 55309 : i32
        %add3A_686 = arith.addi %add3A_685, %mul3A_684 : i32
        %get3A_687 = arith.index_cast %add3A_686 : i32 to index
        %get3A_688 = tpu.vector_load %arg17[%get3A_687] {strides = array<i32>} : memref<65568xf32, #tpu.memory_space<vmem>>, vector<16xf32>,
        %add3A_689 = arith.addf %add3A_682, %get3A_688 : vector<16xf32>
        %mul3A_690 = arith.constant 16 : i32
        %mul3A_691 = arith.muli %scan3A_358, %mul3A_690 : i32
        %add3A_692 = arith.constant 59406 : i32
        %add3A_693 = arith.addi %add3A_692, %mul3A_691 : i32
        %get3A_694 = arith.index_cast %add3A_693 : i32 to index
        %get3A_695 = tpu.vector_load %arg17[%get3A_694] {strides = array<i32>} : memref<65568xf32, #tpu.memory_space<vmem>>, vector<16xf32>,
        %add3A_696 = arith.addf %add3A_689, %get3A_695 : vector<16xf32>
        %mul3A_697 = arith.constant 16 : i32
        %mul3A_698 = arith.muli %scan3A_358, %mul3A_697 : i32
        %add3A_699 = arith.constant 63503 : i32
        %add3A_700 = arith.addi %add3A_699, %mul3A_698 : i32
        %get3A_701 = arith.index_cast %add3A_700 : i32 to index
        %get3A_702 = tpu.vector_load %arg17[%get3A_701] {strides = array<i32>} : memref<65568xf32, #tpu.memory_space<vmem>>, vector<16xf32>,
        %add3A_703 = arith.addf %add3A_696, %get3A_702 : vector<16xf32>
        %add3A_704 = arith.addf %add3A_586, %add3A_703 : vector<16xf32>
        %mul3A_705 = arith.constant 16 : i32
        %mul3A_706 = arith.muli %scan3A_358, %mul3A_705 : i32
        %add3A_707 = arith.constant 2048 : i32
        %add3A_708 = arith.addi %add3A_707, %mul3A_706 : i32
        %swap3A_709 = arith.index_cast %add3A_708 : i32 to index
        %swap3A_710 = tpu.vector_load %arg18[%swap3A_709] {strides = array<i32>} : memref<4096xf32, #tpu.memory_space<vmem>>, vector<16xf32>,
        tpu.vector_store %arg18[%swap3A_709], %add3A_704 {strides = array<i32>} : memref<4096xf32, #tpu.memory_space<vmem>>, vector<16xf32>,
        %mul3A_711 = arith.constant 16 : i32
        %mul3A_712 = arith.muli %scan3A_358, %mul3A_711 : i32
        %add3A_713 = arith.constant 3072 : i32
        %add3A_714 = arith.addi %add3A_713, %mul3A_712 : i32
        %get3A_715 = arith.index_cast %add3A_714 : i32 to index
        %get3A_716 = tpu.vector_load %arg17[%get3A_715] {strides = array<i32>} : memref<65568xf32, #tpu.memory_space<vmem>>, vector<16xf32>,
        %mul3A_717 = arith.constant 16 : i32
        %mul3A_718 = arith.muli %scan3A_358, %mul3A_717 : i32
        %add3A_719 = arith.constant 7169 : i32
        %add3A_720 = arith.addi %add3A_719, %mul3A_718 : i32
        %get3A_721 = arith.index_cast %add3A_720 : i32 to index
        %get3A_722 = tpu.vector_load %arg17[%get3A_721] {strides = array<i32>} : memref<65568xf32, #tpu.memory_space<vmem>>, vector<16xf32>,
        %add3A_723 = arith.addf %get3A_716, %get3A_722 : vector<16xf32>
        %mul3A_724 = arith.constant 16 : i32
        %mul3A_725 = arith.muli %scan3A_358, %mul3A_724 : i32
        %add3A_726 = arith.constant 11266 : i32
        %add3A_727 = arith.addi %add3A_726, %mul3A_725 : i32
        %get3A_728 = arith.index_cast %add3A_727 : i32 to index
        %get3A_729 = tpu.vector_load %arg17[%get3A_728] {strides = array<i32>} : memref<65568xf32, #tpu.memory_space<vmem>>, vector<16xf32>,
        %add3A_730 = arith.addf %add3A_723, %get3A_729 : vector<16xf32>
        %mul3A_731 = arith.constant 16 : i32
        %mul3A_732 = arith.muli %scan3A_358, %mul3A_731 : i32
        %add3A_733 = arith.constant 15363 : i32
        %add3A_734 = arith.addi %add3A_733, %mul3A_732 : i32
        %get3A_735 = arith.index_cast %add3A_734 : i32 to index
        %get3A_736 = tpu.vector_load %arg17[%get3A_735] {strides = array<i32>} : memref<65568xf32, #tpu.memory_space<vmem>>, vector<16xf32>,
        %add3A_737 = arith.addf %add3A_730, %get3A_736 : vector<16xf32>
        %mul3A_738 = arith.constant 16 : i32
        %mul3A_739 = arith.muli %scan3A_358, %mul3A_738 : i32
        %add3A_740 = arith.constant 19460 : i32
        %add3A_741 = arith.addi %add3A_740, %mul3A_739 : i32
        %get3A_742 = arith.index_cast %add3A_741 : i32 to index
        %get3A_743 = tpu.vector_load %arg17[%get3A_742] {strides = array<i32>} : memref<65568xf32, #tpu.memory_space<vmem>>, vector<16xf32>,
        %add3A_744 = arith.addf %add3A_737, %get3A_743 : vector<16xf32>
        %mul3A_745 = arith.constant 16 : i32
        %mul3A_746 = arith.muli %scan3A_358, %mul3A_745 : i32
        %add3A_747 = arith.constant 23557 : i32
        %add3A_748 = arith.addi %add3A_747, %mul3A_746 : i32
        %get3A_749 = arith.index_cast %add3A_748 : i32 to index
        %get3A_750 = tpu.vector_load %arg17[%get3A_749] {strides = array<i32>} : memref<65568xf32, #tpu.memory_space<vmem>>, vector<16xf32>,
        %add3A_751 = arith.addf %add3A_744, %get3A_750 : vector<16xf32>
        %mul3A_752 = arith.constant 16 : i32
        %mul3A_753 = arith.muli %scan3A_358, %mul3A_752 : i32
        %add3A_754 = arith.constant 27654 : i32
        %add3A_755 = arith.addi %add3A_754, %mul3A_753 : i32
        %get3A_756 = arith.index_cast %add3A_755 : i32 to index
        %get3A_757 = tpu.vector_load %arg17[%get3A_756] {strides = array<i32>} : memref<65568xf32, #tpu.memory_space<vmem>>, vector<16xf32>,
        %add3A_758 = arith.addf %add3A_751, %get3A_757 : vector<16xf32>
        %mul3A_759 = arith.constant 16 : i32
        %mul3A_760 = arith.muli %scan3A_358, %mul3A_759 : i32
        %add3A_761 = arith.constant 31751 : i32
        %add3A_762 = arith.addi %add3A_761, %mul3A_760 : i32
        %get3A_763 = arith.index_cast %add3A_762 : i32 to index
        %get3A_764 = tpu.vector_load %arg17[%get3A_763] {strides = array<i32>} : memref<65568xf32, #tpu.memory_space<vmem>>, vector<16xf32>,
        %add3A_765 = arith.addf %add3A_758, %get3A_764 : vector<16xf32>
        %mul3A_766 = arith.constant 16 : i32
        %mul3A_767 = arith.muli %scan3A_358, %mul3A_766 : i32
        %add3A_768 = arith.constant 35848 : i32
        %add3A_769 = arith.addi %add3A_768, %mul3A_767 : i32
        %get3A_770 = arith.index_cast %add3A_769 : i32 to index
        %get3A_771 = tpu.vector_load %arg17[%get3A_770] {strides = array<i32>} : memref<65568xf32, #tpu.memory_space<vmem>>, vector<16xf32>,
        %add3A_772 = arith.addf %add3A_765, %get3A_771 : vector<16xf32>
        %mul3A_773 = arith.constant 16 : i32
        %mul3A_774 = arith.muli %scan3A_358, %mul3A_773 : i32
        %add3A_775 = arith.constant 39945 : i32
        %add3A_776 = arith.addi %add3A_775, %mul3A_774 : i32
        %get3A_777 = arith.index_cast %add3A_776 : i32 to index
        %get3A_778 = tpu.vector_load %arg17[%get3A_777] {strides = array<i32>} : memref<65568xf32, #tpu.memory_space<vmem>>, vector<16xf32>,
        %add3A_779 = arith.addf %add3A_772, %get3A_778 : vector<16xf32>
        %mul3A_780 = arith.constant 16 : i32
        %mul3A_781 = arith.muli %scan3A_358, %mul3A_780 : i32
        %add3A_782 = arith.constant 44042 : i32
        %add3A_783 = arith.addi %add3A_782, %mul3A_781 : i32
        %get3A_784 = arith.index_cast %add3A_783 : i32 to index
        %get3A_785 = tpu.vector_load %arg17[%get3A_784] {strides = array<i32>} : memref<65568xf32, #tpu.memory_space<vmem>>, vector<16xf32>,
        %add3A_786 = arith.addf %add3A_779, %get3A_785 : vector<16xf32>
        %mul3A_787 = arith.constant 16 : i32
        %mul3A_788 = arith.muli %scan3A_358, %mul3A_787 : i32
        %add3A_789 = arith.constant 48139 : i32
        %add3A_790 = arith.addi %add3A_789, %mul3A_788 : i32
        %get3A_791 = arith.index_cast %add3A_790 : i32 to index
        %get3A_792 = tpu.vector_load %arg17[%get3A_791] {strides = array<i32>} : memref<65568xf32, #tpu.memory_space<vmem>>, vector<16xf32>,
        %add3A_793 = arith.addf %add3A_786, %get3A_792 : vector<16xf32>
        %mul3A_794 = arith.constant 16 : i32
        %mul3A_795 = arith.muli %scan3A_358, %mul3A_794 : i32
        %add3A_796 = arith.constant 52236 : i32
        %add3A_797 = arith.addi %add3A_796, %mul3A_795 : i32
        %get3A_798 = arith.index_cast %add3A_797 : i32 to index
        %get3A_799 = tpu.vector_load %arg17[%get3A_798] {strides = array<i32>} : memref<65568xf32, #tpu.memory_space<vmem>>, vector<16xf32>,
        %add3A_800 = arith.addf %add3A_793, %get3A_799 : vector<16xf32>
        %mul3A_801 = arith.constant 16 : i32
        %mul3A_802 = arith.muli %scan3A_358, %mul3A_801 : i32
        %add3A_803 = arith.constant 56333 : i32
        %add3A_804 = arith.addi %add3A_803, %mul3A_802 : i32
        %get3A_805 = arith.index_cast %add3A_804 : i32 to index
        %get3A_806 = tpu.vector_load %arg17[%get3A_805] {strides = array<i32>} : memref<65568xf32, #tpu.memory_space<vmem>>, vector<16xf32>,
        %add3A_807 = arith.addf %add3A_800, %get3A_806 : vector<16xf32>
        %mul3A_808 = arith.constant 16 : i32
        %mul3A_809 = arith.muli %scan3A_358, %mul3A_808 : i32
        %add3A_810 = arith.constant 60430 : i32
        %add3A_811 = arith.addi %add3A_810, %mul3A_809 : i32
        %get3A_812 = arith.index_cast %add3A_811 : i32 to index
        %get3A_813 = tpu.vector_load %arg17[%get3A_812] {strides = array<i32>} : memref<65568xf32, #tpu.memory_space<vmem>>, vector<16xf32>,
        %add3A_814 = arith.addf %add3A_807, %get3A_813 : vector<16xf32>
        %mul3A_815 = arith.constant 16 : i32
        %mul3A_816 = arith.muli %scan3A_358, %mul3A_815 : i32
        %add3A_817 = arith.constant 64527 : i32
        %add3A_818 = arith.addi %add3A_817, %mul3A_816 : i32
        %get3A_819 = arith.index_cast %add3A_818 : i32 to index
        %get3A_820 = tpu.vector_load %arg17[%get3A_819] {strides = array<i32>} : memref<65568xf32, #tpu.memory_space<vmem>>, vector<16xf32>,
        %add3A_821 = arith.addf %add3A_814, %get3A_820 : vector<16xf32>
        %add3A_822 = arith.addf %add3A_704, %add3A_821 : vector<16xf32>
        %mul3A_823 = arith.constant 16 : i32
        %mul3A_824 = arith.muli %scan3A_358, %mul3A_823 : i32
        %add3A_825 = arith.constant 3072 : i32
        %add3A_826 = arith.addi %add3A_825, %mul3A_824 : i32
        %swap3A_827 = arith.index_cast %add3A_826 : i32 to index
        %swap3A_828 = tpu.vector_load %arg18[%swap3A_827] {strides = array<i32>} : memref<4096xf32, #tpu.memory_space<vmem>>, vector<16xf32>,
        tpu.vector_store %arg18[%swap3A_827], %add3A_822 {strides = array<i32>} : memref<4096xf32, #tpu.memory_space<vmem>>, vector<16xf32>,
      }
      %scan3A_269 = arith.constant 64 : i32
      %while3A_270 = arith.constant 0 : i32
      %while3A_271 = arith.constant 0 : i32
      %while3A_272 = arith.subi %select_n3A_176, %while3A_271 : i32
      %while3A_273 = arith.addi %while3A_271, %while3A_272 : i32
      %while3A_274 = arith.constant 1 : i32
      %while3A_275 = arith.divsi %while3A_272, %while3A_274 : i32
      %while3A_276 = arith.muli %while3A_275, %while3A_274 : i32
      %while3A_277 = arith.addi %while3A_271, %while3A_276 : i32
      %while3A_278 = arith.constant 1 : i32
      scf.for %while3A_358 = %while3A_271 to %while3A_277 step %while3A_278  : i32 {
        %mul3A_359 = arith.constant 16 : i32
        %mul3A_360 = arith.muli %while3A_358, %mul3A_359 : i32
        %get3A = arith.index_cast %mul3A_360 : i32 to index
        %get3A_361 = tpu.vector_load %arg15[%get3A] {strides = array<i32>} : memref<1040xf32, #tpu.memory_space<vmem>>, vector<16xf32>,
        %mul3A_362 = arith.constant 16 : i32
        %mul3A_363 = arith.muli %while3A_358, %mul3A_362 : i32
        %get3A_364 = arith.index_cast %mul3A_363 : i32 to index
        %get3A_365 = tpu.vector_load %arg16[%get3A_364] {strides = array<i32>} : memref<1040xi32, #tpu.memory_space<vmem>>, vector<16xi32>,
        %ge3A = arith.cmpf oge, %get3A_361, %add3A_216 : vector<16xf32>
        %ge3A_366 = arith.cmpf oge, %get3A_361, %add3A_210 : vector<16xf32>
        %convert_element_type3A_367 = arith.extui %ge3A_366 : vector<16xi1> to vector<16xi32>
        %ge3A_368 = arith.cmpf oge, %get3A_361, %add3A_212 : vector<16xf32>
        %convert_element_type3A_369 = arith.extui %ge3A_368 : vector<16xi1> to vector<16xi32>
        %add3A_370 = arith.addi %convert_element_type3A_367, %convert_element_type3A_369 : vector<16xi32>
        %ge3A_371 = arith.cmpf oge, %get3A_361, %add3A_214 : vector<16xf32>
        %convert_element_type3A_372 = arith.extui %ge3A_371 : vector<16xi1> to vector<16xi32>
        %add3A_373 = arith.addi %add3A_370, %convert_element_type3A_372 : vector<16xi32>
        %sub3A_374 = arith.constant 3 : i32
        %sub3A_375 = vector.broadcast %sub3A_374 : i32 to vector<16xi32>
        %sub3A_376 = arith.subi %sub3A_375, %add3A_373 : vector<16xi32>
        %mul3A_377 = arith.constant 4097 : i32
        %mul3A_378 = vector.broadcast %mul3A_377 : i32 to vector<16xi32>
        %mul3A_379 = arith.muli %iota3A, %mul3A_378 : vector<16xi32>
        %mul3A_380 = arith.constant 1024 : i32
        %mul3A_381 = vector.broadcast %mul3A_380 : i32 to vector<16xi32>
        %mul3A_382 = arith.muli %sub3A_376, %mul3A_381 : vector<16xi32>
        %add3A_383 = arith.addi %mul3A_379, %mul3A_382 : vector<16xi32>
        %add3A_384 = arith.addi %add3A_383, %get3A_365 : vector<16xi32>
        tpu.vector_store_idx %arg17[%add3A_384], %broadcast_in_dim3A_1 masked %ge3A : memref<65568xf32, #tpu.memory_space<vmem>>[vector<16xi32>], vector<16xf32>, vector<16xi1>
      }
      %while3A_279 = arith.constant 1 : i32
      scf.for %while3A_358 = %while3A_277 to %while3A_273 step %while3A_279  : i32 {
        %mul3A_359 = arith.constant 16 : i32
        %mul3A_360 = arith.muli %while3A_358, %mul3A_359 : i32
        %get3A = arith.index_cast %mul3A_360 : i32 to index
        %get3A_361 = tpu.vector_load %arg15[%get3A] {strides = array<i32>} : memref<1040xf32, #tpu.memory_space<vmem>>, vector<16xf32>,
        %mul3A_362 = arith.constant 16 : i32
        %mul3A_363 = arith.muli %while3A_358, %mul3A_362 : i32
        %get3A_364 = arith.index_cast %mul3A_363 : i32 to index
        %get3A_365 = tpu.vector_load %arg16[%get3A_364] {strides = array<i32>} : memref<1040xi32, #tpu.memory_space<vmem>>, vector<16xi32>,
        %ge3A = arith.cmpf oge, %get3A_361, %add3A_216 : vector<16xf32>
        %ge3A_366 = arith.cmpf oge, %get3A_361, %add3A_210 : vector<16xf32>
        %convert_element_type3A_367 = arith.extui %ge3A_366 : vector<16xi1> to vector<16xi32>
        %ge3A_368 = arith.cmpf oge, %get3A_361, %add3A_212 : vector<16xf32>
        %convert_element_type3A_369 = arith.extui %ge3A_368 : vector<16xi1> to vector<16xi32>
        %add3A_370 = arith.addi %convert_element_type3A_367, %convert_element_type3A_369 : vector<16xi32>
        %ge3A_371 = arith.cmpf oge, %get3A_361, %add3A_214 : vector<16xf32>
        %convert_element_type3A_372 = arith.extui %ge3A_371 : vector<16xi1> to vector<16xi32>
        %add3A_373 = arith.addi %add3A_370, %convert_element_type3A_372 : vector<16xi32>
        %sub3A_374 = arith.constant 3 : i32
        %sub3A_375 = vector.broadcast %sub3A_374 : i32 to vector<16xi32>
        %sub3A_376 = arith.subi %sub3A_375, %add3A_373 : vector<16xi32>
        %mul3A_377 = arith.constant 4097 : i32
        %mul3A_378 = vector.broadcast %mul3A_377 : i32 to vector<16xi32>
        %mul3A_379 = arith.muli %iota3A, %mul3A_378 : vector<16xi32>
        %mul3A_380 = arith.constant 1024 : i32
        %mul3A_381 = vector.broadcast %mul3A_380 : i32 to vector<16xi32>
        %mul3A_382 = arith.muli %sub3A_376, %mul3A_381 : vector<16xi32>
        %add3A_383 = arith.addi %mul3A_379, %mul3A_382 : vector<16xi32>
        %add3A_384 = arith.addi %add3A_383, %get3A_365 : vector<16xi32>
        tpu.vector_store_idx %arg17[%add3A_384], %broadcast_in_dim3A_1 masked %ge3A : memref<65568xf32, #tpu.memory_space<vmem>>[vector<16xi32>], vector<16xf32>, vector<16xi1>
      }
      %dma_start3A = arith.constant 0 : i32
      %dma_start3A_280 = tpu.memref_slice %arg18[%dma_start3A] : memref<4096xf32, #tpu.memory_space<vmem>> -> memref<1024xf32, #tpu.memory_space<vmem>>
      %dma_start3A_281 = arith.constant 0 : i32
      %dma_start3A_282 = tpu.memref_slice %arg5[%add3A_26, %dma_start3A_281] : memref<1024x1024xf32, #tpu.memory_space<hbm>> -> memref<1x1024xf32, #tpu.memory_space<hbm>>
      %dma_start3A_283 = tpu.memref_squeeze %dma_start3A_282 : memref<1x1024xf32, #tpu.memory_space<hbm>> -> memref<1024xf32, #tpu.memory_space<hbm>>
      %dma_start3A_284 = arith.constant 0 : i32
      %dma_start3A_285 = tpu.memref_slice %arg5[%add3A_26, %dma_start3A_284] : memref<1024x1024xf32, #tpu.memory_space<hbm>> -> memref<1x1024xf32, #tpu.memory_space<hbm>>
      %dma_start3A_286 = tpu.memref_squeeze %dma_start3A_285 : memref<1x1024xf32, #tpu.memory_space<hbm>> -> memref<1024xf32, #tpu.memory_space<hbm>>
      %dma_start3A_287 = arith.constant 0 : i32
      %dma_start3A_288 = tpu.memref_slice %arg18[%dma_start3A_287] : memref<4096xf32, #tpu.memory_space<vmem>> -> memref<1024xf32, #tpu.memory_space<vmem>>
      tpu.enqueue_dma source(%dma_start3A_288 : memref<1024xf32, #tpu.memory_space<vmem>>) target(%dma_start3A_286 : memref<1024xf32, #tpu.memory_space<hbm>>) target_semaphore(%arg19 : memref<!tpu.dma_semaphore, #tpu.memory_space<semaphore_mem>>)
      %dma_start3A_289 = arith.constant 1024 : i32
      %dma_start3A_290 = tpu.memref_slice %arg18[%dma_start3A_289] : memref<4096xf32, #tpu.memory_space<vmem>> -> memref<1024xf32, #tpu.memory_space<vmem>>
      %dma_start3A_291 = arith.constant 0 : i32
      %dma_start3A_292 = tpu.memref_slice %arg6[%add3A_26, %dma_start3A_291] : memref<1024x1024xf32, #tpu.memory_space<hbm>> -> memref<1x1024xf32, #tpu.memory_space<hbm>>
      %dma_start3A_293 = tpu.memref_squeeze %dma_start3A_292 : memref<1x1024xf32, #tpu.memory_space<hbm>> -> memref<1024xf32, #tpu.memory_space<hbm>>
      %dma_start3A_294 = arith.constant 0 : i32
      %dma_start3A_295 = tpu.memref_slice %arg6[%add3A_26, %dma_start3A_294] : memref<1024x1024xf32, #tpu.memory_space<hbm>> -> memref<1x1024xf32, #tpu.memory_space<hbm>>
      %dma_start3A_296 = tpu.memref_squeeze %dma_start3A_295 : memref<1x1024xf32, #tpu.memory_space<hbm>> -> memref<1024xf32, #tpu.memory_space<hbm>>
      %dma_start3A_297 = arith.constant 1024 : i32
      %dma_start3A_298 = tpu.memref_slice %arg18[%dma_start3A_297] : memref<4096xf32, #tpu.memory_space<vmem>> -> memref<1024xf32, #tpu.memory_space<vmem>>
      tpu.enqueue_dma source(%dma_start3A_298 : memref<1024xf32, #tpu.memory_space<vmem>>) target(%dma_start3A_296 : memref<1024xf32, #tpu.memory_space<hbm>>) target_semaphore(%arg19 : memref<!tpu.dma_semaphore, #tpu.memory_space<semaphore_mem>>)
      %dma_start3A_299 = arith.constant 2048 : i32
      %dma_start3A_300 = tpu.memref_slice %arg18[%dma_start3A_299] : memref<4096xf32, #tpu.memory_space<vmem>> -> memref<1024xf32, #tpu.memory_space<vmem>>
      %dma_start3A_301 = arith.constant 0 : i32
      %dma_start3A_302 = tpu.memref_slice %arg7[%add3A_26, %dma_start3A_301] : memref<1024x1024xf32, #tpu.memory_space<hbm>> -> memref<1x1024xf32, #tpu.memory_space<hbm>>
      %dma_start3A_303 = tpu.memref_squeeze %dma_start3A_302 : memref<1x1024xf32, #tpu.memory_space<hbm>> -> memref<1024xf32, #tpu.memory_space<hbm>>
      %dma_start3A_304 = arith.constant 0 : i32
      %dma_start3A_305 = tpu.memref_slice %arg7[%add3A_26, %dma_start3A_304] : memref<1024x1024xf32, #tpu.memory_space<hbm>> -> memref<1x1024xf32, #tpu.memory_space<hbm>>
      %dma_start3A_306 = tpu.memref_squeeze %dma_start3A_305 : memref<1x1024xf32, #tpu.memory_space<hbm>> -> memref<1024xf32, #tpu.memory_space<hbm>>
      %dma_start3A_307 = arith.constant 2048 : i32
      %dma_start3A_308 = tpu.memref_slice %arg18[%dma_start3A_307] : memref<4096xf32, #tpu.memory_space<vmem>> -> memref<1024xf32, #tpu.memory_space<vmem>>
      tpu.enqueue_dma source(%dma_start3A_308 : memref<1024xf32, #tpu.memory_space<vmem>>) target(%dma_start3A_306 : memref<1024xf32, #tpu.memory_space<hbm>>) target_semaphore(%arg19 : memref<!tpu.dma_semaphore, #tpu.memory_space<semaphore_mem>>)
      %dma_start3A_309 = arith.constant 3072 : i32
      %dma_start3A_310 = tpu.memref_slice %arg18[%dma_start3A_309] : memref<4096xf32, #tpu.memory_space<vmem>> -> memref<1024xf32, #tpu.memory_space<vmem>>
      %dma_start3A_311 = arith.constant 0 : i32
      %dma_start3A_312 = tpu.memref_slice %arg8[%add3A_26, %dma_start3A_311] : memref<1024x1024xf32, #tpu.memory_space<hbm>> -> memref<1x1024xf32, #tpu.memory_space<hbm>>
      %dma_start3A_313 = tpu.memref_squeeze %dma_start3A_312 : memref<1x1024xf32, #tpu.memory_space<hbm>> -> memref<1024xf32, #tpu.memory_space<hbm>>
      %dma_start3A_314 = arith.constant 0 : i32
      %dma_start3A_315 = tpu.memref_slice %arg8[%add3A_26, %dma_start3A_314] : memref<1024x1024xf32, #tpu.memory_space<hbm>> -> memref<1x1024xf32, #tpu.memory_space<hbm>>
      %dma_start3A_316 = tpu.memref_squeeze %dma_start3A_315 : memref<1x1024xf32, #tpu.memory_space<hbm>> -> memref<1024xf32, #tpu.memory_space<hbm>>
      %dma_start3A_317 = arith.constant 3072 : i32
      %dma_start3A_318 = tpu.memref_slice %arg18[%dma_start3A_317] : memref<4096xf32, #tpu.memory_space<vmem>> -> memref<1024xf32, #tpu.memory_space<vmem>>
      tpu.enqueue_dma source(%dma_start3A_318 : memref<1024xf32, #tpu.memory_space<vmem>>) target(%dma_start3A_316 : memref<1024xf32, #tpu.memory_space<hbm>>) target_semaphore(%arg19 : memref<!tpu.dma_semaphore, #tpu.memory_space<semaphore_mem>>)
      %dma_wait3A = arith.constant 0 : i32
      %dma_wait3A_319 = tpu.memref_slice %arg18[%dma_wait3A] : memref<4096xf32, #tpu.memory_space<vmem>> -> memref<1024xf32, #tpu.memory_space<vmem>>
      %dma_wait3A_320 = arith.constant 0 : i32
      %dma_wait3A_321 = tpu.memref_slice %arg5[%add3A_26, %dma_wait3A_320] : memref<1024x1024xf32, #tpu.memory_space<hbm>> -> memref<1x1024xf32, #tpu.memory_space<hbm>>
      %dma_wait3A_322 = tpu.memref_squeeze %dma_wait3A_321 : memref<1x1024xf32, #tpu.memory_space<hbm>> -> memref<1024xf32, #tpu.memory_space<hbm>>
      %dma_wait3A_323 = arith.constant 0 : i32
      %dma_wait3A_324 = tpu.memref_slice %arg5[%add3A_26, %dma_wait3A_323] : memref<1024x1024xf32, #tpu.memory_space<hbm>> -> memref<1x1024xf32, #tpu.memory_space<hbm>>
      %dma_wait3A_325 = tpu.memref_squeeze %dma_wait3A_324 : memref<1x1024xf32, #tpu.memory_space<hbm>> -> memref<1024xf32, #tpu.memory_space<hbm>>
      %dma_wait3A_326 = arith.constant 0 : i32
      %dma_wait3A_327 = tpu.memref_slice %arg18[%dma_wait3A_326] : memref<4096xf32, #tpu.memory_space<vmem>> -> memref<1024xf32, #tpu.memory_space<vmem>>
      tpu.wait_dma2 semaphore(%arg19 : memref<!tpu.dma_semaphore, #tpu.memory_space<semaphore_mem>>) src(%dma_wait3A_327 : memref<1024xf32, #tpu.memory_space<vmem>>) dst(%dma_wait3A_325 : memref<1024xf32, #tpu.memory_space<hbm>>)
      %dma_wait3A_328 = arith.constant 1024 : i32
      %dma_wait3A_329 = tpu.memref_slice %arg18[%dma_wait3A_328] : memref<4096xf32, #tpu.memory_space<vmem>> -> memref<1024xf32, #tpu.memory_space<vmem>>
      %dma_wait3A_330 = arith.constant 0 : i32
      %dma_wait3A_331 = tpu.memref_slice %arg6[%add3A_26, %dma_wait3A_330] : memref<1024x1024xf32, #tpu.memory_space<hbm>> -> memref<1x1024xf32, #tpu.memory_space<hbm>>
      %dma_wait3A_332 = tpu.memref_squeeze %dma_wait3A_331 : memref<1x1024xf32, #tpu.memory_space<hbm>> -> memref<1024xf32, #tpu.memory_space<hbm>>
      %dma_wait3A_333 = arith.constant 0 : i32
      %dma_wait3A_334 = tpu.memref_slice %arg6[%add3A_26, %dma_wait3A_333] : memref<1024x1024xf32, #tpu.memory_space<hbm>> -> memref<1x1024xf32, #tpu.memory_space<hbm>>
      %dma_wait3A_335 = tpu.memref_squeeze %dma_wait3A_334 : memref<1x1024xf32, #tpu.memory_space<hbm>> -> memref<1024xf32, #tpu.memory_space<hbm>>
      %dma_wait3A_336 = arith.constant 1024 : i32
      %dma_wait3A_337 = tpu.memref_slice %arg18[%dma_wait3A_336] : memref<4096xf32, #tpu.memory_space<vmem>> -> memref<1024xf32, #tpu.memory_space<vmem>>
      tpu.wait_dma2 semaphore(%arg19 : memref<!tpu.dma_semaphore, #tpu.memory_space<semaphore_mem>>) src(%dma_wait3A_337 : memref<1024xf32, #tpu.memory_space<vmem>>) dst(%dma_wait3A_335 : memref<1024xf32, #tpu.memory_space<hbm>>)
      %dma_wait3A_338 = arith.constant 2048 : i32
      %dma_wait3A_339 = tpu.memref_slice %arg18[%dma_wait3A_338] : memref<4096xf32, #tpu.memory_space<vmem>> -> memref<1024xf32, #tpu.memory_space<vmem>>
      %dma_wait3A_340 = arith.constant 0 : i32
      %dma_wait3A_341 = tpu.memref_slice %arg7[%add3A_26, %dma_wait3A_340] : memref<1024x1024xf32, #tpu.memory_space<hbm>> -> memref<1x1024xf32, #tpu.memory_space<hbm>>
      %dma_wait3A_342 = tpu.memref_squeeze %dma_wait3A_341 : memref<1x1024xf32, #tpu.memory_space<hbm>> -> memref<1024xf32, #tpu.memory_space<hbm>>
      %dma_wait3A_343 = arith.constant 0 : i32
      %dma_wait3A_344 = tpu.memref_slice %arg7[%add3A_26, %dma_wait3A_343] : memref<1024x1024xf32, #tpu.memory_space<hbm>> -> memref<1x1024xf32, #tpu.memory_space<hbm>>
      %dma_wait3A_345 = tpu.memref_squeeze %dma_wait3A_344 : memref<1x1024xf32, #tpu.memory_space<hbm>> -> memref<1024xf32, #tpu.memory_space<hbm>>
      %dma_wait3A_346 = arith.constant 2048 : i32
      %dma_wait3A_347 = tpu.memref_slice %arg18[%dma_wait3A_346] : memref<4096xf32, #tpu.memory_space<vmem>> -> memref<1024xf32, #tpu.memory_space<vmem>>
      tpu.wait_dma2 semaphore(%arg19 : memref<!tpu.dma_semaphore, #tpu.memory_space<semaphore_mem>>) src(%dma_wait3A_347 : memref<1024xf32, #tpu.memory_space<vmem>>) dst(%dma_wait3A_345 : memref<1024xf32, #tpu.memory_space<hbm>>)
      %dma_wait3A_348 = arith.constant 3072 : i32
      %dma_wait3A_349 = tpu.memref_slice %arg18[%dma_wait3A_348] : memref<4096xf32, #tpu.memory_space<vmem>> -> memref<1024xf32, #tpu.memory_space<vmem>>
      %dma_wait3A_350 = arith.constant 0 : i32
      %dma_wait3A_351 = tpu.memref_slice %arg8[%add3A_26, %dma_wait3A_350] : memref<1024x1024xf32, #tpu.memory_space<hbm>> -> memref<1x1024xf32, #tpu.memory_space<hbm>>
      %dma_wait3A_352 = tpu.memref_squeeze %dma_wait3A_351 : memref<1x1024xf32, #tpu.memory_space<hbm>> -> memref<1024xf32, #tpu.memory_space<hbm>>
      %dma_wait3A_353 = arith.constant 0 : i32
      %dma_wait3A_354 = tpu.memref_slice %arg8[%add3A_26, %dma_wait3A_353] : memref<1024x1024xf32, #tpu.memory_space<hbm>> -> memref<1x1024xf32, #tpu.memory_space<hbm>>
      %dma_wait3A_355 = tpu.memref_squeeze %dma_wait3A_354 : memref<1x1024xf32, #tpu.memory_space<hbm>> -> memref<1024xf32, #tpu.memory_space<hbm>>
      %dma_wait3A_356 = arith.constant 3072 : i32
      %dma_wait3A_357 = tpu.memref_slice %arg18[%dma_wait3A_356] : memref<4096xf32, #tpu.memory_space<vmem>> -> memref<1024xf32, #tpu.memory_space<vmem>>
      tpu.wait_dma2 semaphore(%arg19 : memref<!tpu.dma_semaphore, #tpu.memory_space<semaphore_mem>>) src(%dma_wait3A_357 : memref<1024xf32, #tpu.memory_space<vmem>>) dst(%dma_wait3A_355 : memref<1024xf32, #tpu.memory_space<hbm>>)
    }
    %scan3A_22 = arith.constant 32 : i32
    return
  }
}

module attributes {stable_mosaic.version = 14 : i64} {
  func.func @_chunkmax128_kernel(%arg0: i32, %arg1: memref<32x784x128xf32, #tpu.memory_space<vmem>>, %arg2: memref<32x784xf32, #tpu.memory_space<vmem>>) attributes {dimension_semantics = [#tpu.dimension_semantics<arbitrary>], iteration_bounds = array<i64: 32>, scalar_prefetch = 0 : i64, scratch_operands = 0 : i64, tpu.core_type = #tpu.core_type<tc>, window_params = [{transform_indices = @transform_0, window_bounds = array<i64: 32, 784, 128>}, {transform_indices = @transform_1, window_bounds = array<i64: 32, 784>}]} {
    %get3A = arith.constant 0 : index
    %get3A_0 = arith.constant 0 : index
    %get3A_1 = arith.constant 0 : index
    %get3A_2 = vector.load %arg1[%get3A, %get3A_0, %get3A_1] : memref<32x784x128xf32, #tpu.memory_space<vmem>>, vector<32x784x128xf32>
    %reduce_max3A = arith.constant dense<0xFF800000> : vector<32x784xf32>
    %reduce_max3A_3 = vector.multi_reduction <maximumf>, %get3A_2, %reduce_max3A [2] : vector<32x784x128xf32> to vector<32x784xf32>
    %swap3A = arith.constant 0 : index
    %swap3A_4 = arith.constant 0 : index
    %swap3A_5 = vector.load %arg2[%swap3A, %swap3A_4] : memref<32x784xf32, #tpu.memory_space<vmem>>, vector<32x784xf32>
    tpu.vector_store %arg2[%swap3A, %swap3A_4], %reduce_max3A_3 {strides = array<i32>} : memref<32x784xf32, #tpu.memory_space<vmem>>, vector<32x784xf32>,
    return
  }
  func.func @transform_0(%arg0: i32) -> (i32, i32, i32) {
    %c0_i32 = arith.constant 0 : i32
    %c0_i32_0 = arith.constant 0 : i32
    %c0_i32_1 = arith.constant 0 : i32
    return %arg0, %c0_i32, %c0_i32_0 : i32, i32, i32
  }
  func.func @transform_1(%arg0: i32) -> (i32, i32) {
    %c0_i32 = arith.constant 0 : i32
    %c0_i32_0 = arith.constant 0 : i32
    return %arg0, %c0_i32 : i32, i32
  }
}

module attributes {stable_mosaic.version = 14 : i64} {
  func.func @_simmat_kernel(%arg0: i32, %arg1: i32, %arg2: memref<1024x1024xf32, #tpu.memory_space<vmem>>, %arg3: memref<1024x1024xf32, #tpu.memory_space<vmem>>, %arg4: memref<1024x8x128xf32, #tpu.memory_space<vmem>>) attributes {dimension_semantics = [#tpu.dimension_semantics<arbitrary>, #tpu.dimension_semantics<arbitrary>], iteration_bounds = array<i64: 1, 98>, scalar_prefetch = 0 : i64, scratch_operands = 0 : i64, tpu.core_type = #tpu.core_type<tc>, window_params = [{transform_indices = @transform_0, window_bounds = array<i64: 1024, 1024>}, {transform_indices = @transform_1, window_bounds = array<i64: 1024, 1024>}, {transform_indices = @transform_2, window_bounds = array<i64: 1024, 8, 128>}]} {
    %get3A = arith.constant 0 : index
    %get3A_0 = arith.constant 0 : index
    %get3A_1 = vector.load %arg2[%get3A, %get3A_0] : memref<1024x1024xf32, #tpu.memory_space<vmem>>, vector<1024x1024xf32>
    %get3A_2 = arith.constant 0 : index
    %get3A_3 = arith.constant 0 : index
    %get3A_4 = vector.load %arg3[%get3A_2, %get3A_3] : memref<1024x1024xf32, #tpu.memory_space<vmem>>, vector<1024x1024xf32>
    %dot_general3A = arith.constant dense<0.000000e+00> : vector<1024x1024xf32>
    %dot_general3A_5 = tpu.matmul %get3A_1, %get3A_4, %dot_general3A {dimension_numbers = #tpu.dot_dimension_numbers<[1], [1], [0], [0], [0, 0, 1, 0], [], []>, transpose_lhs_hint = false} : vector<1024x1024xf32>, vector<1024x1024xf32>, vector<1024x1024xf32> -> vector<1024x1024xf32>
    %mul3A = arith.constant 1024 : i32
    %mul3A_6 = arith.muli %arg1, %mul3A : i32
    %iota3A = tpu.iota {dimensions = array<i32: 1>} : vector<1024x1024xi32>
    %add3A = vector.broadcast %mul3A_6 : i32 to vector<1024x1024xi32>
    %add3A_7 = arith.addi %add3A, %iota3A : vector<1024x1024xi32>
    %lt3A = arith.constant 100000 : i32
    %lt3A_8 = vector.broadcast %lt3A : i32 to vector<1024x1024xi32>
    %lt3A_9 = arith.cmpi slt, %add3A_7, %lt3A_8 : vector<1024x1024xi32>
    %jit3A = arith.constant -3.000000e+38 : f32
    %broadcast_in_dim3A = vector.broadcast %jit3A : f32 to vector<1024x1024xf32>
    %select_n3A = arith.select %lt3A_9, %dot_general3A_5, %broadcast_in_dim3A : vector<1024x1024xi1>, vector<1024x1024xf32>
    %reshape3A = vector.shape_cast %select_n3A : vector<1024x1024xf32> to vector<1024x8x128xf32>
    %swap3A = arith.constant 0 : index
    %swap3A_10 = arith.constant 0 : index
    %swap3A_11 = arith.constant 0 : index
    %swap3A_12 = vector.load %arg4[%swap3A, %swap3A_10, %swap3A_11] : memref<1024x8x128xf32, #tpu.memory_space<vmem>>, vector<1024x8x128xf32>
    tpu.vector_store %arg4[%swap3A, %swap3A_10, %swap3A_11], %reshape3A {strides = array<i32>} : memref<1024x8x128xf32, #tpu.memory_space<vmem>>, vector<1024x8x128xf32>,
    return
  }
  func.func @transform_0(%arg0: i32, %arg1: i32) -> (i32, i32) {
    %c0_i32 = arith.constant 0 : i32
    %c0_i32_0 = arith.constant 0 : i32
    return %arg0, %c0_i32 : i32, i32
  }
  func.func @transform_1(%arg0: i32, %arg1: i32) -> (i32, i32) {
    %c0_i32 = arith.constant 0 : i32
    %c0_i32_0 = arith.constant 0 : i32
    return %arg1, %c0_i32 : i32, i32
  }
  func.func @transform_2(%arg0: i32, %arg1: i32) -> (i32, i32, i32) {
    %c0_i32 = arith.constant 0 : i32
    %c0_i32_0 = arith.constant 0 : i32
    return %arg0, %arg1, %c0_i32 : i32, i32, i32
  }
}

</mosaic_0001>

<sc_bundles>
// kernel: kernel.5.cloned.1.call-start
scs
__scs_entry_jumppad:
0x0: {  	(pc) =	sbr.rel $0x88, $3  }
0x1: {  	(tag) =	ssettag $0x0;
	lr =	simm.s32 $0x1  }
0x2: {  	[smem:$0x3F9E] =	sst lr;
	_ =	strace $0xD0000000  }
0x3: {  	_ = 	snop  }
0x4: {  	_ = 	snop  }
0x5: {  	_ = 	snop  }
0x6: {  	_ = 	snop  }
0x7: {  	_ = 	snop  }
__scs_overlays_trampoline_lowered:
0x8: {  	[smem:$0x3FAD] =	sst s0  }
0x9: {  	[smem:$0x3FAE] =	sst s1  }
0xa: {  	[smem:$0x3FAF] =	sst s2  }
0xb: {  	[smem:$0x3FB0] =	sst s3  }
0xc: {  	[smem:$0x3FB1] =	sst s4  }
0xd: {  	[smem:$0x3FB2] =	sst s5  }
0xe: {  	[smem:$0x3FB3] =	sst s6  }
0xf: {  	[smem:$0x3FB4] =	sst s7  }
0x10: {  	[smem:$0x3FB5] =	sst s8  }
0x11: {  	[smem:$0x3FB6] =	sst s9;
	s0 =	simm.s32 @!p0 $0x0  }
0x12: {  	s1 =	sld [smem:$0x3F9C];
	s0 =	simm.s32 @p0 $0x1  }
0x13: {  	[smem:$0x3FB7] =	sst s0;
	s0 =	simm.s32 @!p1 $0x0  }
0x14: {  	s2 =	sld [smem:$0x3F9B];
	s0 =	simm.s32 @p1 $0x1  }
0x15: {  	[smem:$0x3FB8] =	sst s0;
	s0 =	simm.s32 @!p2 $0x0  }
0x16: {  	s3 =	sld [smem:$0x3FDB];
	s0 =	simm.s32 @p2 $0x1  }
0x17: {  	s4 =	simm.s32 $0x1BF5;
	[smem:$0x3FBA] =	sst s0  }
0x18: {  	s0 =	sld [smem:$0x3F9D];
	_ =	swait.ge [sflag:s4], $0x0  }
0x19: {  	s7 =	sld [smem:$0x3F9E]  }
0x1a: {  	s8 =	sadd.s32 $0xFFFFE003, lr  }
0x1b: {  	s9 =	sadd.s32 $0xFFFFFEF7, lr;
	s5 =	simm.s32 $0xFFFFFFFF;
	p2 =	slt.u32 s8, $0xFFFFF086  }
0x1c: {  	p1 =	slt.u32 s9, $0xF7A;
	s5 =	simm.s32 @!p2 $0x0  }
0x1d: {  	s5 =	simm.s32 @p1 $0x1;
	p0 =	seq.s32 s7, s2  }
0x1e: {  	s7 =	smul.u32 @!p0 $0xF7A, s2;
	p2 =	seq.s32 @!p0 s5, $0x0  }
0x1f: {  	s9 =	smul.u32 $0xF7A, s1;
	s8 =	simm.s32 @!p0 $0x1BF5;
	p2 =	por !p2, p0  }
0x20: {  	[sflag:s8] =	ssyncset.s32 @!p0 $0xFFFFF086;
	s6 =	sadd.s32 @!p0 s3, s7;
	s7 =	simm.s32 @!p0 $0x108  }
0x21: {  	s3 =	sadd.s32 s3, s9;
	s6 =	sadd.s32 @!p0 $0x88, s6;
	s7 =	simm.s32 @p2 $0x1082  }
0x22: {  	[simem:s7], [sflag:s8] =	dma.local @!p0 [hbm:s6], $0xF7A  }
0x23: {  	s9 =	sor.u32 $0xD0000000, s2;
	s6 =	simm.s32 $0x108;
	_ =	swait.ge @!p0 [sflag:s8], $0x0  }
0x24: {  	s3 =	sadd.s32 $0x88, s3;
	s6 =	simm.s32 @!p1 $0x1082;
	[sflag:s4] =	ssyncset.s32 $0xFFFFF086  }
0x25: {  	[simem:s6], [sflag:s4] =	dma.local [hbm:s3], $0xF7A  }
0x26: {  	[smem:$0x3F9E] =	sst s1;
	(tag) =	ssettag s2;
	_ =	strace s9  }
0x27: {  	s1 =	sld [smem:$0x3FAE]  }
0x28: {  	s2 =	sld [smem:$0x3FAF]  }
0x29: {  	s4 =	sld [smem:$0x3FB1]  }
0x2a: {  	p0 =	seq.s32 s5, $0x0;
	s5 =	sld [smem:$0x3FB2]  }
0x2b: {  	s6 =	sld [smem:$0x3FB3]  }
0x2c: {  	s7 =	sld [smem:$0x3FB4]  }
0x2d: {  	s3 =	simm.s32 $0x108;
	s8 =	sld [smem:$0x3FB5]  }
0x2e: {  	s3 =	simm.s32 @!p0 $0x1082;
	s9 =	sld [smem:$0x3FB6]  }
0x2f: {  	lr =	sadd.s32 s0, s3;
	s0 =	sld [smem:$0x3FAD]  }
0x30: {  	s3 =	sld [smem:$0x3FB0]  }
0x31: {  	[smem:$0x3FB9] =	sst s10  }
0x32: {  	s10 =	sld [smem:$0x3FB7];
	_ =	sdelay $0x3  }
0x33: {  	p0 =	seq.s32 s10, $0x1;
	s10 =	sld [smem:$0x3FB9];
	_ =	sdelay $0x3  }
0x34: {  	[smem:$0x3FB9] =	sst s10  }
0x35: {  	s10 =	sld [smem:$0x3FB8];
	_ =	sdelay $0x3  }
0x36: {  	p1 =	seq.s32 s10, $0x1;
	s10 =	sld [smem:$0x3FB9];
	_ =	sdelay $0x3  }
0x37: {  	[smem:$0x3FB9] =	sst s10  }
0x38: {  	s10 =	sld [smem:$0x3FBA]  }
0x39: {  	_ = 	snop;
	(pc) =	sbr.ind lr, $3  }
0x3a: {  	_ = 	snop  }
0x3b: {  	_ = 	snop  }
0x3c: {  	p2 =	seq.s32 s10, $0x1;
	s10 =	sld [smem:$0x3FB9]  }
0x3d: {  	_ =	shalt  }
0x3e: {  	_ =	shalt  }
0x3f: {  	_ =	shalt  }
0x40: {  	_ =	shalt  }
0x41: {  	_ =	shalt  }
0x42: {  	_ =	shalt  }
0x43: {  	_ =	shalt  }
0x44: {  	_ =	shalt  }
0x45: {  	_ =	shalt  }
0x46: {  	_ =	shalt  }
0x47: {  	_ =	shalt  }
0x48: {  	_ =	shalt  }
0x49: {  	_ =	shalt  }
0x4a: {  	_ =	shalt  }
0x4b: {  	_ =	shalt  }
0x4c: {  	_ =	shalt  }
0x4d: {  	_ =	shalt  }
0x4e: {  	_ =	shalt  }
0x4f: {  	_ =	shalt  }
0x50: {  	_ =	shalt  }
0x51: {  	_ =	shalt  }
0x52: {  	_ =	shalt  }
0x53: {  	_ =	shalt  }
0x54: {  	_ =	shalt  }
0x55: {  	_ =	shalt  }
0x56: {  	_ =	shalt  }
0x57: {  	_ =	shalt  }
0x58: {  	_ =	shalt  }
0x59: {  	_ =	shalt  }
0x5a: {  	_ =	shalt  }
0x5b: {  	_ =	shalt  }
0x5c: {  	_ =	shalt  }
0x5d: {  	_ =	shalt  }
0x5e: {  	_ =	shalt  }
0x5f: {  	_ =	shalt  }
0x60: {  	_ =	shalt  }
0x61: {  	_ =	shalt  }
0x62: {  	_ =	shalt  }
0x63: {  	_ =	shalt  }
0x64: {  	_ =	shalt  }
0x65: {  	_ =	shalt  }
0x66: {  	_ =	shalt  }
0x67: {  	_ =	shalt  }
0x68: {  	_ =	shalt  }
0x69: {  	_ =	shalt  }
0x6a: {  	_ =	shalt  }
0x6b: {  	_ =	shalt  }
0x6c: {  	_ =	shalt  }
0x6d: {  	_ =	shalt  }
0x6e: {  	_ =	shalt  }
0x6f: {  	_ =	shalt  }
0x70: {  	_ =	shalt  }
0x71: {  	_ =	shalt  }
0x72: {  	_ =	shalt  }
0x73: {  	_ =	shalt  }
0x74: {  	_ =	shalt  }
0x75: {  	_ =	shalt  }
0x76: {  	_ =	shalt  }
0x77: {  	_ =	shalt  }
0x78: {  	_ =	shalt  }
0x79: {  	_ =	shalt  }
0x7a: {  	_ =	shalt  }
0x7b: {  	_ =	shalt  }
0x7c: {  	_ =	shalt  }
0x7d: {  	_ =	shalt  }
0x7e: {  	_ =	shalt  }
0x7f: {  	_ =	shalt  }
0x80: {  	_ =	shalt  }
0x81: {  	_ =	shalt  }
0x82: {  	_ =	shalt  }
0x83: {  	_ =	shalt  }
0x84: {  	_ =	shalt  }
0x85: {  	_ =	shalt  }
0x86: {  	_ =	shalt  }
0x87: {  	_ =	shalt  }
.Lfunc_end0:
.L_simem_size_0:
called_computation_lowered:
.L_overlay_start_0:
0x88: {  	s2 =	sld [smem:$0x3FD9]  }
0x89: {  	s3 =	sld [smem:$0x3FFE];
	_ =	sdelay $0x1  }
0x8a: {  	s1 =	srdreg.scid  }
0x8b: {  	s0 =	sand.u32 $0x1, s1  }
0x8c: {  	s14 =	sshll.u32 s0, $0xA;
	s2 =	sadd.s32 s3, s2  }
0x8d: {  	s2 =	sadd.s32 s2, s14  }
0x8e: {  	[smem:$0x3FC5] =	sst s2  }
0x8f: {  	_ = 	snop  }
0x90: {  	s2 =	sld [smem:$0x3FD0];
	_ =	sdelay $0x2  }
0x91: {  	s15 =	simm.s32 $0xA;
	s4 =	simm.s32 $0x10  }
0x92: {  	[smem:s4], [sflag:s15] =	dma.local [hbm:s2], $0x1  }
0x93: {  	_ =	swait.eq [sflag:s15], $0x1  }
0x94: {  	[sflag:s15] =	ssyncset.done $0x0  }
0x95: {  	s16 =	sld [smem:$0x12];
	[sflag:s15] =	ssyncadd.s32 $0xFFFFFFFF  }
0x96: {  	s17 =	sld [smem:$0x13];
	(tm) =	ssettm $0x1  }
0x97: {  	s18 =	sld [smem:$0x3FFB];
	_ =	sdelay $0x3  }
0x98: {  	_ =	strace s18  }
0x99: {  	s4 =	sld [smem:$0x3FFC];
	_ =	sdelay $0x3  }
0x9a: {  	_ =	strace s4  }
0x9b: {  	s4 =	sld [smem:$0x3FFD];
	_ =	sdelay $0x3  }
0x9c: {  	_ =	strace s4  }
0x9d: {  	_ =	strace $0x8FFFFFFF  }
0x9e: {  	s19 =	sld [smem:$0x3FDB];
	_ =	sdelay $0x1  }
0x9f: {  	s5 =	simm.s32 $_scs_section_size  }
0xa0: {  	s6 =	simm.s32 $_size__tile_overlayer_lowered;
	s7 =	simm.s32 $_tile_overlayer_lowered  }
0xa1: {  	s22 =	simm.s32 $0x1BFF;
	s21 =	sshll.u32 s7, $0x1;
	s4 =	sadd.s32 s5, s19  }
0xa2: {  	s8 =	simm.s32 $0x0;
	s20 =	sshll.u32 s6, $0x1;
	s6 =	sadd.s32 s21, s4  }
0xa3: {  	[timem:s8], [sflag:s22] =	dma.local [hbm:s6], s20  }
0xa4: {  	_ =	swait.ge [sflag:s22], s20  }
0xa5: {  	s5 =	ssub.s32 $0x0, s20;
	[sflag:s22] =	ssyncset.done $0x0  }
0xa6: {  	[sflag:s22] =	ssyncadd.s32 s5;
	_ =	sdelay $0x1  }
0xa7: {  	s23 =	simm.s32 $0x1B8B  }
0xa8: {  	_ =	swait.ge [sflag:s23], $0x1  }
0xa9: {  	[sflag:s23] =	ssyncset.done $0x0  }
0xaa: {  	s25 =	simm.s32 $0x1B8E;
	s24 =	sld [smem:$0x3FFE];
	[sflag:s23] =	ssyncadd.s32 $0xFFFFFFFF  }
0xab: {  	s26 =	simm.s32 $execute0_lowered;
	[smem:$0x3FD2] =	sst s25  }
0xac: {  	s6 =	sshll.u32 s26, $0x1;
	_ =	strace $0x80000046;
	[dreg:$0x1] =	wrdreg $0xFFFFFFFF  }
0xad: {  	s28 =	simm.s32 $_size_execute0_lowered;
	s4 =	sadd.s32 s4, s6;
	[dreg:$0x0] =	wrdreg $0x0  }
0xae: {  	s6 =	sshll.u32 s28, $0x1;
	[dreg:$0x2] =	wrdreg s4  }
0xaf: {  	[dreg:$0x3] =	wrdreg s6  }
0xb0: {  	[dreg:$0x4] =	wrdreg $0xC0  }
0xb1: {  	_ =	task [dreg:s8], $0x5FFFF  }
0xb2: {  	[dreg:$0x1] =	wrdreg $0xFFFFFFFF  }
0xb3: {  	[dreg:$0x0] =	wrdreg $0x60  }
0xb4: {  	[dreg:$0x2] =	wrdreg s24  }
0xb5: {  	[dreg:$0x3] =	wrdreg s17  }
0xb6: {  	[dreg:$0x4] =	wrdreg s16  }
0xb7: {  	[dreg:$0x5] =	wrdreg $0x9  }
0xb8: {  	_ =	task.clear_ibuf [dreg:s8], $0x6FFFF;
	_ =	strace $0x90000046  }
0xb9: {  	s29 =	simm.s32 $0x9;
	_ =	strace $0x80000048  }
0xba: {  	_ =	swait.ge [sflag:s29], $0x1  }
0xbb: {  	[sflag:s29] =	ssyncadd.s32 $0xFFFFFFFF  }
0xbc: {  	_ =	strace $0x90000048  }
0xbd: {  	_ =	sfence  }
0xbe: {  	s30 =	sld [smem:$0x0];
	_ =	sdelay $0x2  }
0xbf: {  	s31 =	sshll.u32 s1, $0xD;
	s1 =	sshrl.u32 s1, $0x2  }
0xc0: {  	s3 =	sand.u32 $0x4000, s31;
	s1 =	sadd.s32 s1, s30  }
0xc1: {  	s0 =	sor.u32 s3, s0;
	s1 =	sshll.u32 s1, $0x11  }
0xc2: {  	s0 =	sor.u32 s1, s0  }
0xc3: {  	s0 =	sadd.s32 $0x8F2B, s0  }
0xc4: {  	[sflag:s0] =	ssyncadd.remote.s32 $0x1  }
0xc5: {  	_ =	sfence.sel $0xFFFF  }
0xc6: {  	[dreg:$0x0] =	wrdreg $0xFFFFFFFF;
	(pc) =	sbr.abs _section_cstart, $3  }
0xc7: {  	[dreg:$0x1] =	wrdreg $0xFFFFFFFF  }
0xc8: {  	_ =	task.clear_ibuf [dreg:s8], $0x2FFFF;
	_ =	strace $0x9FFFFFFF  }
0xc9: {  	(tm) =	ssettm $0x7FFFFFFF  }
tec
execute0_lowered:
.L_overlay_start_1:
0x0: {  	(tag) =	ssettag $0x1  }
0x1: {  	s0 =	rddreg [dreg:$0x0]  }
0x2: {  	s2 =	rddreg [dreg:$0x2]  }
0x3: {  	s11 =	simm.s32 $0x0;
	s1 =	srdreg.scid;
	s7 =	stileid.u32  }
0x4: {  	s13 =	simm.s32 $0x80;
	s14 =	simm.s32 $0x400;
	s15 =	simm.s32 $0x2  }
0x5: {  	s16 =	simm.s32 $0x380;
	s17 =	simm.s32 $0x1400;
	s18 =	simm.s32 $0x1600  }
0x6: {  	s19 =	simm.s32 $0x1;
	s20 =	simm.s32 $0x1800;
	s21 =	simm.s32 $0x5800  }
0x7: {  	s22 =	simm.s32 $0x9800;
	s23 =	simm.s32 $0x9C80;
	[smem:$0x7FF] =	sst s11  }
0x8: {  	s5 =	sadd.s32 $0x1200, s0;
	s3 =	sadd.s32 $0xC41200, s0;
	s26 =	sadd.s32 $0xC61200, s0  }
0x9: {  	s1 =	sand.u32 $0x1, s1;
	s4 =	sadd.s32 $0xC81200, s0;
	s6 =	smul.u32 $0xC400, s7  }
0xa: {  	s28 =	ssub.s32 $0x2, s1;
	s8 =	sshll.u32 s1, $0x5;
	s1 =	smul.u32 $0x6200, s1  }
.Ltmp0:
0xb: {  	_ =	strace $0x80000047;
	[dreg:$0x5] =	wrdreg s3;
	(pc) =	sbr.rel .LBB2_1-.Ltmp0, $4  }
0xc: {  	v0 =	vlaneseq.u32;
	s7 =	sshll.u32 s7, $0x6;
	[dreg:$0x6] =	wrdreg s26;
	s29 =	sshrl.u32 s28, $0x1  }
0xd: {  	v1 =	vimm.f32 $0.0e+00;
	v5 =	vmul.u32 $0xFFFFFFFF, v0;
	[dreg:$0x7] =	wrdreg s4;
	s30 =	ssub.s32 s28, s29;
	s31 =	sadd.s32 s1, s6  }
0xe: {  	v2 =	vimm.s32 $0x0;
	v4 =	vimm.s32 $0x1;
	v7 =	vimm.f32 $-2.000000000e+00;
	s9 =	sadd.s32 $0xCA1200, s0;
	s0 =	smax.u32 s30, $0x1;
	[dreg:$0x9] =	wrdreg s31  }
0xf: {  	s24 =	simm.s32 $0xA100;
	v3 =	vmul.u32 $0x101, v0;
	v6 =	vor.u32 $0x80000000, v0;
	s10 =	sor.u32 s8, s7;
	v5 =	vadd.s32 $0xF, v5;
	[dreg:$0x8] =	wrdreg s0  }
.LBB2_78:
0x10: {  	s11 =	rddreg [dreg:$0x4]  }
0x11: {  	s0 =	rddreg [dreg:$0x8];
	s11 =	sadd.s32 $0x1, s11  }
0x12: {  	p0 =	sne.s32 s11, s0  }
.Ltmp1:
0x13: {  	_ = 	snop;
	(pc) =	sbr.rel @!p0 .LBB2_79-.Ltmp1, $1  }
0x14: {  	_ =	sdelay $0x3  }
.LBB2_1:
0x15: {  	[dreg:$0x4] =	wrdreg s11;
	s0 =	simm.s32 $0x40;
	s1 =	simm.s32 $0x0  }
.LBB2_2:
0x16: {  	p0 =	sne.s32 s0, $0x40040;
	[tilespmem:s1+$0xA100] =	vst v1;
	s1 =	smov.u32 s0;
	s0 =	sadd.s32 $0x40, s0  }
.Ltmp2:
0x17: {  	(pc) =	sbr.rel @p0 .LBB2_2-.Ltmp2, $2  }
0x18: {  	_ =	sdelay $0x2  }
0x19: {  	s1 =	sshra.s32 s1, $0x2  }
0x1a: {  	[tilespmem:s1+$0xA100] =	vst v1;
	s30 =	simm.s32 $0x0;
	s0 =	simm.s32 $0x40;
	s1 =	simm.s32 $0x0  }
.LBB2_4:
0x1b: {  	p0 =	sne.s32 s0, $0x7C0;
	[tilespmem:s1+$0x1400] =	vst v2;
	s3 =	smov.u32 s0;
	s0 =	sadd.s32 $0x40, s0  }
.Ltmp3:
0x1c: {  	[tilespmem:s1+$0x1600] =	vst v2;
	(pc) =	sbr.rel @p0 .LBB2_4-.Ltmp3, $2  }
0x1d: {  	_ =	sdelay $0x2  }
0x1e: {  	s1 =	sshra.s32 s3, $0x2  }
.Ltmp4:
0x1f: {  	(pc) =	sbr.rel .LBB2_6-.Ltmp4, $3  }
0x20: {  	_ =	sdelay $0x1  }
0x21: {  	[tilespmem:s1+$0x1400] =	vst v2  }
0x22: {  	[tilespmem:s1+$0x1600] =	vst v2;
	s31 =	rddreg [dreg:$0x9]  }
.LBB2_72:
0x23: {  	s3 =	simm.s32 $0x9C80  }
.LBB2_76:
0x24: {  	s3 =	sadd.s32 @p1 $0x10, s3  }
0x25: {  	s1 =	smov.u32 @p1 s3  }
0x26: {  	vm0 =	vge.f32 v12, v10;
	vm1 =	vge.f32 v12, v11;
	v13 =	vld [tilespmem:s1+$0x0]  }
0x27: {  	vm14 =	vge.f32 v12, v8;
	v10 =	vsel vm0, $0xFFFFFFFF, v2;
	v11 =	vsel vm1, $0xFFFFFFFF, v2  }
0x28: {  	v61 =	vsel vm14, $0xFFFFFFFF, v2;
	v8 =	vadd.s32 v11, v10  }
0x29: {  	v62 =	vmul.u32 $0x1001, v0;
	v8 =	vadd.s32 v61, v8  }
0x2a: {  	v8 =	vshll.u32 v8, $0xA  }
0x2b: {  	vm15 =	vge.f32 v12, v9;
	v63 =	vadd.s32 $0xC00, v62;
	v8 =	vadd.s32 v8, v13  }
0x2c: {  	v8 =	vadd.s32 v63, v8;
	_ =	sdelay $0x4  }
0x2d: {  	[tilespmem:v8+s24+$0x0] =	vst.idx.msk vm15, v1  }
.LBB2_77:
0x2e: {  	s0 =	sshll.u32 s0, $0xD  }
0x2f: {  	s0 =	sor.u32 s4, s0  }
0x30: {  	s1 =	rddreg [dreg:$0x5];
	s0 =	sshrl.u32 s0, $0x3  }
0x31: {  	s3 =	simm.s32 $0x1A180;
	s12 =	rddreg [dreg:$0x6];
	s1 =	sadd.s32 s1, s0  }
0x32: {  	[hbm4b:s1+s13] =	stream.strided.scatter [tilespmem:s3], [sflag:$0x1], $0x400, s14, s13, $0x38;
	[tilespmem:$0x1B180] =	vst v63  }
0x33: {  	s25 =	simm.s32 $0x1A580;
	s26 =	rddreg [dreg:$0x7];
	s1 =	sadd.s32 s12, s0  }
0x34: {  	[hbm4b:s1+s13] =	stream.strided.scatter [tilespmem:s25], [sflag:$0x1], $0x400, s14, s13, $0x38;
	[tilespmem:$0x1B180] =	vst v63  }
0x35: {  	s28 =	simm.s32 $0x1A980;
	s1 =	sadd.s32 s26, s0  }
0x36: {  	[hbm4b:s1+s13] =	stream.strided.scatter [tilespmem:s28], [sflag:$0x1], $0x400, s14, s13, $0x38;
	[tilespmem:$0x1B180] =	vst v63  }
0x37: {  	s29 =	simm.s32 $0x1AD80;
	s0 =	sadd.s32 s9, s0  }
0x38: {  	[hbm4b:s0+s13] =	stream.strided.scatter [tilespmem:s29], [sflag:$0x1], $0x400, s14, s13, $0x38;
	[tilespmem:$0x1B180] =	vst v63  }
0x39: {  	_ =	swait.ge [sflag:s19], $0x400  }
0x3a: {  	[sflag:s19] =	ssyncset.done $0x0  }
0x3b: {  	[sflag:s19] =	ssyncadd.s32 $0xFFFFFC00  }
0x3c: {  	_ =	swait.ge [sflag:s19], $0x400  }
0x3d: {  	[sflag:s19] =	ssyncset.done $0x0  }
0x3e: {  	s30 =	sadd.s32 $0x1, s30;
	[sflag:s19] =	ssyncadd.s32 $0xFFFFFC00  }
0x3f: {  	p0 =	sne.s32 s30, $0x20;
	_ =	swait.ge [sflag:s19], $0x400  }
.Ltmp5:
0x40: {  	[sflag:s19] =	ssyncset.done $0x0;
	(pc) =	sbr.rel @!p0 .LBB2_78-.Ltmp5, $4  }
0x41: {  	[sflag:s19] =	ssyncadd.s32 $0xFFFFFC00  }
0x42: {  	_ =	swait.ge [sflag:s19], $0x400  }
0x43: {  	[sflag:s19] =	ssyncset.done $0x0  }
0x44: {  	s31 =	sadd.s32 $0x310, s31;
	[sflag:s19] =	ssyncadd.s32 $0xFFFFFC00  }
.LBB2_6:
0x45: {  	s0 =	sadd.s32 s10, s30  }
0x46: {  	s0 =	sshrl.u32 s0, $0x3  }
0x47: {  	s1 =	sshll.u32 s30, $0x7;
	s3 =	smul.u32 $0x1C00, s0  }
0x48: {  	s4 =	sand.u32 $0x380, s1  }
0x49: {  	s1 =	sor.u32 s4, s3  }
0x4a: {  	s29 =	rddreg [dreg:$0x1];
	s1 =	sshrl.u32 s1, $0x3  }
0x4b: {  	s3 =	sadd.s32 s29, s1;
	s1 =	simm.s32 $0x0  }
0x4c: {  	[tilespmem:s1], [sflag:$0x2] =	stream.strided.gather [hbm4b:s3+s13], $0x380, s14, s13, $0x38;
	[tilespmem:$0x1B180] =	vst v63  }
0x4d: {  	_ =	swait.ge [sflag:s15], $0x380  }
0x4e: {  	[sflag:s15] =	ssyncset.done $0x0  }
0x4f: {  	[sflag:s15] =	ssyncadd.s32 $0xFFFFFC80  }
.LBB2_7:
0x50: {  	p0 =	sne.s32 s1, $0x4000  }
.Ltmp6:
0x51: {  	_ = 	snop;
	(pc) =	sbr.rel @p0 .LBB2_7-.Ltmp6, $3  }
0x52: {  	_ =	sdelay $0x1  }
0x53: {  	s3 =	sshra.s32 s1, $0x2  }
0x54: {  	s1 =	sadd.s32 $0x40, s1;
	[tilespmem:s3+$0x380] =	vst v2  }
0x55: {  	s3 =	simm.s32 $0x0  }
0x56: {  	v10 =	vld [tilespmem:s3+$0x0]  }
0x57: {  	v9 =	vimm.f32 $-3.000000010e+38;
	v8 =	vimm.f32 $2.000000000e+00;
	s1 =	simm.s32 $0x40  }
.LBB2_9:
0x58: {  	p0 =	sne.s32 s1, $0xC00  }
.Ltmp7:
0x59: {  	_ = 	snop;
	(pc) =	sbr.rel @p0 .LBB2_9-.Ltmp7, $4  }
0x5a: {  	_ = 	snop  }
0x5b: {  	s3 =	sshra.s32 s1, $0x2;
	s1 =	sadd.s32 $0x40, s1;
	v9 =	vmax.f32 v9, v10;
	vm0 =	vgt.f32 v10, $-2.000000000e+00  }
0x5c: {  	v11 =	vnsel vm0, $0x40000000, v10;
	v10 =	vld [tilespmem:s3+$0x0]  }
0x5d: {  	v8 =	vmin.f32 v8, v11  }
0x5e: {  	_ =	sdelay $0x2  }
0x5f: {  	vm0 =	vgt.f32 v10, $-2.000000000e+00  }
0x60: {  	v9 =	vmax.f32 v9, v10;
	v10 =	vnsel vm0, $0x40000000, v10  }
0x61: {  	(xrf0) =	vmax.scan.msk.f32 $0xffff, v9;
	v8 =	vmin.f32 v8, v10  }
0x62: {  	(xrf0) =	vmin.scan.msk.f32 $0xffff, v8;
	_ =	sdelay $0x4  }
0x63: {  	v8, _, _ =	vpop (xrf0)  }
0x64: {  	(v2sf) =	vpush v8, $0xF;
	v10, _, _ =	vpop (xrf0)  }
0x65: {  	(v2sf) =	vpush v10, $0xF;
	_ =	sdelay $0xd  }
0x66: {  	s11 =	spop (v2sf)  }
0x67: {  	s1 =	spop (v2sf)  }
0x68: {  	s3 =	ssub.f32 s11, s1;
	_ =	sdelay $0x1  }
0x69: {  	s3 =	smax.f32 s3, $9.999999680e-21  }
0x6a: {  	s3 =	smul.f32 $3.906250000e-03, s3;
	_ =	sdelay $0x1  }
0x6b: {  	v9 =	vmov s3  }
0x6c: {  	v9 =	vsub.s32 $0x7EB53567, v9  }
0x6d: {  	v11 =	vmul.f32 s3, v9;
	_ =	sdelay $0x1  }
0x6e: {  	v11 =	vsub.f32 $2.000000000e+00, v11;
	_ =	sdelay $0x1  }
0x6f: {  	v9 =	vmul.f32 v9, v11;
	_ =	sdelay $0x1  }
0x70: {  	v11 =	vmul.f32 s3, v9;
	_ =	sdelay $0x1  }
0x71: {  	v11 =	vsub.f32 $2.000000000e+00, v11;
	_ =	sdelay $0x1  }
0x72: {  	v9 =	vmul.f32 v11, v9;
	_ =	sdelay $0x1  }
0x73: {  	v11 =	vmul.f32 s3, v9;
	_ =	sdelay $0x1  }
0x74: {  	v11 =	vsub.f32 $2.000000000e+00, v11;
	_ =	sdelay $0x1  }
0x75: {  	s6 =	simm.s32 $0x0;
	s7 =	simm.s32 $0x0;
	v10 =	vbroadcast v10, $0xF;
	v9 =	vmul.f32 v11, v9  }
.LBB2_11:
0x76: {  	s8 =	sshra.s32 s7, $0x2  }
0x77: {  	v11 =	vld [tilespmem:s8+$0x0];
	_ =	sdelay $0x4  }
0x78: {  	v11 =	vsub.f32 v11, v10;
	_ =	sdelay $0x1  }
0x79: {  	v11 =	vmul.f32 v11, v9;
	_ =	sdelay $0x1  }
0x7a: {  	v11 =	vmax.f32 v11, $0.0e+00  }
0x7b: {  	v11 =	vmin.f32 v11, $2.550000000e+02  }
0x7c: {  	v11 =	vtrunc.f32 v11  }
0x7d: {  	v11 =	vcvt.f32.s32 v11;
	_ =	sdelay $0x1  }
0x7e: {  	p0 =	sne.s32 s7, $0xC00;
	v11 =	vadd.s32 v3, v11  }
.Ltmp8:
0x7f: {  	_ = 	snop;
	(pc) =	sbr.rel @p0 .LBB2_11-.Ltmp8, $2  }
0x80: {  	_ =	sdelay $0x2  }
0x81: {  	s7 =	sadd.s32 $0x40, s7;
	[tilespmem:v11+s16+$0x0] =	vst.idx.add.s32.msk $0xffff, v4  }
0x82: {  	s7 =	simm.s32 $0xC78  }
0x83: {  	v9 =	vld [tilespmem:s7+$0xFFFFF7F8]  }
0x84: {  	v10 =	vld [tilespmem:s7+$0xFFFFF8F9]  }
0x85: {  	v11 =	vld [tilespmem:s7+$0xFFFFF9FA]  }
0x86: {  	v12 =	vld [tilespmem:s7+$0xFFFFFAFB]  }
0x87: {  	v13 =	vld [tilespmem:s7+$0xFFFFFBFC]  }
0x88: {  	v14 =	vld [tilespmem:s7+$0xFFFFFCFD]  }
0x89: {  	v9 =	vadd.s32 v9, v10;
	v10 =	vld [tilespmem:s7+$0xFFFFFDFE]  }
0x8a: {  	v9 =	vadd.s32 v11, v9;
	v11 =	vld [tilespmem:s7+$0xFFFFFEFF]  }
0x8b: {  	v49 =	vld [tilespmem:s7+$0x0];
	v9 =	vadd.s32 v12, v9  }
0x8c: {  	v50 =	vld [tilespmem:s7+$0x101];
	v9 =	vadd.s32 v13, v9  }
0x8d: {  	v51 =	vld [tilespmem:s7+$0x202];
	v9 =	vadd.s32 v14, v9  }
0x8e: {  	v9 =	vadd.s32 v10, v9;
	v10 =	vld [tilespmem:s7+$0x303]  }
0x8f: {  	v9 =	vadd.s32 v11, v9;
	v11 =	vld [tilespmem:s7+$0x404]  }
0x90: {  	v52 =	vld [tilespmem:s7+$0x505];
	v9 =	vadd.s32 v49, v9  }
0x91: {  	v53 =	vld [tilespmem:s7+$0x606];
	v9 =	vadd.s32 v50, v9  }
0x92: {  	v54 =	vld [tilespmem:s7+$0x707];
	v9 =	vadd.s32 v51, v9  }
0x93: {  	v9 =	vadd.s32 v10, v9  }
0x94: {  	v9 =	vadd.s32 v11, v9  }
0x95: {  	v9 =	vadd.s32 v52, v9  }
0x96: {  	v9 =	vadd.s32 v53, v9  }
0x97: {  	s25 =	simm.s32 $0xC68;
	v9 =	vadd.s32 v54, v9  }
0x98: {  	v10 =	vld [tilespmem:s25+$0xFFFFF7F8];
	v9 =	vperm.xlane v9, v5  }
0x99: {  	v11 =	vld [tilespmem:s25+$0xFFFFF8F9]  }
0x9a: {  	v55 =	vld [tilespmem:s25+$0xFFFFF9FA];
	(xrf0) =	vadd.scan.msk.s32 $0xffff, v9  }
0x9b: {  	v56 =	vld [tilespmem:s25+$0xFFFFFAFB]  }
0x9c: {  	v9 =	vld [tilespmem:s25+$0xFFFFFBFC]  }
0x9d: {  	v57 =	vld [tilespmem:s25+$0xFFFFFCFD]  }
0x9e: {  	v10 =	vadd.s32 v10, v11;
	v11 =	vld [tilespmem:s25+$0xFFFFFDFE]  }
0x9f: {  	v58 =	vld [tilespmem:s25+$0xFFFFFEFF];
	v10 =	vadd.s32 v55, v10  }
0xa0: {  	v59 =	vld [tilespmem:s25+$0x0];
	v10 =	vadd.s32 v56, v10;
	v15, _, _ =	vpop (xrf0)  }
0xa1: {  	v9 =	vadd.s32 v9, v10;
	v10 =	vld [tilespmem:s25+$0x101];
	v15 =	vperm.xlane v15, v5  }
0xa2: {  	s29 =	simm.s32 $0xF0;
	v60 =	vld [tilespmem:s25+$0x202];
	v9 =	vadd.s32 v57, v9  }
0xa3: {  	v16 =	vor.u32 s29, v6;
	v9 =	vadd.s32 v11, v9;
	v11 =	vld [tilespmem:s25+$0x303];
	v15 =	vadd.s32 s6, v15  }
0xa4: {  	v61 =	vld [tilespmem:s25+$0x404];
	v9 =	vadd.s32 v58, v9;
	vm0 =	vgt.s32 v15, $0xC7;
	v15 =	vxor.u32 $0x80000000, v15  }
0xa5: {  	v62 =	vld [tilespmem:s25+$0x505];
	v9 =	vadd.s32 v59, v9;
	v16 =	vnsel vm0, $0x7FFFFFFF, v16;
	(xrf0) =	vmax.scan.msk.u32 $0xffff, v15  }
0xa6: {  	v9 =	vadd.s32 v10, v9;
	v10 =	vld [tilespmem:s25+$0x606];
	(xrf0) =	vmax.scan.msk.u32 $0xffff, v16  }
0xa7: {  	v9 =	vadd.s32 v60, v9  }
0xa8: {  	v9 =	vadd.s32 v11, v9  }
0xa9: {  	v9 =	vadd.s32 v61, v9  }
0xaa: {  	v9 =	vadd.s32 v62, v9  }
0xab: {  	v9 =	vadd.s32 v10, v9;
	v10, _, _ =	vpop (xrf0)  }
0xac: {  	v63 =	vld [tilespmem:s25+$0x707];
	(v2sf) =	vpush v10, $0xF;
	v10, _, _ =	vpop (xrf0)  }
0xad: {  	(v2sf) =	vpush v10, $0xF;
	_ =	sdelay $0x3  }
0xae: {  	v9 =	vadd.s32 v63, v9  }
0xaf: {  	v9 =	vperm.xlane v9, v5  }
0xb0: {  	s26 =	simm.s32 $0xFFFFFFFF  }
0xb1: {  	s28 =	simm.s32 $0xE0;
	s12 =	simm.s32 $0xD0;
	s6 =	simm.s32 $0xC0;
	(xrf0) =	vadd.scan.msk.s32 $0xffff, v9  }
.LBB2_13:
0xb2: {  	s7 =	smov.u32 s26  }
0xb3: {  	p0 =	sne.s32 s6, $0x0;
	s25 =	sadd.s32 $0xFFFFFFF0, s25  }
0xb4: {  	v9 =	vld [tilespmem:s25+$0xFFFFF7F8]  }
0xb5: {  	v10 =	vld [tilespmem:s25+$0xFFFFF8F9]  }
0xb6: {  	v11 =	vld [tilespmem:s25+$0xFFFFF9FA]  }
0xb7: {  	v12 =	vld [tilespmem:s25+$0xFFFFFAFB];
	v13, _, _ =	vpop (xrf0)  }
0xb8: {  	v14 =	vld [tilespmem:s25+$0xFFFFFBFC];
	v13 =	vperm.xlane v13, v5;
	s8 =	spop (v2sf)  }
0xb9: {  	v15 =	vld [tilespmem:s25+$0xFFFFFCFD];
	s8 =	sxor.u32 $0x80000000, s8;
	s26 =	spop (v2sf)  }
0xba: {  	v16 =	vor.u32 s28, v6;
	s28 =	smov.u32 s12;
	s12 =	smov.u32 s6;
	v9 =	vadd.s32 v9, v10;
	v10 =	vld [tilespmem:s25+$0xFFFFFDFE];
	v13 =	vadd.s32 s8, v13;
	s26 =	sxor.u32 $0x80000000, s26  }
0xbb: {  	v9 =	vadd.s32 v11, v9;
	v11 =	vld [tilespmem:s25+$0xFFFFFEFF];
	vm0 =	vgt.s32 v13, $0xC7;
	v13 =	vxor.u32 $0x80000000, v13;
	p1 =	sgt.s32 s7, s26  }
0xbc: {  	v9 =	vadd.s32 v12, v9;
	v12 =	vld [tilespmem:s25+$0x0];
	v16 =	vnsel vm0, $0x7FFFFFFF, v16;
	(xrf0) =	vmax.scan.msk.u32 $0xffff, v13;
	s26 =	smov.u32 @p1 s7  }
0xbd: {  	v9 =	vadd.s32 v14, v9;
	v13 =	vld [tilespmem:s25+$0x101];
	(xrf0) =	vmax.scan.msk.u32 $0xffff, v16  }
0xbe: {  	v9 =	vadd.s32 v15, v9;
	v14 =	vld [tilespmem:s25+$0x202]  }
0xbf: {  	v9 =	vadd.s32 v10, v9;
	v10 =	vld [tilespmem:s25+$0x303]  }
0xc0: {  	v9 =	vadd.s32 v11, v9;
	v11 =	vld [tilespmem:s25+$0x404]  }
0xc1: {  	v9 =	vadd.s32 v12, v9;
	v12 =	vld [tilespmem:s25+$0x505]  }
0xc2: {  	v9 =	vadd.s32 v13, v9;
	v13 =	vld [tilespmem:s25+$0x606];
	v15, _, _ =	vpop (xrf0)  }
0xc3: {  	v9 =	vadd.s32 v14, v9;
	v14 =	vld [tilespmem:s25+$0x707];
	(v2sf) =	vpush v15, $0xF;
	v15, _, _ =	vpop (xrf0)  }
0xc4: {  	v9 =	vadd.s32 v10, v9;
	(v2sf) =	vpush v15, $0xF  }
0xc5: {  	v9 =	vadd.s32 v11, v9  }
0xc6: {  	v9 =	vadd.s32 v12, v9  }
0xc7: {  	v9 =	vadd.s32 v13, v9  }
.Ltmp9:
0xc8: {  	v9 =	vadd.s32 v14, v9;
	(pc) =	sbr.rel @p0 .LBB2_13-.Ltmp9, $3  }
0xc9: {  	v9 =	vperm.xlane v9, v5;
	_ =	sdelay $0x1  }
0xca: {  	(xrf0) =	vadd.scan.msk.s32 $0xffff, v9  }
0xcb: {  	s6 =	sadd.s32 $0xFFFFFFF0, s6  }
0xcc: {  	s6 =	sadd.s32 $0xFFFFFFF0, s25  }
0xcd: {  	v9 =	vld [tilespmem:s6+$0xFFFFF7F8]  }
0xce: {  	v10 =	vld [tilespmem:s6+$0xFFFFF8F9]  }
0xcf: {  	v11 =	vld [tilespmem:s6+$0xFFFFF9FA]  }
0xd0: {  	v12 =	vld [tilespmem:s6+$0xFFFFFAFB];
	v13, _, _ =	vpop (xrf0)  }
0xd1: {  	v14 =	vld [tilespmem:s6+$0xFFFFFBFC];
	v13 =	vperm.xlane v13, v5;
	s7 =	spop (v2sf)  }
0xd2: {  	v15 =	vld [tilespmem:s6+$0xFFFFFCFD];
	s7 =	sxor.u32 $0x80000000, s7  }
0xd3: {  	v9 =	vadd.s32 v9, v10;
	v10 =	vld [tilespmem:s6+$0xFFFFFDFE];
	v13 =	vadd.s32 s7, v13  }
0xd4: {  	v9 =	vadd.s32 v11, v9;
	v11 =	vld [tilespmem:s6+$0xFFFFFEFF];
	v16 =	vxor.u32 $0x80000000, v13  }
0xd5: {  	v58 =	vld [tilespmem:s6+$0x0];
	v9 =	vadd.s32 v12, v9;
	(xrf0) =	vmax.scan.msk.u32 $0xffff, v16  }
0xd6: {  	v59 =	vld [tilespmem:s6+$0x101];
	v9 =	vadd.s32 v14, v9  }
0xd7: {  	v60 =	vld [tilespmem:s6+$0x202];
	v9 =	vadd.s32 v15, v9  }
0xd8: {  	v9 =	vadd.s32 v10, v9;
	v10 =	vld [tilespmem:s6+$0x303]  }
0xd9: {  	v9 =	vadd.s32 v11, v9;
	v11 =	vld [tilespmem:s6+$0x404]  }
0xda: {  	v61 =	vld [tilespmem:s6+$0x505];
	v9 =	vadd.s32 v58, v9  }
0xdb: {  	v62 =	vld [tilespmem:s6+$0x606];
	v9 =	vadd.s32 v59, v9;
	v16, _, _ =	vpop (xrf0)  }
0xdc: {  	v63 =	vld [tilespmem:s6+$0x707];
	v9 =	vadd.s32 v60, v9;
	(v2sf) =	vpush v16, $0xF  }
0xdd: {  	v9 =	vadd.s32 v10, v9  }
0xde: {  	v9 =	vadd.s32 v11, v9  }
0xdf: {  	v9 =	vadd.s32 v61, v9  }
0xe0: {  	v9 =	vadd.s32 v62, v9  }
0xe1: {  	vm0 =	vgt.s32 v13, $0xC7;
	v10 =	vor.u32 s28, v6;
	v9 =	vadd.s32 v63, v9  }
0xe2: {  	v10 =	vnsel vm0, $0x7FFFFFFF, v10;
	v9 =	vperm.xlane v9, v5  }
0xe3: {  	(xrf0) =	vmax.scan.msk.u32 $0xffff, v10  }
0xe4: {  	(xrf0) =	vadd.scan.msk.s32 $0xffff, v9;
	_ =	sdelay $0x4  }
0xe5: {  	v9, _, _ =	vpop (xrf0)  }
0xe6: {  	s25 =	spop (v2sf);
	v10, _, _ =	vpop (xrf0)  }
0xe7: {  	v10 =	vperm.xlane v10, v5;
	s28 =	spop (v2sf)  }
0xe8: {  	s7 =	sxor.u32 $0x80000000, s28  }
0xe9: {  	v10 =	vadd.s32 s7, v10  }
0xea: {  	v11 =	vor.u32 s12, v6;
	vm15 =	vgt.s32 v10, $0xC7;
	v10 =	vxor.u32 $0x80000000, v10  }
0xeb: {  	v11 =	vnsel vm15, $0x7FFFFFFF, v11;
	(xrf0) =	vmax.scan.msk.u32 $0xffff, v10  }
0xec: {  	(xrf0) =	vmax.scan.msk.u32 $0xffff, v11;
	_ =	sdelay $0x4  }
0xed: {  	(v2sf) =	vpush v9, $0xF;
	v9, _, _ =	vpop (xrf0)  }
0xee: {  	(v2sf) =	vpush v9, $0xF;
	v9, _, _ =	vpop (xrf0)  }
0xef: {  	(v2sf) =	vpush v9, $0xF;
	_ =	sdelay $0xb  }
0xf0: {  	s6 =	sxor.u32 $0x80000000, s25  }
0xf1: {  	p0 =	sgt.s32 s26, s6;
	s29 =	spop (v2sf)  }
0xf2: {  	s6 =	smov.u32 @p0 s26;
	s7 =	sxor.u32 $0x80000000, s29;
	s8 =	spop (v2sf)  }
0xf3: {  	p0 =	sgt.s32 s6, s7;
	s8 =	spop (v2sf)  }
0xf4: {  	s7 =	smov.u32 @p0 s6;
	s6 =	sxor.u32 $0x80000000, s8  }
0xf5: {  	p0 =	sgt.s32 s7, s6  }
0xf6: {  	s6 =	smov.u32 @p0 s7  }
0xf7: {  	s6 =	scvt.s32.f32 s6;
	_ =	sdelay $0x1  }
0xf8: {  	s6 =	sadd.f32 $-9.999999770e-03, s6;
	_ =	sdelay $0x1  }
0xf9: {  	s3 =	smul.f32 s6, s3;
	_ =	sdelay $0x1  }
0xfa: {  	s26 =	sadd.f32 s3, s1;
	_ =	sdelay $0x1  }
0xfb: {  	v9 =	vmov s26  }
0xfc: {  	s1 =	simm.s32 $0x0;
	v9 =	vadd.f32 $0.0e+00, v9  }
0xfd: {  	v11 =	vld [tilespmem:s1+$0x0]  }
0xfe: {  	v10 =	vimm.s32 $0x0;
	s6 =	simm.s32 $0x0;
	s3 =	simm.s32 $0x10;
	v9 =	vbroadcast v9, $0x0  }
.LBB2_15:
0xff: {  	p0 =	seq.s32 s3, $0x300;
	_ =	sdelay $0x2  }
0x100: {  	vm0 =	vge.f32 v11, v9  }
0x101: {  	v11 =	vsel vm0, $0x1, v2  }
0x102: {  	(xrf0) =	vadd.scan.msk.s32 $0xffff, v11;
	_ =	sdelay $0x5  }
0x103: {  	v11, _, _ =	vpop (xrf0)  }
0x104: {  	v11 =	vadd.s32 v11, v10  }
0x105: {  	v11 =	vadd.s32 $0xFFFFFFFF, v11  }
0x106: {  	v12 =	vshra.s32 v11, $0x1F  }
0x107: {  	v12 =	vshrl.u32 v12, $0x19  }
0x108: {  	v12 =	vadd.s32 v12, v11  }
0x109: {  	v12 =	vshra.s32 v12, $0x7  }
0x10a: {  	v13 =	vshll.u32 v12, $0x7  }
0x10b: {  	vm1 =	vlt.s32 v11, $0x1;
	vm2 =	vne.s32 v11, v13  }
0x10c: {  	vm1 =	vmand vm1, vm2  }
0x10d: {  	v13 =	vsel vm1, $0xFFFFFFFF, v2  }
0x10e: {  	vm1 =	vlt.s32 v11, $0x200;
	v12 =	vadd.s32 v13, v12  }
0x10f: {  	v11 =	vand.u32 $0x7F, v11;
	vm0 =	vmand vm0, vm1;
	v12 =	vshll.u32 v12, $0x7  }
0x110: {  	v11 =	vor.u32 v11, v12;
	v12 =	vmpcnt.ones.xlane vm0;
	_ =	sdelay $0x1  }
0x111: {  	v10 =	vadd.s32 v10, v12  }
0x112: {  	s7 =	sadd.s32 s1, s31  }
.Ltmp10:
0x113: {  	v12 =	vor.u32 s7, v0;
	(pc) =	sbr.rel @!p0 .LBB2_15-.Ltmp10, $4  }
0x114: {  	[tilespmem:v11+s17+$0x0] =	vst.idx.msk vm0, v12;
	v12 =	vor.u32 s1, v0;
	s1 =	smov.u32 s3  }
0x115: {  	s6 =	sadd.s32 $0x10, s6;
	[tilespmem:v11+s18+$0x0] =	vst.idx.msk vm0, v12  }
0x116: {  	v11 =	vld [tilespmem:s6+$0x0]  }
0x117: {  	s3 =	sadd.s32 $0x10, s3  }
0x118: {  	_ =	sdelay $0x2  }
0x119: {  	vm0 =	vge.f32 v11, v9  }
0x11a: {  	v11 =	vsel vm0, $0x1, v2  }
0x11b: {  	(xrf0) =	vadd.scan.msk.s32 $0xffff, v11;
	_ =	sdelay $0x5  }
0x11c: {  	v11, _, _ =	vpop (xrf0)  }
0x11d: {  	v11 =	vadd.s32 v11, v10  }
0x11e: {  	v11 =	vadd.s32 $0xFFFFFFFF, v11  }
0x11f: {  	v12 =	vshra.s32 v11, $0x1F  }
0x120: {  	v12 =	vshrl.u32 v12, $0x19  }
0x121: {  	v12 =	vadd.s32 v12, v11  }
0x122: {  	v12 =	vshra.s32 v12, $0x7  }
0x123: {  	v13 =	vshll.u32 v12, $0x7  }
0x124: {  	vm1 =	vlt.s32 v11, $0x1;
	vm2 =	vne.s32 v11, v13  }
0x125: {  	vm1 =	vmand vm1, vm2  }
0x126: {  	v60 =	vsel vm1, $0xFFFFFFFF, v2  }
0x127: {  	vm15 =	vlt.s32 v11, $0x200;
	v12 =	vadd.s32 v60, v12  }
0x128: {  	vm0 =	vmand vm0, vm15;
	v11 =	vand.u32 $0x7F, v11;
	v12 =	vshll.u32 v12, $0x7  }
0x129: {  	v11 =	vor.u32 v11, v12;
	_ =	sdelay $0x2  }
0x12a: {  	s3 =	sadd.s32 s1, s31  }
0x12b: {  	v62 =	vor.u32 s3, v0;
	v61 =	vmpcnt.ones.xlane vm0  }
0x12c: {  	v63 =	vor.u32 s1, v0;
	[tilespmem:v11+s17+$0x0] =	vst.idx.msk vm0, v62  }
0x12d: {  	s1 =	simm.s32 $0x40;
	s3 =	simm.s32 $0x0;
	v10 =	vadd.s32 v10, v61;
	[tilespmem:v11+s18+$0x0] =	vst.idx.msk vm0, v63  }
.LBB2_17:
0x12e: {  	p0 =	seq.s32 s1, $0x1000;
	[tilespmem:s3+$0x9800] =	vst v7;
	s3 =	smov.u32 s1;
	s1 =	sadd.s32 $0x40, s1  }
.Ltmp11:
0x12f: {  	(pc) =	sbr.rel @!p0 .LBB2_17-.Ltmp11, $2  }
0x130: {  	_ =	sdelay $0x2  }
0x131: {  	s3 =	sshra.s32 s3, $0x2  }
0x132: {  	v10 =	vxor.u32 $0x80000000, v10  }
0x133: {  	(xrf0) =	vmax.scan.msk.u32 $0xffff, v10;
	_ =	sdelay $0x5  }
0x134: {  	v10, _, _ =	vpop (xrf0)  }
0x135: {  	(v2sf) =	vpush v10, $0xF;
	_ =	sdelay $0xe  }
0x136: {  	[tilespmem:s3+$0x9800] =	vst v7;
	s3 =	spop (v2sf)  }
0x137: {  	s1 =	sadd.s32 $0x8000007F, s3  }
0x138: {  	s6 =	sand.u32 $0x7F, s1  }
0x139: {  	s29 =	sshra.s32 s1, $0x1F;
	p1 =	slt.s32 s1, $0x1;
	p0 =	sne.s32 s6, $0x0  }
0x13a: {  	s6 =	sshrl.u32 s29, $0x19;
	p0 =	por !p1, !p0  }
0x13b: {  	s1 =	sadd.s32 s6, s1;
	s6 =	simm.s32 $0x1;
	p0 =	por !p0, !p0  }
0x13c: {  	s1 =	sshra.s32 s1, $0x7;
	s6 =	simm.s32 @!p0 $0x0  }
0x13d: {  	s1 =	ssub.s32 s1, s6  }
0x13e: {  	p0 =	sgt.s32 s1, $0x0  }
.Ltmp12:
0x13f: {  	_ = 	snop;
	(pc) =	sbr.rel @!p0 .LBB2_19-.Ltmp12, $1  }
0x140: {  	_ =	sdelay $0x3  }
.Ltmp13:
0x141: {  	(pc) =	sbr.rel .LBB2_21-.Ltmp13, $3  }
0x142: {  	_ =	sdelay $0x1  }
0x143: {  	s3 =	sxor.u32 $0x80000000, s3  }
0x144: {  	s12 =	simm.s32 $0x0;
	v10 =	vimm.s32 $0x0;
	s25 =	smov.u32 s3  }
.LBB2_24:
0x145: {  	s12 =	sadd.s32 $0x1, s12  }
0x146: {  	p0 =	sne.s32 s12, s1  }
.Ltmp14:
0x147: {  	_ = 	snop;
	(pc) =	sbr.rel @!p0 .LBB2_25-.Ltmp14, $2  }
0x148: {  	_ =	sdelay $0x2  }
0x149: {  	s25 =	sadd.s32 $0xFFFFFF80, s25  }
.LBB2_21:
0x14a: {  	s6 =	sshll.u32 s12, $0x7  }
0x14b: {  	s7 =	sadd.s32 $0x1400, s6  }
0x14c: {  	[tilespmem:s20], [sflag:$0x1] =	stream.indirect.gather [hbm4b:s5+s13], $0x80, s7, s13, $0xb8;
	[tilespmem:$0x1B180] =	vst v63  }
0x14d: {  	s29 =	sadd.s32 $0x1600, s6;
	s6 =	ssub.s32 s3, s6  }
0x14e: {  	[tilespmem:s21], [sflag:$0x1] =	stream.indirect.gather [hbm4b:s2+s13], $0x80, s29, s13, $0xb8;
	[tilespmem:$0x1B180] =	vst v63  }
0x14f: {  	p0 =	slt.s32 s6, $0x1;
	_ =	swait.ge [sflag:s19], $0x4000  }
.Ltmp15:
0x150: {  	[sflag:s19] =	ssyncset.done $0x0;
	(pc) =	sbr.rel @p0 .LBB2_24-.Ltmp15, $4  }
0x151: {  	[sflag:s19] =	ssyncadd.s32 $0xFFFFC000  }
0x152: {  	_ =	swait.ge [sflag:s19], $0x4000  }
0x153: {  	[sflag:s19] =	ssyncset.done $0x0  }
0x154: {  	[sflag:s19] =	ssyncadd.s32 $0xFFFFC000  }
0x155: {  	p0 =	sgt.s32 s25, $0x1;
	s6 =	smov.u32 s25  }
0x156: {  	s6 =	simm.s32 @!p0 $0x1  }
0x157: {  	s29 =	simm.s32 $0x1840;
	s28 =	smin.u32 s6, $0x80;
	s6 =	simm.s32 $0x5840  }
.LBB2_23:
0x158: {  	v11 =	vld [tilespmem:s29+$0xFFFFFFC0];
	_ =	sdelay $0x4  }
0x159: {  	vm0 =	vge.f32 v11, v9  }
0x15a: {  	v12 =	vsel vm0, $0x1, v2  }
0x15b: {  	(xrf0) =	vadd.scan.msk.s32 $0xffff, v12;
	_ =	sdelay $0x5  }
0x15c: {  	v12, _, _ =	vpop (xrf0)  }
0x15d: {  	v12 =	vadd.s32 v12, v10  }
0x15e: {  	v12 =	vadd.s32 $0xFFFFFFFF, v12  }
0x15f: {  	vm1 =	vlt.s32 v12, $0x400  }
0x160: {  	vm0 =	vmand vm0, vm1;
	_ =	sdelay $0x1  }
0x161: {  	v13 =	vld [tilespmem:s6+$0xFFFFFFC0];
	_ =	sdelay $0x3  }
0x162: {  	[tilespmem:v12+s22+$0x0] =	vst.idx.msk vm0, v11  }
0x163: {  	[tilespmem:v12+s23+$0x0] =	vst.idx.msk vm0, v13  }
0x164: {  	v11 =	vld [tilespmem:s29+$0xFFFFFFD0];
	_ =	sdelay $0x4  }
0x165: {  	vm14 =	vge.f32 v11, v9  }
0x166: {  	v43 =	vsel vm14, $0x1, v2  }
0x167: {  	(xrf0) =	vadd.scan.msk.s32 $0xffff, v43;
	_ =	sdelay $0x3  }
0x168: {  	v44 =	vmpcnt.ones.xlane vm0;
	_ =	sdelay $0x1  }
0x169: {  	v10 =	vadd.s32 v10, v44;
	v45, _, _ =	vpop (xrf0)  }
0x16a: {  	v12 =	vadd.s32 v45, v10  }
0x16b: {  	v12 =	vadd.s32 $0xFFFFFFFF, v12  }
0x16c: {  	vm15 =	vlt.s32 v12, $0x400  }
0x16d: {  	vm0 =	vmand vm14, vm15;
	_ =	sdelay $0x1  }
0x16e: {  	v13 =	vld [tilespmem:s6+$0xFFFFFFD0];
	_ =	sdelay $0x3  }
0x16f: {  	[tilespmem:v12+s22+$0x0] =	vst.idx.msk vm0, v11  }
0x170: {  	[tilespmem:v12+s23+$0x0] =	vst.idx.msk vm0, v13  }
0x171: {  	v11 =	vld [tilespmem:s29+$0xFFFFFFE0];
	_ =	sdelay $0x4  }
0x172: {  	vm4 =	vge.f32 v11, v9  }
0x173: {  	v46 =	vsel vm4, $0x1, v2  }
0x174: {  	(xrf0) =	vadd.scan.msk.s32 $0xffff, v46;
	_ =	sdelay $0x3  }
0x175: {  	v47 =	vmpcnt.ones.xlane vm0;
	_ =	sdelay $0x1  }
0x176: {  	v10 =	vadd.s32 v10, v47;
	v48, _, _ =	vpop (xrf0)  }
0x177: {  	v12 =	vadd.s32 v48, v10  }
0x178: {  	v12 =	vadd.s32 $0xFFFFFFFF, v12  }
0x179: {  	vm5 =	vlt.s32 v12, $0x400  }
0x17a: {  	vm0 =	vmand vm4, vm5;
	_ =	sdelay $0x1  }
0x17b: {  	v13 =	vld [tilespmem:s6+$0xFFFFFFE0];
	_ =	sdelay $0x3  }
0x17c: {  	[tilespmem:v12+s22+$0x0] =	vst.idx.msk vm0, v11  }
0x17d: {  	[tilespmem:v12+s23+$0x0] =	vst.idx.msk vm0, v13  }
0x17e: {  	v11 =	vld [tilespmem:s29+$0xFFFFFFF0];
	_ =	sdelay $0x4  }
0x17f: {  	vm6 =	vge.f32 v11, v9  }
0x180: {  	v49 =	vsel vm6, $0x1, v2  }
0x181: {  	(xrf0) =	vadd.scan.msk.s32 $0xffff, v49;
	_ =	sdelay $0x3  }
0x182: {  	v50 =	vmpcnt.ones.xlane vm0;
	_ =	sdelay $0x1  }
0x183: {  	v10 =	vadd.s32 v10, v50;
	v51, _, _ =	vpop (xrf0)  }
0x184: {  	v12 =	vadd.s32 v51, v10  }
0x185: {  	v12 =	vadd.s32 $0xFFFFFFFF, v12  }
0x186: {  	vm7 =	vlt.s32 v12, $0x400  }
0x187: {  	vm0 =	vmand vm6, vm7;
	_ =	sdelay $0x1  }
0x188: {  	v13 =	vld [tilespmem:s6+$0xFFFFFFF0];
	_ =	sdelay $0x3  }
0x189: {  	[tilespmem:v12+s22+$0x0] =	vst.idx.msk vm0, v11  }
0x18a: {  	[tilespmem:v12+s23+$0x0] =	vst.idx.msk vm0, v13  }
0x18b: {  	v11 =	vld [tilespmem:s29+$0x0];
	_ =	sdelay $0x4  }
0x18c: {  	vm8 =	vge.f32 v11, v9  }
0x18d: {  	v52 =	vsel vm8, $0x1, v2  }
0x18e: {  	(xrf0) =	vadd.scan.msk.s32 $0xffff, v52;
	_ =	sdelay $0x3  }
0x18f: {  	v53 =	vmpcnt.ones.xlane vm0;
	_ =	sdelay $0x1  }
0x190: {  	v10 =	vadd.s32 v10, v53;
	v54, _, _ =	vpop (xrf0)  }
0x191: {  	v12 =	vadd.s32 v54, v10  }
0x192: {  	v12 =	vadd.s32 $0xFFFFFFFF, v12  }
0x193: {  	vm9 =	vlt.s32 v12, $0x400  }
0x194: {  	vm0 =	vmand vm8, vm9;
	_ =	sdelay $0x1  }
0x195: {  	v13 =	vld [tilespmem:s6+$0x0];
	_ =	sdelay $0x3  }
0x196: {  	[tilespmem:v12+s22+$0x0] =	vst.idx.msk vm0, v11  }
0x197: {  	[tilespmem:v12+s23+$0x0] =	vst.idx.msk vm0, v13  }
0x198: {  	v11 =	vld [tilespmem:s29+$0x10];
	_ =	sdelay $0x4  }
0x199: {  	vm10 =	vge.f32 v11, v9  }
0x19a: {  	v55 =	vsel vm10, $0x1, v2  }
0x19b: {  	(xrf0) =	vadd.scan.msk.s32 $0xffff, v55;
	_ =	sdelay $0x3  }
0x19c: {  	v56 =	vmpcnt.ones.xlane vm0;
	_ =	sdelay $0x1  }
0x19d: {  	v10 =	vadd.s32 v10, v56;
	v57, _, _ =	vpop (xrf0)  }
0x19e: {  	v12 =	vadd.s32 v57, v10  }
0x19f: {  	v12 =	vadd.s32 $0xFFFFFFFF, v12  }
0x1a0: {  	vm11 =	vlt.s32 v12, $0x400  }
0x1a1: {  	vm0 =	vmand vm10, vm11;
	_ =	sdelay $0x1  }
0x1a2: {  	v13 =	vld [tilespmem:s6+$0x10];
	_ =	sdelay $0x3  }
0x1a3: {  	[tilespmem:v12+s22+$0x0] =	vst.idx.msk vm0, v11  }
0x1a4: {  	[tilespmem:v12+s23+$0x0] =	vst.idx.msk vm0, v13  }
0x1a5: {  	v11 =	vld [tilespmem:s29+$0x20];
	_ =	sdelay $0x4  }
0x1a6: {  	vm12 =	vge.f32 v11, v9  }
0x1a7: {  	v58 =	vsel vm12, $0x1, v2  }
0x1a8: {  	(xrf0) =	vadd.scan.msk.s32 $0xffff, v58;
	_ =	sdelay $0x3  }
0x1a9: {  	v59 =	vmpcnt.ones.xlane vm0;
	_ =	sdelay $0x1  }
0x1aa: {  	v10 =	vadd.s32 v10, v59;
	v60, _, _ =	vpop (xrf0)  }
0x1ab: {  	v12 =	vadd.s32 v60, v10  }
0x1ac: {  	v12 =	vadd.s32 $0xFFFFFFFF, v12  }
0x1ad: {  	vm13 =	vlt.s32 v12, $0x400  }
0x1ae: {  	vm0 =	vmand vm12, vm13;
	_ =	sdelay $0x1  }
0x1af: {  	v13 =	vld [tilespmem:s6+$0x20];
	_ =	sdelay $0x3  }
0x1b0: {  	[tilespmem:v12+s22+$0x0] =	vst.idx.msk vm0, v11  }
0x1b1: {  	[tilespmem:v12+s23+$0x0] =	vst.idx.msk vm0, v13  }
0x1b2: {  	v11 =	vld [tilespmem:s29+$0x30];
	_ =	sdelay $0x4  }
0x1b3: {  	vm14 =	vge.f32 v11, v9  }
0x1b4: {  	v61 =	vsel vm14, $0x1, v2  }
0x1b5: {  	(xrf0) =	vadd.scan.msk.s32 $0xffff, v61;
	_ =	sdelay $0x3  }
0x1b6: {  	v62 =	vmpcnt.ones.xlane vm0;
	_ =	sdelay $0x1  }
0x1b7: {  	v10 =	vadd.s32 v10, v62;
	v63, _, _ =	vpop (xrf0)  }
0x1b8: {  	v12 =	vadd.s32 v63, v10  }
0x1b9: {  	v12 =	vadd.s32 $0xFFFFFFFF, v12  }
0x1ba: {  	vm15 =	vlt.s32 v12, $0x400  }
0x1bb: {  	vm0 =	vmand vm14, vm15;
	_ =	sdelay $0x1  }
0x1bc: {  	p0 =	sne.s32 s28, $0x1;
	v13 =	vld [tilespmem:s6+$0x30]  }
.Ltmp16:
0x1bd: {  	_ = 	snop;
	(pc) =	sbr.rel @p0 .LBB2_23-.Ltmp16, $4  }
0x1be: {  	_ = 	snop  }
0x1bf: {  	v14 =	vmpcnt.ones.xlane vm0  }
0x1c0: {  	[tilespmem:v12+s22+$0x0] =	vst.idx.msk vm0, v11  }
0x1c1: {  	s28 =	sadd.s32 $0xFFFFFFFF, s28;
	s29 =	sadd.s32 $0x80, s29;
	s6 =	sadd.s32 $0x80, s6;
	v10 =	vadd.s32 v10, v14;
	[tilespmem:v12+s23+$0x0] =	vst.idx.msk vm0, v13  }
.Ltmp17:
0x1c2: {  	_ = 	snop;
	(pc) =	sbr.rel .LBB2_24-.Ltmp17, $1  }
0x1c3: {  	_ =	sdelay $0x3  }
.LBB2_25:
.Ltmp18:
0x1c4: {  	(pc) =	sbr.rel .LBB2_26-.Ltmp18, $2  }
0x1c5: {  	_ =	sdelay $0x2  }
0x1c6: {  	v9 =	vxor.u32 $0x80000000, v10  }
.LBB2_19:
0x1c7: {  	v9 =	vimm.s32 $0x80000000  }
.LBB2_26:
0x1c8: {  	(xrf0) =	vmax.scan.msk.u32 $0xffff, v9;
	_ =	sdelay $0x5  }
0x1c9: {  	v9, _, _ =	vpop (xrf0)  }
0x1ca: {  	(v2sf) =	vpush v9, $0xF;
	_ =	sdelay $0xe  }
0x1cb: {  	s1 =	spop (v2sf)  }
0x1cc: {  	s1 =	sadd.s32 $0x8000000F, s1  }
0x1cd: {  	s3 =	sand.u32 $0xF, s1  }
0x1ce: {  	s6 =	sshra.s32 s1, $0x1F;
	p0 =	slt.s32 s1, $0x1;
	p1 =	sne.s32 s3, $0x0  }
.Ltmp19:
0x1cf: {  	s29 =	sshrl.u32 s6, $0x1C;
	p0 =	por !p0, !p1;
	(pc) =	sbr.rel .LBB2_27-.Ltmp19, $4  }
0x1d0: {  	s3 =	simm.s32 $0x1;
	s1 =	sadd.s32 s29, s1;
	p0 =	por !p0, !p0  }
0x1d1: {  	s11 =	sadd.f32 $1.000000050e-03, s11;
	s1 =	sshra.s32 s1, $0x4;
	s3 =	simm.s32 @!p0 $0x0  }
0x1d2: {  	s12 =	smov.u32 s26;
	s3 =	ssub.s32 s1, s3  }
0x1d3: {  	s6 =	smov.u32 s11;
	s1 =	simm.s32 $0x0;
	p1 =	slt.s32 s3, $0x1  }
.LBB2_30:
0x1d4: {  	v10 =	vsel vm0, $0x1, v2  }
0x1d5: {  	v9 =	vadd.s32 v10, v9  }
.LBB2_31:
0x1d6: {  	(xrf0) =	vadd.scan.msk.s32 $0xffff, v9;
	_ =	sdelay $0x5  }
0x1d7: {  	v9, _, _ =	vpop (xrf0)  }
0x1d8: {  	(v2sf) =	vpush v9, $0xF;
	_ =	sdelay $0xe  }
0x1d9: {  	s7 =	spop (v2sf)  }
0x1da: {  	s1 =	sadd.s32 $0x1, s1;
	p0 =	sgt.s32 s7, $0x9  }
0x1db: {  	s12 =	smov.u32 @p0 s25;
	s25 =	smov.u32 @p0 s6;
	p0 =	sne.s32 s1, $0x1E  }
.Ltmp20:
0x1dc: {  	_ = 	snop;
	(pc) =	sbr.rel @!p0 .LBB2_32-.Ltmp20, $2  }
0x1dd: {  	_ =	sdelay $0x2  }
0x1de: {  	s6 =	smov.u32 s25  }
.LBB2_27:
.Ltmp21:
0x1df: {  	(pc) =	sbr.rel @p1 .LBB2_31-.Ltmp21, $3  }
0x1e0: {  	_ = 	snop  }
0x1e1: {  	s7 =	sadd.f32 s6, s12;
	_ =	sdelay $0x1  }
0x1e2: {  	v9 =	vimm.s32 $0x0;
	s25 =	smul.f32 $5.000000000e-01, s7  }
0x1e3: {  	s7 =	simm.s32 $0x9800  }
0x1e4: {  	p0 =	sne.s32 s3, $0x1;
	v10 =	vmov s25;
	v11 =	vld [tilespmem:s7+$0x0]  }
.Ltmp22:
0x1e5: {  	v10 =	vadd.f32 $0.0e+00, v10;
	(pc) =	sbr.rel @!p0 .LBB2_30-.Ltmp22, $3  }
0x1e6: {  	_ = 	snop  }
0x1e7: {  	v10 =	vbroadcast v10, $0x0;
	_ =	sdelay $0x1  }
0x1e8: {  	s28 =	sadd.s32 $0xFFFFFFFF, s3;
	s7 =	simm.s32 $0x9810;
	vm0 =	vge.f32 v11, v10  }
.LBB2_29:
0x1e9: {  	v11 =	vld [tilespmem:s7+$0x0];
	p0 =	sne.s32 s28, $0x1;
	s28 =	sadd.s32 $0xFFFFFFFF, s28;
	v12 =	vsel vm0, $0x1, v2  }
.Ltmp23:
0x1ea: {  	v9 =	vadd.s32 v12, v9;
	(pc) =	sbr.rel @p0 .LBB2_29-.Ltmp23, $2  }
0x1eb: {  	_ =	sdelay $0x2  }
0x1ec: {  	s7 =	sadd.s32 $0x10, s7;
	vm0 =	vge.f32 v11, v10  }
.Ltmp24:
0x1ed: {  	_ = 	snop;
	(pc) =	sbr.rel .LBB2_30-.Ltmp24, $1  }
0x1ee: {  	_ =	sdelay $0x3  }
.LBB2_32:
.Ltmp25:
0x1ef: {  	(pc) =	sbr.rel .LBB2_33-.Ltmp25, $2  }
0x1f0: {  	_ =	sdelay $0x2  }
0x1f1: {  	s6 =	simm.s32 $0x0;
	s25 =	smov.u32 s11;
	s1 =	smov.u32 s26  }
.LBB2_36:
0x1f2: {  	v10 =	vsel vm0, $0x1, v2  }
0x1f3: {  	v9 =	vadd.s32 v10, v9  }
.LBB2_37:
0x1f4: {  	(xrf0) =	vadd.scan.msk.s32 $0xffff, v9;
	_ =	sdelay $0x5  }
0x1f5: {  	v9, _, _ =	vpop (xrf0)  }
0x1f6: {  	(v2sf) =	vpush v9, $0xF;
	_ =	sdelay $0xe  }
0x1f7: {  	s7 =	spop (v2sf)  }
0x1f8: {  	s6 =	sadd.s32 $0x1, s6;
	p0 =	sgt.s32 s7, $0x13  }
0x1f9: {  	s1 =	smov.u32 @p0 s28;
	s28 =	smov.u32 @p0 s25;
	p0 =	sne.s32 s6, $0x1E  }
.Ltmp26:
0x1fa: {  	_ = 	snop;
	(pc) =	sbr.rel @!p0 .LBB2_38-.Ltmp26, $2  }
0x1fb: {  	_ =	sdelay $0x2  }
0x1fc: {  	s25 =	smov.u32 s28  }
.LBB2_33:
.Ltmp27:
0x1fd: {  	(pc) =	sbr.rel @p1 .LBB2_37-.Ltmp27, $3  }
0x1fe: {  	_ = 	snop  }
0x1ff: {  	s7 =	sadd.f32 s25, s1;
	_ =	sdelay $0x1  }
0x200: {  	v9 =	vimm.s32 $0x0;
	s28 =	smul.f32 $5.000000000e-01, s7  }
0x201: {  	s7 =	simm.s32 $0x9800  }
0x202: {  	p0 =	sne.s32 s3, $0x1;
	v10 =	vmov s28;
	v11 =	vld [tilespmem:s7+$0x0]  }
.Ltmp28:
0x203: {  	v10 =	vadd.f32 $0.0e+00, v10;
	(pc) =	sbr.rel @!p0 .LBB2_36-.Ltmp28, $3  }
0x204: {  	_ = 	snop  }
0x205: {  	v10 =	vbroadcast v10, $0x0;
	_ =	sdelay $0x1  }
0x206: {  	s29 =	sadd.s32 $0xFFFFFFFF, s3;
	s7 =	simm.s32 $0x9810;
	vm0 =	vge.f32 v11, v10  }
.LBB2_35:
0x207: {  	v11 =	vld [tilespmem:s7+$0x0];
	p0 =	sne.s32 s29, $0x1;
	s29 =	sadd.s32 $0xFFFFFFFF, s29;
	v12 =	vsel vm0, $0x1, v2  }
.Ltmp29:
0x208: {  	v9 =	vadd.s32 v12, v9;
	(pc) =	sbr.rel @p0 .LBB2_35-.Ltmp29, $2  }
0x209: {  	_ =	sdelay $0x2  }
0x20a: {  	s7 =	sadd.s32 $0x10, s7;
	vm0 =	vge.f32 v11, v10  }
.Ltmp30:
0x20b: {  	_ = 	snop;
	(pc) =	sbr.rel .LBB2_36-.Ltmp30, $1  }
0x20c: {  	_ =	sdelay $0x3  }
.LBB2_38:
.Ltmp31:
0x20d: {  	(pc) =	sbr.rel .LBB2_39-.Ltmp31, $2  }
0x20e: {  	_ =	sdelay $0x2  }
0x20f: {  	s6 =	simm.s32 $0x0;
	s28 =	smov.u32 s11;
	s25 =	smov.u32 s26  }
.LBB2_42:
0x210: {  	v10 =	vsel vm0, $0x1, v2  }
0x211: {  	v9 =	vadd.s32 v10, v9  }
.LBB2_43:
0x212: {  	(xrf0) =	vadd.scan.msk.s32 $0xffff, v9;
	_ =	sdelay $0x5  }
0x213: {  	v9, _, _ =	vpop (xrf0)  }
0x214: {  	(v2sf) =	vpush v9, $0xF;
	_ =	sdelay $0xe  }
0x215: {  	s7 =	spop (v2sf)  }
0x216: {  	s6 =	sadd.s32 $0x1, s6;
	p0 =	sgt.s32 s7, $0x63  }
0x217: {  	s25 =	smov.u32 @p0 s29;
	s29 =	smov.u32 @p0 s28;
	p0 =	sne.s32 s6, $0x1E  }
.Ltmp32:
0x218: {  	_ = 	snop;
	(pc) =	sbr.rel @!p0 .LBB2_44-.Ltmp32, $2  }
0x219: {  	_ =	sdelay $0x2  }
0x21a: {  	s28 =	smov.u32 s29  }
.LBB2_39:
.Ltmp33:
0x21b: {  	(pc) =	sbr.rel @p1 .LBB2_43-.Ltmp33, $3  }
0x21c: {  	_ = 	snop  }
0x21d: {  	s7 =	sadd.f32 s28, s25;
	_ =	sdelay $0x1  }
0x21e: {  	v9 =	vimm.s32 $0x0;
	s29 =	smul.f32 $5.000000000e-01, s7  }
0x21f: {  	s7 =	simm.s32 $0x9800  }
0x220: {  	p0 =	sne.s32 s3, $0x1;
	v10 =	vmov s29;
	v11 =	vld [tilespmem:s7+$0x0]  }
.Ltmp34:
0x221: {  	v10 =	vadd.f32 $0.0e+00, v10;
	(pc) =	sbr.rel @!p0 .LBB2_42-.Ltmp34, $3  }
0x222: {  	_ = 	snop  }
0x223: {  	v10 =	vbroadcast v10, $0x0;
	_ =	sdelay $0x1  }
0x224: {  	s8 =	simm.s32 $0x9810;
	s7 =	sadd.s32 $0xFFFFFFFF, s3;
	vm0 =	vge.f32 v11, v10  }
.LBB2_41:
0x225: {  	v11 =	vld [tilespmem:s8+$0x0];
	p0 =	sne.s32 s7, $0x1;
	s7 =	sadd.s32 $0xFFFFFFFF, s7;
	v12 =	vsel vm0, $0x1, v2  }
.Ltmp35:
0x226: {  	v9 =	vadd.s32 v12, v9;
	(pc) =	sbr.rel @p0 .LBB2_41-.Ltmp35, $2  }
0x227: {  	_ =	sdelay $0x2  }
0x228: {  	s8 =	sadd.s32 $0x10, s8;
	vm0 =	vge.f32 v11, v10  }
.Ltmp36:
0x229: {  	_ = 	snop;
	(pc) =	sbr.rel .LBB2_42-.Ltmp36, $1  }
0x22a: {  	_ =	sdelay $0x3  }
.LBB2_44:
.Ltmp37:
0x22b: {  	(pc) =	sbr.rel .LBB2_45-.Ltmp37, $2  }
0x22c: {  	_ =	sdelay $0x2  }
0x22d: {  	s6 =	simm.s32 $0x0  }
.LBB2_48:
0x22e: {  	v10 =	vsel vm0, $0x1, v2  }
0x22f: {  	v9 =	vadd.s32 v10, v9  }
.LBB2_49:
0x230: {  	(xrf0) =	vadd.scan.msk.s32 $0xffff, v9;
	_ =	sdelay $0x5  }
0x231: {  	v9, _, _ =	vpop (xrf0)  }
0x232: {  	(v2sf) =	vpush v9, $0xF;
	_ =	sdelay $0xe  }
0x233: {  	s7 =	spop (v2sf)  }
0x234: {  	s6 =	sadd.s32 $0x1, s6;
	p0 =	sgt.s32 s7, $0xC7  }
0x235: {  	s26 =	smov.u32 @p0 s28;
	s28 =	smov.u32 @p0 s11;
	p0 =	sne.s32 s6, $0x1E  }
.Ltmp38:
0x236: {  	_ = 	snop;
	(pc) =	sbr.rel @!p0 .LBB2_50-.Ltmp38, $2  }
0x237: {  	_ =	sdelay $0x2  }
0x238: {  	s11 =	smov.u32 s28  }
.LBB2_45:
.Ltmp39:
0x239: {  	(pc) =	sbr.rel @p1 .LBB2_49-.Ltmp39, $3  }
0x23a: {  	_ = 	snop  }
0x23b: {  	s7 =	sadd.f32 s11, s26;
	_ =	sdelay $0x1  }
0x23c: {  	v9 =	vimm.s32 $0x0;
	s28 =	smul.f32 $5.000000000e-01, s7  }
0x23d: {  	s7 =	simm.s32 $0x9800  }
0x23e: {  	p0 =	sne.s32 s3, $0x1;
	v10 =	vmov s28;
	v11 =	vld [tilespmem:s7+$0x0]  }
.Ltmp40:
0x23f: {  	v10 =	vadd.f32 $0.0e+00, v10;
	(pc) =	sbr.rel @!p0 .LBB2_48-.Ltmp40, $3  }
0x240: {  	_ = 	snop  }
0x241: {  	v10 =	vbroadcast v10, $0x0;
	_ =	sdelay $0x1  }
0x242: {  	s8 =	simm.s32 $0x9810;
	s7 =	sadd.s32 $0xFFFFFFFF, s3;
	vm0 =	vge.f32 v11, v10  }
.LBB2_47:
0x243: {  	v11 =	vld [tilespmem:s8+$0x0];
	p0 =	sne.s32 s7, $0x1;
	s7 =	sadd.s32 $0xFFFFFFFF, s7;
	v12 =	vsel vm0, $0x1, v2  }
.Ltmp41:
0x244: {  	v9 =	vadd.s32 v12, v9;
	(pc) =	sbr.rel @p0 .LBB2_47-.Ltmp41, $2  }
0x245: {  	_ =	sdelay $0x2  }
0x246: {  	s8 =	sadd.s32 $0x10, s8;
	vm0 =	vge.f32 v11, v10  }
.Ltmp42:
0x247: {  	_ = 	snop;
	(pc) =	sbr.rel .LBB2_48-.Ltmp42, $1  }
0x248: {  	_ =	sdelay $0x3  }
.LBB2_50:
.Ltmp43:
0x249: {  	(pc) =	sbr.rel @p1 .LBB2_51-.Ltmp43, $3  }
0x24a: {  	v9 =	vmov s26  }
0x24b: {  	v9 =	vadd.f32 $0.0e+00, v9;
	_ =	sdelay $0x1  }
0x24c: {  	v12 =	vbroadcast v8, $0xF;
	p0 =	sne.s32 s3, $0x1;
	s11 =	sadd.s32 $0xFFFFFFFF, s3;
	v9 =	vbroadcast v9, $0x0  }
0x24d: {  	s6 =	simm.s32 $0x9800  }
0x24e: {  	v10 =	vld [tilespmem:s6+$0x0]  }
.Ltmp44:
0x24f: {  	_ = 	snop;
	(pc) =	sbr.rel @!p0 .LBB2_53-.Ltmp44, $2  }
0x250: {  	_ =	sdelay $0x2  }
0x251: {  	v8 =	vimm.f32 $0.0e+00;
	p1 =	por $0x0, $0x0;
	p2 =	por $0x0, $0x0;
	s6 =	simm.s32 $0x9810;
	v11 =	vsub.f32 v10, v12  }
0x252: {  	_ = 	snop  }
0x253: {  	v11 =	vmul.f32 $1.428571410e+01, v11;
	_ =	sdelay $0x1  }
0x254: {  	v14 =	vmul.f32 $1.442695020e+00, v11;
	_ =	sdelay $0x1  }
0x255: {  	(erf) = vpow2.f32 v14  }
0x256: {  	v13 =	vld [tilespmem:s6+$0x0];
	p3 =	sne.s32 s11, $0x1  }
.Ltmp45:
0x257: {  	_ = 	snop;
	(pc) =	sbr.rel @!p3 .LBB2_55-.Ltmp45, $2  }
0x258: {  	_ =	sdelay $0x2  }
0x259: {  	s6 =	sadd.s32 $0xFFFFFFFF, s11;
	s7 =	simm.s32 $0x9820;
	p1 =	por $0x1, $0x1;
	v11 =	vsub.f32 v13, v12  }
0x25a: {  	_ = 	snop  }
0x25b: {  	v11 =	vmul.f32 $1.428571410e+01, v11;
	_ =	sdelay $0x1  }
0x25c: {  	v15 =	vld [tilespmem:s7+$0x0];
	p3 =	sne.s32 s6, $0x1;
	v14 =	vmul.f32 $1.442695020e+00, v11  }
.Ltmp46:
0x25d: {  	_ = 	snop;
	(pc) =	sbr.rel @!p3 .LBB2_57-.Ltmp46, $2  }
0x25e: {  	(erf) = vpow2.f32 v14;
	_ =	sdelay $0x2  }
0x25f: {  	s6 =	sadd.s32 $0xFFFFFFFF, s6;
	s26 =	simm.s32 $0x9830;
	p2 =	por $0x1, $0x1;
	v11 =	vsub.f32 v15, v12;
	v14 =	vimm.f32 $0.0e+00  }
.LBB2_58:
0x260: {  	v16 =	vld [tilespmem:s26+$0x0];
	p3 =	sne.s32 s6, $0x1;
	s6 =	sadd.s32 $0xFFFFFFFF, s6  }
.Ltmp47:
0x261: {  	v11 =	vmul.f32 $1.428571410e+01, v11;
	(pc) =	sbr.rel @p3 .LBB2_58-.Ltmp47, $4  }
0x262: {  	vm0 =	vge.f32 v10, v9;
	v10 =	vmov v13;
	v13 =	vmov v15;
	v17 =	vpop (erf)  }
0x263: {  	v18 =	vmul.f32 $1.442695020e+00, v11;
	v11 =	vnsel vm0, $0x0, v17  }
0x264: {  	v14 =	vadd.f32 v11, v14  }
0x265: {  	s26 =	sadd.s32 $0x10, s26;
	v11 =	vsub.f32 v16, v12;
	(erf) = vpow2.f32 v18;
	v15 =	vmov v16  }
0x266: {  	v16 =	vmov v10;
	v17 =	vmov v13;
	v10 =	vmov v15  }
.LBB2_60:
0x267: {  	v11 =	vmul.f32 $1.428571410e+01, v11;
	_ =	sdelay $0x1  }
0x268: {  	v11 =	vmul.f32 $1.442695020e+00, v11;
	_ =	sdelay $0x1  }
0x269: {  	(erf) = vpow2.f32 v11;
	_ =	sdelay $0x1  }
0x26a: {  	v13 =	vmov @p1 v17  }
0x26b: {  	vm0 =	vge.f32 @p2 v16, v9;
	v13 =	vpsel p1, v13, v0;
	v11 =	vpop @p2 (erf)  }
0x26c: {  	v11 =	vnsel @p2 vm0, $0x0, v11  }
0x26d: {  	v11 =	vadd.f32 @p2 v11, v14  }
0x26e: {  	vm0 =	vge.f32 @p1 v13, v9;
	v13 =	vpop @p1 (erf)  }
.Ltmp48:
0x26f: {  	v13 =	vnsel @p1 vm0, $0x0, v13;
	v11 =	vpsel p2, v11, v8;
	(pc) =	sbr.rel .LBB2_61-.Ltmp48, $4  }
0x270: {  	v11 =	vadd.f32 @p1 v13, v11  }
0x271: {  	vm15 =	vge.f32 v10, v9;
	v10 =	vpop (erf)  }
0x272: {  	v8 =	vpsel p1, v11, v8;
	v10 =	vnsel vm15, $0x0, v10  }
0x273: {  	v8 =	vadd.f32 v10, v8  }
.LBB2_51:
0x274: {  	v8 =	vimm.f32 $0.0e+00  }
.LBB2_61:
0x275: {  	_ = 	snop  }
0x276: {  	(xrf2) =	vadd.scan.msk.f32 $0xffff, v8;
	_ =	sdelay $0x4  }
0x277: {  	v10 =	vmov s1;
	p1 =	sgt.s32 s3, $0x0  }
.Ltmp49:
0x278: {  	v13 =	vadd.f32 $0.0e+00, v10;
	(pc) =	sbr.rel @!p1 .LBB2_68-.Ltmp49, $4  }
0x279: {  	v11 =	vmov s25;
	v8 =	vmov s12  }
0x27a: {  	v14 =	vadd.f32 $0.0e+00, v11;
	v8 =	vadd.f32 $0.0e+00, v8  }
0x27b: {  	v11 =	vbroadcast v13, $0x0  }
0x27c: {  	v10 =	vbroadcast v8, $0x0;
	v8 =	vbroadcast v14, $0x0;
	v13, _, _ =	vpop (xrf2)  }
0x27d: {  	v13 =	vadd.f32 $0.0e+00, v13;
	_ =	sdelay $0x1  }
0x27e: {  	v13 =	vbroadcast v13, $0xF;
	_ =	sdelay $0x1  }
0x27f: {  	v14 =	vsub.s32 $0x7EB53567, v13  }
0x280: {  	v15 =	vmul.f32 v14, v13;
	_ =	sdelay $0x1  }
0x281: {  	v15 =	vsub.f32 $2.000000000e+00, v15;
	_ =	sdelay $0x1  }
0x282: {  	v14 =	vmul.f32 v14, v15;
	_ =	sdelay $0x1  }
0x283: {  	v15 =	vmul.f32 v14, v13;
	_ =	sdelay $0x1  }
0x284: {  	v15 =	vsub.f32 $2.000000000e+00, v15;
	_ =	sdelay $0x1  }
0x285: {  	v14 =	vmul.f32 v15, v14  }
0x286: {  	p3 =	seq.s32 s3, $0x1  }
.Ltmp50:
0x287: {  	v13 =	vmul.f32 v14, v13;
	(pc) =	sbr.rel @p3 .LBB2_63-.Ltmp50, $4  }
0x288: {  	_ = 	snop  }
0x289: {  	v13 =	vsub.f32 $2.000000000e+00, v13  }
0x28a: {  	s6 =	simm.s32 $0x9800  }
0x28b: {  	s1 =	simm.s32 $0x9C80;
	p2 =	por $0x0, $0x0;
	v13 =	vmul.f32 v13, v14;
	v14 =	vld [tilespmem:s6+$0x0]  }
0x28c: {  	_ =	sdelay $0x3  }
0x28d: {  	v15 =	vsub.f32 v14, v12;
	_ =	sdelay $0x1  }
0x28e: {  	v15 =	vmul.f32 $1.428571410e+01, v15;
	_ =	sdelay $0x1  }
0x28f: {  	v15 =	vmul.f32 $1.442695020e+00, v15;
	_ =	sdelay $0x1  }
0x290: {  	(erf) = vpow2.f32 v15  }
0x291: {  	vm0 =	vge.f32 v14, v10;
	vm1 =	vge.f32 v14, v11;
	v15 =	vld [tilespmem:s1+$0x0]  }
0x292: {  	vm14 =	vge.f32 v14, v8;
	v16 =	vsel vm0, $0xFFFFFFFF, v2;
	v17 =	vsel vm1, $0xFFFFFFFF, v2  }
0x293: {  	v16 =	vadd.s32 v17, v16;
	v17 =	vsel vm14, $0xFFFFFFFF, v2  }
0x294: {  	v16 =	vadd.s32 v17, v16;
	v17 =	vmul.u32 $0x1001, v0  }
0x295: {  	v16 =	vshll.u32 v16, $0xA  }
0x296: {  	vm15 =	vge.f32 v14, v9;
	v14 =	vadd.s32 v16, v15;
	v15 =	vadd.s32 $0xC00, v17  }
0x297: {  	v14 =	vadd.s32 v15, v14  }
0x298: {  	p3 =	seq.s32 s11, $0x1  }
.Ltmp51:
0x299: {  	v16 =	vpop (erf);
	(pc) =	sbr.rel @p3 .LBB2_65-.Ltmp51, $3  }
0x29a: {  	v16 =	vmul.f32 v16, v13;
	_ =	sdelay $0x1  }
0x29b: {  	s6 =	simm.s32 $0x9810;
	[tilespmem:v14+s24+$0x0] =	vst.idx.add.f32.msk vm15, v16  }
0x29c: {  	s12 =	sadd.s32 $0xFFFFFFFF, s11;
	p2 =	por $0x1, $0x1;
	s3 =	simm.s32 $0x9C80;
	v14 =	vld [tilespmem:s6+$0x0]  }
.LBB2_66:
0x29d: {  	p3 =	seq.s32 s12, $0x1;
	_ =	sdelay $0x3  }
0x29e: {  	v16 =	vsub.f32 v14, v12;
	_ =	sdelay $0x1  }
0x29f: {  	v16 =	vmul.f32 $1.428571410e+01, v16;
	_ =	sdelay $0x1  }
0x2a0: {  	v16 =	vmul.f32 $1.442695020e+00, v16;
	_ =	sdelay $0x1  }
0x2a1: {  	s3 =	sadd.s32 $0x10, s3;
	(erf) = vpow2.f32 v16  }
0x2a2: {  	vm0 =	vge.f32 v14, v10;
	vm1 =	vge.f32 v14, v11;
	v16 =	vld [tilespmem:s3+$0x0]  }
0x2a3: {  	v17 =	vsel vm0, $0xFFFFFFFF, v2;
	v18 =	vsel vm1, $0xFFFFFFFF, v2;
	vm0 =	vge.f32 v14, v8  }
0x2a4: {  	v17 =	vadd.s32 v18, v17;
	v18 =	vsel vm0, $0xFFFFFFFF, v2  }
0x2a5: {  	v17 =	vadd.s32 v18, v17  }
0x2a6: {  	v17 =	vshll.u32 v17, $0xA  }
0x2a7: {  	vm0 =	vge.f32 v14, v9;
	v14 =	vadd.s32 v17, v16  }
0x2a8: {  	v14 =	vadd.s32 v15, v14;
	_ =	sdelay $0x1  }
.Ltmp52:
0x2a9: {  	v16 =	vpop (erf);
	(pc) =	sbr.rel @!p3 .LBB2_66-.Ltmp52, $3  }
0x2aa: {  	v16 =	vmul.f32 v16, v13;
	_ =	sdelay $0x1  }
0x2ab: {  	s6 =	sadd.s32 $0x10, s6;
	[tilespmem:v14+s24+$0x0] =	vst.idx.add.f32.msk vm0, v16  }
0x2ac: {  	s12 =	sadd.s32 $0xFFFFFFFF, s12;
	v14 =	vld [tilespmem:s6+$0x0]  }
.LBB2_67:
0x2ad: {  	_ =	sdelay $0x3  }
0x2ae: {  	v12 =	vsub.f32 v14, v12;
	_ =	sdelay $0x1  }
0x2af: {  	v12 =	vmul.f32 $1.428571410e+01, v12;
	_ =	sdelay $0x1  }
0x2b0: {  	v12 =	vmul.f32 $1.442695020e+00, v12  }
0x2b1: {  	s3 =	sadd.s32 @p2 $0x10, s3  }
0x2b2: {  	s1 =	smov.u32 @p2 s3;
	(erf) = vpow2.f32 v12  }
0x2b3: {  	v59 =	vld [tilespmem:s1+$0x0];
	vm0 =	vge.f32 v14, v10;
	vm1 =	vge.f32 v14, v11  }
0x2b4: {  	vm14 =	vge.f32 v14, v8;
	v15 =	vsel vm0, $0xFFFFFFFF, v2;
	v16 =	vsel vm1, $0xFFFFFFFF, v2  }
0x2b5: {  	v60 =	vsel vm14, $0xFFFFFFFF, v2;
	v15 =	vadd.s32 v16, v15  }
0x2b6: {  	v61 =	vmul.u32 $0x1001, v0;
	v15 =	vadd.s32 v60, v15  }
0x2b7: {  	v15 =	vshll.u32 v15, $0xA  }
0x2b8: {  	v62 =	vadd.s32 $0xC00, v61;
	vm15 =	vge.f32 v14, v9;
	v12 =	vadd.s32 v15, v59  }
0x2b9: {  	v12 =	vadd.s32 v62, v12;
	_ =	sdelay $0x1  }
0x2ba: {  	v63 =	vpop (erf)  }
0x2bb: {  	v13 =	vmul.f32 v63, v13;
	_ =	sdelay $0x1  }
0x2bc: {  	[tilespmem:v12+s24+$0x0] =	vst.idx.add.f32.msk vm15, v13  }
.LBB2_68:
0x2bd: {  	s3 =	simm.s32 $0x0  }
0x2be: {  	v12 =	vld [tilespmem:s3+$0x1890E]  }
0x2bf: {  	v13 =	vld [tilespmem:s3+$0x1910F]  }
0x2c0: {  	v14 =	vld [tilespmem:s3+$0x1790D]  }
0x2c1: {  	v15 =	vld [tilespmem:s3+$0x1810E]  }
0x2c2: {  	v16 =	vld [tilespmem:s3+$0x1690C]  }
0x2c3: {  	v17 =	vld [tilespmem:s3+$0x1710D]  }
0x2c4: {  	v18 =	vld [tilespmem:s3+$0x1590B]  }
0x2c5: {  	v19 =	vld [tilespmem:s3+$0x1610C]  }
0x2c6: {  	v20 =	vld [tilespmem:s3+$0x1490A]  }
0x2c7: {  	v21 =	vld [tilespmem:s3+$0x1510B]  }
0x2c8: {  	v22 =	vld [tilespmem:s3+$0x13909]  }
0x2c9: {  	v23 =	vld [tilespmem:s3+$0x1410A]  }
0x2ca: {  	v24 =	vld [tilespmem:s3+$0x12908]  }
0x2cb: {  	v25 =	vld [tilespmem:s3+$0x13109]  }
0x2cc: {  	v26 =	vld [tilespmem:s3+$0x11907]  }
0x2cd: {  	v27 =	vld [tilespmem:s3+$0x12108]  }
0x2ce: {  	v28 =	vld [tilespmem:s3+$0x10906]  }
0x2cf: {  	v29 =	vld [tilespmem:s3+$0x11107]  }
0x2d0: {  	v30 =	vld [tilespmem:s3+$0xF905]  }
0x2d1: {  	v31 =	vld [tilespmem:s3+$0x10106]  }
0x2d2: {  	v32 =	vld [tilespmem:s3+$0xE904]  }
0x2d3: {  	v33 =	vld [tilespmem:s3+$0xF105]  }
0x2d4: {  	v34 =	vld [tilespmem:s3+$0xD903]  }
0x2d5: {  	v35 =	vld [tilespmem:s3+$0xE104]  }
0x2d6: {  	v36 =	vld [tilespmem:s3+$0xC902]  }
0x2d7: {  	v37 =	vld [tilespmem:s3+$0xAD00]  }
0x2d8: {  	v38 =	vld [tilespmem:s3+$0xD103]  }
0x2d9: {  	v39 =	vld [tilespmem:s3+$0xA900]  }
0x2da: {  	v40 =	vld [tilespmem:s3+$0xC102]  }
0x2db: {  	s1 =	simm.s32 $0x40;
	v41 =	vld [tilespmem:s3+$0xA100]  }
.LBB2_69:
0x2dc: {  	p2 =	seq.s32 s1, $0xFC0;
	v42 =	vld [tilespmem:s3+$0xB101]  }
0x2dd: {  	v43 =	vld [tilespmem:s3+$0xA500]  }
0x2de: {  	v44 =	vld [tilespmem:s3+$0xB501]  }
0x2df: {  	v45 =	vld [tilespmem:s3+$0xB901]  }
0x2e0: {  	v46 =	vld [tilespmem:s3+$0xC502]  }
0x2e1: {  	v41 =	vadd.f32 v42, v41;
	v42 =	vld [tilespmem:s3+$0xBD01]  }
0x2e2: {  	v47 =	vld [tilespmem:s3+$0xD503]  }
0x2e3: {  	v40 =	vadd.f32 v40, v41;
	v41 =	vadd.f32 v44, v43;
	v43 =	vld [tilespmem:s3+$0xCD02]  }
0x2e4: {  	v44 =	vld [tilespmem:s3+$0xE504];
	v39 =	vadd.f32 v45, v39  }
0x2e5: {  	v38 =	vadd.f32 v38, v40;
	v40 =	vadd.f32 v46, v41;
	v41 =	vld [tilespmem:s3+$0xDD03]  }
0x2e6: {  	v45 =	vld [tilespmem:s3+$0xF505];
	v36 =	vadd.f32 v36, v39;
	v37 =	vadd.f32 v42, v37  }
0x2e7: {  	v35 =	vadd.f32 v35, v38;
	v38 =	vadd.f32 v47, v40;
	v39 =	vld [tilespmem:s3+$0xED04]  }
0x2e8: {  	v40 =	vld [tilespmem:s3+$0x10506];
	v34 =	vadd.f32 v34, v36;
	v36 =	vadd.f32 v43, v37  }
0x2e9: {  	v33 =	vadd.f32 v33, v35;
	v35 =	vadd.f32 v44, v38;
	v37 =	vld [tilespmem:s3+$0xFD05]  }
0x2ea: {  	v38 =	vld [tilespmem:s3+$0x11507];
	v32 =	vadd.f32 v32, v34;
	v34 =	vadd.f32 v41, v36  }
0x2eb: {  	v31 =	vadd.f32 v31, v33;
	v33 =	vadd.f32 v45, v35;
	v35 =	vld [tilespmem:s3+$0x10D06]  }
0x2ec: {  	v36 =	vld [tilespmem:s3+$0x12508];
	v30 =	vadd.f32 v30, v32;
	v32 =	vadd.f32 v39, v34  }
0x2ed: {  	v29 =	vadd.f32 v29, v31;
	v31 =	vadd.f32 v40, v33;
	v33 =	vld [tilespmem:s3+$0x11D07]  }
0x2ee: {  	v34 =	vld [tilespmem:s3+$0x13509];
	v28 =	vadd.f32 v28, v30;
	v30 =	vadd.f32 v37, v32  }
0x2ef: {  	v27 =	vadd.f32 v27, v29;
	v29 =	vadd.f32 v38, v31;
	v31 =	vld [tilespmem:s3+$0x12D08]  }
0x2f0: {  	v32 =	vld [tilespmem:s3+$0x1450A];
	v26 =	vadd.f32 v26, v28;
	v28 =	vadd.f32 v35, v30  }
0x2f1: {  	v25 =	vadd.f32 v25, v27;
	v27 =	vadd.f32 v36, v29;
	v29 =	vld [tilespmem:s3+$0x13D09]  }
0x2f2: {  	v30 =	vld [tilespmem:s3+$0x1550B];
	v24 =	vadd.f32 v24, v26;
	v26 =	vadd.f32 v33, v28  }
0x2f3: {  	v23 =	vadd.f32 v23, v25;
	v25 =	vadd.f32 v34, v27;
	v27 =	vld [tilespmem:s3+$0x14D0A]  }
0x2f4: {  	v28 =	vld [tilespmem:s3+$0x1650C];
	v22 =	vadd.f32 v22, v24;
	v24 =	vadd.f32 v31, v26  }
0x2f5: {  	v21 =	vadd.f32 v21, v23;
	v23 =	vadd.f32 v32, v25;
	v25 =	vld [tilespmem:s3+$0x15D0B]  }
0x2f6: {  	v26 =	vld [tilespmem:s3+$0x1750D];
	v20 =	vadd.f32 v20, v22;
	v22 =	vadd.f32 v29, v24  }
0x2f7: {  	v19 =	vadd.f32 v19, v21;
	v21 =	vadd.f32 v30, v23;
	v23 =	vld [tilespmem:s3+$0x16D0C]  }
0x2f8: {  	v24 =	vld [tilespmem:s3+$0x1850E];
	v18 =	vadd.f32 v18, v20;
	v20 =	vadd.f32 v27, v22  }
0x2f9: {  	v17 =	vadd.f32 v17, v19;
	v19 =	vadd.f32 v28, v21;
	v21 =	vld [tilespmem:s3+$0x17D0D]  }
0x2fa: {  	v22 =	vld [tilespmem:s3+$0x1950F];
	v16 =	vadd.f32 v16, v18;
	v18 =	vadd.f32 v25, v20  }
0x2fb: {  	v15 =	vadd.f32 v15, v17;
	v17 =	vadd.f32 v26, v19;
	v19 =	vld [tilespmem:s3+$0x18D0E]  }
0x2fc: {  	v14 =	vadd.f32 v14, v16;
	v16 =	vld [tilespmem:s3+$0x1990F];
	v18 =	vadd.f32 v23, v18  }
0x2fd: {  	s6 =	sshra.s32 s1, $0x2;
	v15 =	vadd.f32 v13, v15;
	v17 =	vadd.f32 v24, v17;
	v20 =	vld [tilespmem:s3+$0x19D0F]  }
0x2fe: {  	v23 =	vadd.f32 v12, v14;
	v12 =	vld [tilespmem:s6+$0x1890E];
	v18 =	vadd.f32 v21, v18  }
0x2ff: {  	v13 =	vld [tilespmem:s6+$0x1910F];
	v21 =	vadd.f32 $0.0e+00, v15;
	v17 =	vadd.f32 v22, v17  }
0x300: {  	v14 =	vld [tilespmem:s6+$0x1790D];
	v18 =	vadd.f32 v19, v18  }
0x301: {  	v15 =	vld [tilespmem:s6+$0x1810E];
	[tilespmem:s3+$0x1A180] =	vst v21;
	v19 =	vadd.f32 v17, v21;
	v21 =	vadd.f32 v16, v23  }
0x302: {  	v16 =	vld [tilespmem:s6+$0x1690C]  }
0x303: {  	v20 =	vadd.f32 v20, v18;
	v17 =	vld [tilespmem:s6+$0x1710D];
	[tilespmem:s3+$0x1A580] =	vst v19;
	v21 =	vadd.f32 v21, v19  }
0x304: {  	v18 =	vld [tilespmem:s6+$0x1590B]  }
0x305: {  	v19 =	vld [tilespmem:s6+$0x1610C];
	[tilespmem:s3+$0x1A980] =	vst v21;
	v22 =	vadd.f32 v20, v21  }
0x306: {  	v20 =	vld [tilespmem:s6+$0x1490A]  }
0x307: {  	v21 =	vld [tilespmem:s6+$0x1510B];
	[tilespmem:s3+$0x1AD80] =	vst v22;
	s3 =	smov.u32 s6  }
0x308: {  	v22 =	vld [tilespmem:s3+$0x13909]  }
0x309: {  	v23 =	vld [tilespmem:s3+$0x1410A]  }
0x30a: {  	v24 =	vld [tilespmem:s3+$0x12908]  }
0x30b: {  	v25 =	vld [tilespmem:s3+$0x13109]  }
0x30c: {  	v26 =	vld [tilespmem:s3+$0x11907]  }
0x30d: {  	v27 =	vld [tilespmem:s3+$0x12108]  }
0x30e: {  	v28 =	vld [tilespmem:s3+$0x10906]  }
0x30f: {  	v29 =	vld [tilespmem:s3+$0x11107]  }
0x310: {  	v30 =	vld [tilespmem:s3+$0xF905]  }
0x311: {  	v31 =	vld [tilespmem:s3+$0x10106]  }
0x312: {  	v32 =	vld [tilespmem:s3+$0xE904]  }
0x313: {  	v33 =	vld [tilespmem:s3+$0xF105]  }
0x314: {  	v34 =	vld [tilespmem:s3+$0xD903]  }
0x315: {  	v35 =	vld [tilespmem:s3+$0xE104]  }
0x316: {  	v36 =	vld [tilespmem:s3+$0xC902]  }
.Ltmp53:
0x317: {  	v37 =	vld [tilespmem:s3+$0xAD00];
	(pc) =	sbr.rel @!p2 .LBB2_69-.Ltmp53, $4  }
0x318: {  	v38 =	vld [tilespmem:s3+$0xD103]  }
0x319: {  	v39 =	vld [tilespmem:s3+$0xA900]  }
0x31a: {  	v40 =	vld [tilespmem:s3+$0xC102]  }
0x31b: {  	s1 =	sadd.s32 $0x40, s1;
	v41 =	vld [tilespmem:s3+$0xA100]  }
0x31c: {  	v42 =	vld [tilespmem:s3+$0xB101]  }
0x31d: {  	v43 =	vld [tilespmem:s3+$0xA500]  }
0x31e: {  	v44 =	vld [tilespmem:s3+$0xB501]  }
0x31f: {  	v45 =	vld [tilespmem:s3+$0xB901]  }
0x320: {  	v46 =	vld [tilespmem:s3+$0xC502]  }
0x321: {  	v56 =	vld [tilespmem:s3+$0xBD01];
	v41 =	vadd.f32 v42, v41  }
0x322: {  	v47 =	vld [tilespmem:s3+$0xD503]  }
0x323: {  	v58 =	vld [tilespmem:s3+$0xCD02];
	v57 =	vadd.f32 v44, v43;
	v40 =	vadd.f32 v40, v41  }
0x324: {  	v59 =	vld [tilespmem:s3+$0xE504];
	v39 =	vadd.f32 v45, v39  }
0x325: {  	v61 =	vld [tilespmem:s3+$0xDD03];
	v60 =	vadd.f32 v46, v57;
	v38 =	vadd.f32 v38, v40  }
0x326: {  	v62 =	vld [tilespmem:s3+$0xF505];
	v37 =	vadd.f32 v56, v37;
	v36 =	vadd.f32 v36, v39  }
0x327: {  	v46 =	vld [tilespmem:s3+$0xED04];
	v63 =	vadd.f32 v47, v60;
	v35 =	vadd.f32 v35, v38  }
0x328: {  	v48 =	vadd.f32 v58, v37;
	v47 =	vld [tilespmem:s3+$0x10506];
	v34 =	vadd.f32 v34, v36  }
0x329: {  	v50 =	vld [tilespmem:s3+$0xFD05];
	v49 =	vadd.f32 v59, v63;
	v33 =	vadd.f32 v33, v35  }
0x32a: {  	v51 =	vld [tilespmem:s3+$0x11507];
	v52 =	vadd.f32 v61, v48;
	v32 =	vadd.f32 v32, v34  }
0x32b: {  	v54 =	vld [tilespmem:s3+$0x10D06];
	v53 =	vadd.f32 v62, v49;
	v31 =	vadd.f32 v31, v33  }
0x32c: {  	v55 =	vld [tilespmem:s3+$0x12508];
	v56 =	vadd.f32 v46, v52;
	v30 =	vadd.f32 v30, v32  }
0x32d: {  	v58 =	vld [tilespmem:s3+$0x11D07];
	v57 =	vadd.f32 v47, v53;
	v29 =	vadd.f32 v29, v31  }
0x32e: {  	v59 =	vld [tilespmem:s3+$0x13509];
	v60 =	vadd.f32 v50, v56;
	v28 =	vadd.f32 v28, v30  }
0x32f: {  	v62 =	vld [tilespmem:s3+$0x12D08];
	v61 =	vadd.f32 v51, v57;
	v27 =	vadd.f32 v27, v29  }
0x330: {  	v63 =	vld [tilespmem:s3+$0x1450A];
	v35 =	vadd.f32 v54, v60;
	v26 =	vadd.f32 v26, v28  }
0x331: {  	v38 =	vld [tilespmem:s3+$0x13D09];
	v37 =	vadd.f32 v55, v61;
	v25 =	vadd.f32 v25, v27  }
0x332: {  	v39 =	vld [tilespmem:s3+$0x1550B];
	v40 =	vadd.f32 v58, v35;
	v24 =	vadd.f32 v24, v26  }
0x333: {  	v42 =	vld [tilespmem:s3+$0x14D0A];
	v41 =	vadd.f32 v59, v37;
	v23 =	vadd.f32 v23, v25  }
0x334: {  	v43 =	vld [tilespmem:s3+$0x1650C];
	v44 =	vadd.f32 v62, v40;
	v22 =	vadd.f32 v22, v24  }
0x335: {  	v46 =	vld [tilespmem:s3+$0x15D0B];
	v45 =	vadd.f32 v63, v41;
	v21 =	vadd.f32 v21, v23  }
0x336: {  	v47 =	vld [tilespmem:s3+$0x1750D];
	v48 =	vadd.f32 v38, v44;
	v20 =	vadd.f32 v20, v22  }
0x337: {  	v50 =	vld [tilespmem:s3+$0x16D0C];
	v49 =	vadd.f32 v39, v45;
	v19 =	vadd.f32 v19, v21  }
0x338: {  	v51 =	vld [tilespmem:s3+$0x1850E];
	v52 =	vadd.f32 v42, v48;
	v18 =	vadd.f32 v18, v20  }
0x339: {  	v54 =	vld [tilespmem:s3+$0x17D0D];
	v53 =	vadd.f32 v43, v49;
	v17 =	vadd.f32 v17, v19  }
0x33a: {  	v55 =	vld [tilespmem:s3+$0x1950F];
	v56 =	vadd.f32 v46, v52;
	v16 =	vadd.f32 v16, v18  }
0x33b: {  	v58 =	vld [tilespmem:s3+$0x18D0E];
	v57 =	vadd.f32 v47, v53;
	v15 =	vadd.f32 v15, v17  }
0x33c: {  	v59 =	vld [tilespmem:s3+$0x1990F];
	v18 =	vadd.f32 v50, v56;
	v14 =	vadd.f32 v14, v16  }
0x33d: {  	v60 =	vadd.f32 v51, v57;
	v13 =	vadd.f32 v13, v15  }
0x33e: {  	v61 =	vld [tilespmem:s3+$0x19D0F];
	v62 =	vadd.f32 v54, v18;
	v12 =	vadd.f32 v12, v14  }
0x33f: {  	v15 =	vadd.f32 v55, v60;
	v13 =	vadd.f32 $0.0e+00, v13  }
0x340: {  	v14 =	vadd.f32 v58, v62  }
0x341: {  	v12 =	vadd.f32 v59, v12;
	v15 =	vadd.f32 v15, v13;
	_ =	sdelay $0x1  }
.Ltmp54:
0x342: {  	v14 =	vadd.f32 v61, v14;
	v12 =	vadd.f32 v12, v15;
	(pc) =	sbr.rel @!p1 .LBB2_77-.Ltmp54, $4  }
0x343: {  	[tilespmem:s3+$0x1A180] =	vst v13  }
0x344: {  	[tilespmem:s3+$0x1A580] =	vst v15;
	v63 =	vadd.f32 v14, v12  }
0x345: {  	[tilespmem:s3+$0x1A980] =	vst v12  }
0x346: {  	[tilespmem:s3+$0x1AD80] =	vst v63  }
.Ltmp55:
0x347: {  	(pc) =	sbr.rel @!p0 .LBB2_72-.Ltmp55, $3  }
0x348: {  	s3 =	simm.s32 $0x9800  }
0x349: {  	v12 =	vld [tilespmem:s3+$0x0];
	_ =	sdelay $0x1  }
0x34a: {  	s1 =	simm.s32 $0x9C80;
	p1 =	por $0x0, $0x0  }
0x34b: {  	_ =	sdelay $0x1  }
0x34c: {  	v13 =	vld [tilespmem:s1+$0x0];
	vm0 =	vge.f32 v12, v10;
	vm1 =	vge.f32 v12, v11  }
0x34d: {  	vm14 =	vge.f32 v12, v8;
	v14 =	vsel vm0, $0xFFFFFFFF, v2;
	v15 =	vsel vm1, $0xFFFFFFFF, v2  }
0x34e: {  	v14 =	vadd.s32 v15, v14;
	v15 =	vsel vm14, $0xFFFFFFFF, v2  }
0x34f: {  	v14 =	vadd.s32 v15, v14;
	v15 =	vmul.u32 $0x1001, v0  }
0x350: {  	v14 =	vshll.u32 v14, $0xA  }
0x351: {  	vm15 =	vge.f32 v12, v9;
	v12 =	vadd.s32 v14, v13;
	v13 =	vadd.s32 $0xC00, v15  }
0x352: {  	v12 =	vadd.s32 v13, v12;
	_ =	sdelay $0x2  }
0x353: {  	p0 =	sne.s32 s11, $0x1  }
.Ltmp56:
0x354: {  	_ = 	snop;
	(pc) =	sbr.rel @!p0 .LBB2_74-.Ltmp56, $3  }
0x355: {  	s6 =	simm.s32 $0x9810;
	[tilespmem:v12+s24+$0x0] =	vst.idx.msk vm15, v1  }
0x356: {  	v12 =	vld [tilespmem:s6+$0x0];
	_ =	sdelay $0x1  }
0x357: {  	s11 =	sadd.s32 $0xFFFFFFFF, s11;
	p1 =	por $0x1, $0x1;
	s3 =	simm.s32 $0x9C80  }
.LBB2_75:
0x358: {  	p0 =	sne.s32 s11, $0x1;
	_ =	sdelay $0x2  }
0x359: {  	s3 =	sadd.s32 $0x10, s3  }
0x35a: {  	vm0 =	vge.f32 v12, v10;
	vm1 =	vge.f32 v12, v11;
	v14 =	vld [tilespmem:s3+$0x0]  }
0x35b: {  	v15 =	vsel vm0, $0xFFFFFFFF, v2;
	v16 =	vsel vm1, $0xFFFFFFFF, v2;
	vm0 =	vge.f32 v12, v8  }
0x35c: {  	v15 =	vadd.s32 v16, v15;
	v16 =	vsel vm0, $0xFFFFFFFF, v2  }
0x35d: {  	v15 =	vadd.s32 v16, v15  }
0x35e: {  	v15 =	vshll.u32 v15, $0xA  }
0x35f: {  	vm0 =	vge.f32 v12, v9;
	v12 =	vadd.s32 v15, v14  }
0x360: {  	v12 =	vadd.s32 v13, v12;
	_ =	sdelay $0x1  }
.Ltmp57:
0x361: {  	(pc) =	sbr.rel @p0 .LBB2_75-.Ltmp57, $3  }
0x362: {  	_ =	sdelay $0x1  }
0x363: {  	s6 =	sadd.s32 $0x10, s6;
	[tilespmem:v12+s24+$0x0] =	vst.idx.msk vm0, v1  }
0x364: {  	s11 =	sadd.s32 $0xFFFFFFFF, s11;
	v12 =	vld [tilespmem:s6+$0x0]  }
.Ltmp58:
0x365: {  	_ = 	snop;
	(pc) =	sbr.rel .LBB2_76-.Ltmp58, $1  }
0x366: {  	_ =	sdelay $0x3  }
.LBB2_53:
.Ltmp59:
0x367: {  	(pc) =	sbr.rel .LBB2_60-.Ltmp59, $2  }
0x368: {  	_ =	sdelay $0x2  }
0x369: {  	v14 =	vimm.f32 $0.0e+00  }
.LBB2_63:
.Ltmp60:
0x36a: {  	(pc) =	sbr.rel .LBB2_67-.Ltmp60, $2  }
0x36b: {  	_ =	sdelay $0x2  }
0x36c: {  	s3 =	simm.s32 $0x9C80  }
.LBB2_55:
.Ltmp61:
0x36d: {  	(pc) =	sbr.rel .LBB2_60-.Ltmp61, $2  }
0x36e: {  	_ =	sdelay $0x2  }
0x36f: {  	v17 =	vmov v10;
	v10 =	vmov v13;
	v14 =	vimm.f32 $0.0e+00  }
.LBB2_65:
.Ltmp62:
0x370: {  	(pc) =	sbr.rel .LBB2_67-.Ltmp62, $2  }
0x371: {  	_ =	sdelay $0x2  }
0x372: {  	s3 =	simm.s32 $0x9C80  }
.LBB2_74:
.Ltmp63:
0x373: {  	(pc) =	sbr.rel .LBB2_76-.Ltmp63, $2  }
0x374: {  	_ =	sdelay $0x2  }
0x375: {  	s3 =	simm.s32 $0x9C80  }
.LBB2_57:
.Ltmp64:
0x376: {  	(pc) =	sbr.rel .LBB2_60-.Ltmp64, $2  }
0x377: {  	_ =	sdelay $0x2  }
0x378: {  	v16 =	vmovc v10;
	v17 =	vmov v13;
	v10 =	vmov v15;
	v14 =	vimm.f32 $0.0e+00  }
.LBB2_79:
0x379: {  	_ =	sfence.sel $0x180000  }
0x37a: {  	[bflag:$0x0] =	sbarrier.arrive $0xFFFF  }
0x37b: {  	_ =	strace $0x90000047  }
0x37c: {  	s0 =	stileid.u32;
	[bflag:$0x2] =	sbarrier.arrive $0xFFFF  }
0x37d: {  	p0 =	sne.s32 s0, $0x0;
	s0 =	rddreg [dreg:$0x3]  }
0x37e: {  	s0 =	sadd.s32 @!p0 $0x100000, s0  }
0x37f: {  	[sflag:s0] =	ssyncadd.tile.s32 @!p0 $0x1;
	_ =	shalt  }
.Lfunc_end2:
_tile_overlayer_lowered:
.L_overlay_start_2:
0x380: {  	(tag) =	ssettag $0x2  }
0x381: {  	s0 =	rddreg [dreg:$0x0];
	s2 =	stileid.u32  }
0x382: {  	s1 =	rddreg [dreg:$0x1];
	p0 =	sne.s32 s2, $0x0  }
0x383: {  	s3 =	rddreg [dreg:$0x2];
	[bflag:$0x3] =	sbarrier.arrive $0xFFFF;
	s2 =	simm.s32 @!p0 $0x1C02  }
0x384: {  	[timem:s3], [sflag:s2] =	dma.local @!p0 [hbm:s0], s1  }
0x385: {  	s0 =	simm.s32 @!p0 $0x2  }
0x386: {  	_ =	swait.ge @!p0 [sflag:s0], s1  }
0x387: {  	s1 =	ssub.s32 @!p0 $0x0, s1;
	[sflag:s0] =	ssyncset.done @!p0 $0x0  }
0x388: {  	[sflag:s0] =	ssyncadd.s32 @!p0 s1  }
0x389: {  	[bflag:$0x3] =	sbarrier.arrive $0xFFFF  }
0x38a: {  	_ =	shalt  }

</sc_bundles>
